<compile_context>
chip_gen: v7x
topology: tpu7x:2x2x1
jax: 0.10.2.dev20260603
libtpu: 0.0.44.dev20260713+nightly
codegen_flags: <defaults>
</compile_context>

<pallas_src>
import functools

import jax
import jax.numpy as jnp
import numpy as np
from jax import lax
from jax.experimental import pallas as pl
from jax.experimental.pallas import tpu as pltpu
from jax.experimental.pallas import tpu_sc as plsc

_PROB = 0.1


@functools.cache
def _make_format_kernel(V, D):
    info = plsc.get_sparse_core_info()
    NC, NS, L = info.num_cores, info.num_subcores, info.num_lanes
    NW = NC * NS
    assert D == 64 and L == 16
    NT = V // 128
    ntail = V - NT * 128
    base_n = NT // NW
    extra = NT - base_n * NW
    mesh = plsc.VectorSubcoreMesh(core_axis_name="c", subcore_axis_name="s")

    @functools.partial(
        pl.kernel,
        mesh=mesh,
        out_type=jax.ShapeDtypeStruct((V // 2 + ntail // 2, 2 * D),
                                      jnp.float32),
        scratch_types=[
            pltpu.VMEM((D, 128), jnp.float32),
            pltpu.VMEM((D, 128), jnp.float32),
            pltpu.VMEM((D, 128), jnp.float32),
            pltpu.VMEM((D, 128), jnp.float32),
            pltpu.VMEM((128,), jnp.float32),
            pltpu.VMEM((128,), jnp.float32),
            pltpu.SemaphoreType.DMA,
            pltpu.SemaphoreType.DMA,
            pltpu.SemaphoreType.DMA,
        ],
        compiler_params=pltpu.CompilerParams(
            use_tc_tiling_on_sc=True, needs_layout_passes=False),
    )
    def k(wt_hbm, keep_hbm, tail_hbm, w2_hbm,
          in0, in1, ob0, ob1, kv0, kv1, sem0, sem1, sem_o):
        wid = lax.axis_index("s") * NC + lax.axis_index("c")
        n_j = base_n + jnp.where(wid < extra, 1, 0)
        ins = (in0, in1)
        obs = (ob0, ob1)
        kvs = (kv0, kv1)
        sems = (sem0, sem1)

        iota = lax.iota(jnp.int32, L)

        def vt_of(j):
            return j * NW + wid

        def fire(j, b):
            c = vt_of(j) * 128
            pltpu.async_copy(wt_hbm.at[:, pl.ds(c, 128)], ins[b], sems[b])
            pltpu.async_copy(keep_hbm.at[pl.ds(c, 128)], kvs[b], sems[b])

        def drain_out():
            pltpu.make_async_copy(
                ob0, w2_hbm.at[pl.ds(0, 64)], sem_o).wait()

        def transpose_scale(src, kv, dst, width):
            ng = width // L
            k16s = [kv[pl.ds(g * L, L)] for g in range(ng)]

            def dbody(dd, carry):
                cnt = jnp.bitwise_xor(iota, dd)
                for g in range(ng):
                    row16 = iota + g * L
                    wr16 = jnp.right_shift(row16, 1)
                    par64 = jnp.bitwise_and(row16, 1) * D
                    r16 = plsc.load_gather(src, [cnt, row16])
                    plsc.store_scatter(dst, [wr16, par64 + cnt],
                                       r16 * k16s[g])
                return carry

            lax.fori_loop(0, D, dbody, 0, unroll=2)

        def body(j, b):
            @pl.when(j + 1 < n_j)
            def _():
                fire(j + 1, 1 - b)

            pltpu.make_async_copy(
                wt_hbm.at[:, pl.ds(0, 128)], ins[b], sems[b]).wait()
            pltpu.make_async_copy(
                keep_hbm.at[pl.ds(0, 128)], kvs[b], sems[b]).wait()

            @pl.when(j >= 2)
            def _():
                drain_out()

            transpose_scale(ins[b], kvs[b], obs[b], 128)
            pltpu.async_copy(obs[b], w2_hbm.at[pl.ds(vt_of(j) * 64, 64)],
                             sem_o)

        fire(0, 0)

        def pair(t, carry):
            body(2 * t, 0)
            body(2 * t + 1, 1)
            return carry

        assert base_n % 2 == 0
        lax.fori_loop(0, base_n // 2, pair, 0)
        drain_out()
        drain_out()

        @pl.when(wid < extra)
        def _():
            b = base_n % 2
            pltpu.make_async_copy(
                wt_hbm.at[:, pl.ds(0, 128)], ins[b], sems[b]).wait()
            pltpu.make_async_copy(
                keep_hbm.at[pl.ds(0, 128)], kvs[b], sems[b]).wait()
            transpose_scale(ins[b], kvs[b], obs[b], 128)
            pltpu.sync_copy(obs[b], w2_hbm.at[pl.ds(vt_of(base_n) * 64, 64)])

        @pl.when(wid == 0)
        def _():
            pltpu.sync_copy(tail_hbm, ob0.at[pl.ds(0, ntail // 2)])
            pltpu.sync_copy(ob0.at[pl.ds(0, ntail // 2)],
                            w2_hbm.at[pl.ds(NT * 64, ntail // 2)])

    return k


@functools.cache
def _make_gather_kernel(V, D, B, H):
    info = plsc.get_sparse_core_info()
    NC, NS, L = info.num_cores, info.num_subcores, info.num_lanes
    NW = NC * NS
    assert D == 64 and L == 16 and B % (128 * NW) == 0 and H % 2 == 0
    n_b = B // NW
    n_i = n_b * H
    mesh = plsc.VectorSubcoreMesh(core_axis_name="c", subcore_axis_name="s")

    @functools.partial(
        pl.kernel,
        mesh=mesh,
        out_type=jax.ShapeDtypeStruct((H, D, B), jnp.float32),
        scratch_types=[
            pltpu.VMEM((n_i,), jnp.int32),
            pltpu.VMEM((n_b, 2 * D), jnp.float32),
            pltpu.VMEM((n_b, 2 * D), jnp.float32),
            pltpu.VMEM((D, n_b), jnp.float32),
            pltpu.VMEM((D, n_b), jnp.float32),
            pltpu.VMEM((n_b,), jnp.int32),
            pltpu.VMEM((n_b,), jnp.int32),
            pltpu.VMEM((n_b,), jnp.int32),
            pltpu.VMEM((n_b,), jnp.int32),
            pltpu.SemaphoreType.DMA,
            pltpu.SemaphoreType.DMA,
            pltpu.SemaphoreType.DMA,
        ],
        compiler_params=pltpu.CompilerParams(
            use_tc_tiling_on_sc=True, needs_layout_passes=False),
    )
    def k(w2_hbm, idx_hbm, out_hbm,
          idx_all, rows0, rows1, ot0, ot1, iw0, iw1, po0, po1,
          sem0, sem1, sem_o):
        wid = lax.axis_index("s") * NC + lax.axis_index("c")
        pltpu.sync_copy(idx_hbm.at[pl.ds(wid * n_i, n_i)], idx_all)
        rows = (rows0, rows1)
        ots = (ot0, ot1)
        iws = (iw0, iw1)
        pos = (po0, po1)
        sems = (sem0, sem1)

        iota = lax.iota(jnp.int32, L)
        iotaH = iota * H

        def build(h, b):
            for g in range(n_b // L):
                voff = iotaH + (g * L * H + h)
                vo = plsc.load_gather(idx_all, [voff])
                iws[b][pl.ds(g * L, L)] = jnp.right_shift(vo, 1)
                pos[b][pl.ds(g * L, L)] = jnp.bitwise_and(vo, 1) * D

        def fire(b):
            pltpu.async_copy(w2_hbm.at[iws[b]], rows[b], sems[b])

        def compute(h, b):
            rv, ov = rows[b], ots[b]
            ng = n_b // L
            p16s = [pos[b][pl.ds(g * L, L)] for g in range(ng)]

            def dbody(dd, carry):
                cnt = jnp.bitwise_xor(iota, dd)
                for g in range(ng):
                    row16 = iota + g * L
                    r16 = plsc.load_gather(rv, [row16, p16s[g] + cnt])
                    plsc.store_scatter(ov, [cnt, row16], r16)
                return carry

            @pl.when(h >= 2)
            def _():
                pltpu.make_async_copy(
                    ot0, out_hbm.at[0, :, pl.ds(0, n_b)], sem_o).wait()

            lax.fori_loop(0, D, dbody, 0, unroll=2)
            pltpu.async_copy(ov, out_hbm.at[h, :, pl.ds(wid * n_b, n_b)],
                             sem_o)

        build(0, 0)
        fire(0)

        def half(h, b):
            @pl.when(h + 1 < H)
            def _():
                build(h + 1, 1 - b)
                fire(1 - b)

            pltpu.make_async_copy(
                w2_hbm.at[pl.ds(0, n_b)], rows[b], sems[b]).wait()
            compute(h, b)

        def pair(t, carry):
            half(2 * t, 0)
            half(2 * t + 1, 1)
            return carry

        lax.fori_loop(0, H // 2, pair, 0)
        for _ in range(2):
            pltpu.make_async_copy(
                ot0, out_hbm.at[0, :, pl.ds(0, n_b)], sem_o).wait()

    return k


def kernel(x, W):
    B, H = x.shape
    V, D = W.shape
    keep = jax.random.bernoulli(
        jax.random.key(42), 1.0 - _PROB, (V, 1)
    ).astype(W.dtype) / (1.0 - _PROB)
    keep = keep.reshape(V)
    idx = x.reshape(B * H).astype(jnp.int32)
    ntail = V - V // 128 * 128
    tail = (W[V - ntail:] * keep[V - ntail:, None]).reshape(ntail // 2, 2 * D)
    w2 = _make_format_kernel(V, D)(W.T, keep, tail)
    out3 = _make_gather_kernel(V, D, B, H)(w2, idx)
    return jnp.transpose(out3, (2, 0, 1))

# --- scband reference (transcript-rebuilt; emitter-appended) ---
"""Pipeline reference for scband-embedding-dropout-70592082477707 (READ-ONLY COPY).

The authoritative reference and input builder live on the scoring server;
editing this copy changes nothing except your own understanding.
"""

import jax, jax.numpy as jnp
import numpy as np

VOCAB = 1000000
DIM = 64
PROB = 0.1
BATCH = 4096
HIST = 200


def setup_inputs(seed: int = 0) -> dict:
    key = jax.random.key(seed)
    k1, k2 = jax.random.split(key)
    x = jax.random.randint(k1, (BATCH, HIST), 0, VOCAB, dtype=jnp.int32).astype(jnp.int64)
    W = jax.random.normal(k2, (VOCAB, DIM), dtype=jnp.float32)
    return {"x": x, "W": W}


def reference(x, W):
    # EmbeddingDropout.forward in training mode:
    # 1) build a per-row bernoulli keep mask of shape (vocab, 1), scaled by 1/(1-p)
    # 2) mask the embedding table
    # 3) gather rows via F.embedding (padding_idx only affects backward)
    mask_key = jax.random.key(42)
    keep = jax.random.bernoulli(mask_key, 1.0 - PROB, (VOCAB, 1)).astype(W.dtype) / (1.0 - PROB)
    masked_emb = W * keep
    out = jnp.take(masked_emb, x, axis=0)
    return out

if __name__ == "__main__":
    import jax
    _d = setup_inputs()
    print(jax.jit(kernel)(*tuple(_d.values())))

</pallas_src>

<mosaic_0001>
#map = affine_map<(d0, d1) -> (0, 0)>
#map1 = affine_map<(d0, d1) -> (0)>
module attributes {stable_mosaic.version = 14 : i64} {
  func.func @k(%arg0: i32, %arg1: i32, %arg2: memref<64x1000000xf32, #tpu.memory_space<hbm>>, %arg3: memref<1000000xf32, #tpu.memory_space<hbm>>, %arg4: memref<32x128xf32, #tpu.memory_space<hbm>>, %arg5: memref<500032x128xf32, #tpu.memory_space<hbm>>, %arg6: memref<64x128xf32, #tpu.memory_space<vmem>>, %arg7: memref<64x128xf32, #tpu.memory_space<vmem>>, %arg8: memref<64x128xf32, #tpu.memory_space<vmem>>, %arg9: memref<64x128xf32, #tpu.memory_space<vmem>>, %arg10: memref<128xf32, #tpu.memory_space<vmem>>, %arg11: memref<128xf32, #tpu.memory_space<vmem>>, %arg12: memref<!tpu.dma_semaphore, #tpu.memory_space<semaphore_mem>>, %arg13: memref<!tpu.dma_semaphore, #tpu.memory_space<semaphore_mem>>, %arg14: memref<!tpu.dma_semaphore, #tpu.memory_space<semaphore_mem>>) attributes {dimension_semantics = [#tpu.dimension_semantics<core_parallel>, #tpu.dimension_semantics<subcore_parallel>], iteration_bounds = array<i64: 2, 16>, scalar_prefetch = 0 : i64, scratch_operands = 9 : i64, tpu.core_type = #tpu.core_type<sc_vector_subcore>, window_params = [{transform_indices = #map}, {transform_indices = #map1}, {transform_indices = #map}, {transform_indices = #map}]} {
    %mul3A = arith.constant 2 : i32
    %mul3A_0 = arith.muli %arg1, %mul3A : i32
    %add3A = arith.addi %mul3A_0, %arg0 : i32
    %lt3A = arith.constant 4 : i32
    %lt3A_1 = arith.cmpi slt, %add3A, %lt3A : i32
    %jit3A = arith.constant 1 : i32
    %jit3A_2 = arith.constant 0 : i32
    %select_n3A = arith.select %lt3A_1, %jit3A, %jit3A_2 : i32
    %add3A_3 = arith.constant 244 : i32
    %add3A_4 = arith.addi %add3A_3, %select_n3A : i32
    %iota3A = tpu.iota {dimensions = array<i32: 0>} : vector<16xi32>
    %add3A_5 = arith.constant 0 : i32
    %add3A_6 = arith.addi %add3A_5, %add3A : i32
    %mul3A_7 = arith.constant 128 : i32
    %mul3A_8 = arith.muli %add3A_6, %mul3A_7 : i32
    %dma_start3A = arith.constant 0 : i32
    %dma_start3A_9 = tpu.memref_slice %arg2[%dma_start3A, %mul3A_8] : memref<64x1000000xf32, #tpu.memory_space<hbm>> -> memref<64x128xf32, #tpu.memory_space<hbm>>
    %dma_start3A_10 = arith.constant 0 : i32
    %dma_start3A_11 = tpu.memref_slice %arg2[%dma_start3A_10, %mul3A_8] : memref<64x1000000xf32, #tpu.memory_space<hbm>> -> memref<64x128xf32, #tpu.memory_space<hbm>>
    tpu.enqueue_dma source(%dma_start3A_11 : memref<64x128xf32, #tpu.memory_space<hbm>>) target(%arg6 : memref<64x128xf32, #tpu.memory_space<vmem>>) target_semaphore(%arg12 : memref<!tpu.dma_semaphore, #tpu.memory_space<semaphore_mem>>)
    %dma_start3A_12 = tpu.memref_slice %arg3[%mul3A_8] : memref<1000000xf32, #tpu.memory_space<hbm>> -> memref<128xf32, #tpu.memory_space<hbm>>
    %dma_start3A_13 = tpu.memref_slice %arg3[%mul3A_8] : memref<1000000xf32, #tpu.memory_space<hbm>> -> memref<128xf32, #tpu.memory_space<hbm>>
    tpu.enqueue_dma source(%dma_start3A_13 : memref<128xf32, #tpu.memory_space<hbm>>) target(%arg10 : memref<128xf32, #tpu.memory_space<vmem>>) target_semaphore(%arg12 : memref<!tpu.dma_semaphore, #tpu.memory_space<semaphore_mem>>)
    %scan3A = arith.constant 0 : i32
    %scan3A_14 = arith.constant 0 : i32
    %scan3A_15 = arith.constant 122 : i32
    %scan3A_16 = arith.addi %scan3A_14, %scan3A_15 : i32
    %scan3A_17 = arith.constant 1 : i32
    scf.for %scan3A_37 = %scan3A_14 to %scan3A_16 step %scan3A_17  : i32 {
      %mul3A_38 = arith.constant 2 : i32
      %mul3A_39 = arith.muli %mul3A_38, %scan3A_37 : i32
      %add3A_40 = arith.constant 1 : i32
      %add3A_41 = arith.addi %mul3A_39, %add3A_40 : i32
      %lt3A_42 = arith.cmpi slt, %add3A_41, %add3A_4 : i32
      %convert_element_type3A_43 = arith.extui %lt3A_42 : i1 to i32
      %cond3A_44 = arith.constant 0 : i32
      %cond3A_45 = arith.cmpi ne, %convert_element_type3A_43, %cond3A_44 : i32
      scf.if %cond3A_45 {
        %add3A_146 = arith.constant 1 : i32
        %add3A_147 = arith.addi %mul3A_39, %add3A_146 : i32
        %mul3A_148 = arith.constant 32 : i32
        %mul3A_149 = arith.muli %add3A_147, %mul3A_148 : i32
        %add3A_150 = arith.addi %mul3A_149, %add3A : i32
        %mul3A_151 = arith.constant 128 : i32
        %mul3A_152 = arith.muli %add3A_150, %mul3A_151 : i32
        %dma_start3A_153 = arith.constant 0 : i32
        %dma_start3A_154 = tpu.memref_slice %arg2[%dma_start3A_153, %mul3A_152] : memref<64x1000000xf32, #tpu.memory_space<hbm>> -> memref<64x128xf32, #tpu.memory_space<hbm>>
        %dma_start3A_155 = arith.constant 0 : i32
        %dma_start3A_156 = tpu.memref_slice %arg2[%dma_start3A_155, %mul3A_152] : memref<64x1000000xf32, #tpu.memory_space<hbm>> -> memref<64x128xf32, #tpu.memory_space<hbm>>
        tpu.enqueue_dma source(%dma_start3A_156 : memref<64x128xf32, #tpu.memory_space<hbm>>) target(%arg7 : memref<64x128xf32, #tpu.memory_space<vmem>>) target_semaphore(%arg13 : memref<!tpu.dma_semaphore, #tpu.memory_space<semaphore_mem>>)
        %dma_start3A_157 = tpu.memref_slice %arg3[%mul3A_152] : memref<1000000xf32, #tpu.memory_space<hbm>> -> memref<128xf32, #tpu.memory_space<hbm>>
        %dma_start3A_158 = tpu.memref_slice %arg3[%mul3A_152] : memref<1000000xf32, #tpu.memory_space<hbm>> -> memref<128xf32, #tpu.memory_space<hbm>>
        tpu.enqueue_dma source(%dma_start3A_158 : memref<128xf32, #tpu.memory_space<hbm>>) target(%arg11 : memref<128xf32, #tpu.memory_space<vmem>>) target_semaphore(%arg13 : memref<!tpu.dma_semaphore, #tpu.memory_space<semaphore_mem>>)
      } else {
      }
      %dma_wait3A_46 = arith.constant 0 : i32
      %dma_wait3A_47 = arith.constant 0 : i32
      %dma_wait3A_48 = tpu.memref_slice %arg2[%dma_wait3A_46, %dma_wait3A_47] : memref<64x1000000xf32, #tpu.memory_space<hbm>> -> memref<64x128xf32, #tpu.memory_space<hbm>>
      %dma_wait3A_49 = arith.constant 0 : i32
      %dma_wait3A_50 = arith.constant 0 : i32
      %dma_wait3A_51 = tpu.memref_slice %arg2[%dma_wait3A_49, %dma_wait3A_50] : memref<64x1000000xf32, #tpu.memory_space<hbm>> -> memref<64x128xf32, #tpu.memory_space<hbm>>
      tpu.wait_dma2 semaphore(%arg12 : memref<!tpu.dma_semaphore, #tpu.memory_space<semaphore_mem>>) src(%dma_wait3A_51 : memref<64x128xf32, #tpu.memory_space<hbm>>) dst(%arg6 : memref<64x128xf32, #tpu.memory_space<vmem>>)
      %dma_wait3A_52 = arith.constant 0 : i32
      %dma_wait3A_53 = tpu.memref_slice %arg3[%dma_wait3A_52] : memref<1000000xf32, #tpu.memory_space<hbm>> -> memref<128xf32, #tpu.memory_space<hbm>>
      %dma_wait3A_54 = arith.constant 0 : i32
      %dma_wait3A_55 = tpu.memref_slice %arg3[%dma_wait3A_54] : memref<1000000xf32, #tpu.memory_space<hbm>> -> memref<128xf32, #tpu.memory_space<hbm>>
      tpu.wait_dma2 semaphore(%arg12 : memref<!tpu.dma_semaphore, #tpu.memory_space<semaphore_mem>>) src(%dma_wait3A_55 : memref<128xf32, #tpu.memory_space<hbm>>) dst(%arg10 : memref<128xf32, #tpu.memory_space<vmem>>)
      %ge3A = arith.constant 2 : i32
      %ge3A_56 = arith.cmpi sge, %mul3A_39, %ge3A : i32
      %convert_element_type3A_57 = arith.extui %ge3A_56 : i1 to i32
      %cond3A_58 = arith.constant 0 : i32
      %cond3A_59 = arith.cmpi ne, %convert_element_type3A_57, %cond3A_58 : i32
      scf.if %cond3A_59 {
        %dma_wait3A_146 = arith.constant 0 : i32
        %dma_wait3A_147 = arith.constant 0 : i32
        %dma_wait3A_148 = tpu.memref_slice %arg5[%dma_wait3A_146, %dma_wait3A_147] : memref<500032x128xf32, #tpu.memory_space<hbm>> -> memref<64x128xf32, #tpu.memory_space<hbm>>
        %dma_wait3A_149 = arith.constant 0 : i32
        %dma_wait3A_150 = arith.constant 0 : i32
        %dma_wait3A_151 = tpu.memref_slice %arg5[%dma_wait3A_149, %dma_wait3A_150] : memref<500032x128xf32, #tpu.memory_space<hbm>> -> memref<64x128xf32, #tpu.memory_space<hbm>>
        tpu.wait_dma2 semaphore(%arg14 : memref<!tpu.dma_semaphore, #tpu.memory_space<semaphore_mem>>) src(%arg8 : memref<64x128xf32, #tpu.memory_space<vmem>>) dst(%dma_wait3A_151 : memref<64x128xf32, #tpu.memory_space<hbm>>)
      } else {
      }
      %get3A = arith.constant 0 : index
      %get3A_60 = tpu.vector_load %arg10[%get3A] {strides = array<i32>} : memref<128xf32, #tpu.memory_space<vmem>>, vector<16xf32>,
      %get3A_61 = arith.constant 16 : index
      %get3A_62 = tpu.vector_load %arg10[%get3A_61] {strides = array<i32>} : memref<128xf32, #tpu.memory_space<vmem>>, vector<16xf32>,
      %get3A_63 = arith.constant 32 : index
      %get3A_64 = tpu.vector_load %arg10[%get3A_63] {strides = array<i32>} : memref<128xf32, #tpu.memory_space<vmem>>, vector<16xf32>,
      %get3A_65 = arith.constant 48 : index
      %get3A_66 = tpu.vector_load %arg10[%get3A_65] {strides = array<i32>} : memref<128xf32, #tpu.memory_space<vmem>>, vector<16xf32>,
      %get3A_67 = arith.constant 64 : index
      %get3A_68 = tpu.vector_load %arg10[%get3A_67] {strides = array<i32>} : memref<128xf32, #tpu.memory_space<vmem>>, vector<16xf32>,
      %get3A_69 = arith.constant 80 : index
      %get3A_70 = tpu.vector_load %arg10[%get3A_69] {strides = array<i32>} : memref<128xf32, #tpu.memory_space<vmem>>, vector<16xf32>,
      %get3A_71 = arith.constant 96 : index
      %get3A_72 = tpu.vector_load %arg10[%get3A_71] {strides = array<i32>} : memref<128xf32, #tpu.memory_space<vmem>>, vector<16xf32>,
      %get3A_73 = arith.constant 112 : index
      %get3A_74 = tpu.vector_load %arg10[%get3A_73] {strides = array<i32>} : memref<128xf32, #tpu.memory_space<vmem>>, vector<16xf32>,
      %scan3A_75 = arith.constant 0 : i32
      %scan3A_76 = arith.constant 0 : i32
      %scan3A_77 = arith.constant 64 : i32
      %scan3A_78 = arith.addi %scan3A_76, %scan3A_77 : i32
      %scan3A_79 = arith.constant 2 : i32
      scf.for %scan3A_146 = %scan3A_76 to %scan3A_78 step %scan3A_79  : i32 {
        %xor3A = vector.broadcast %scan3A_146 : i32 to vector<16xi32>
        %xor3A_147 = arith.xori %iota3A, %xor3A : vector<16xi32>
        %add3A_148 = arith.constant 0 : i32
        %add3A_149 = vector.broadcast %add3A_148 : i32 to vector<16xi32>
        %add3A_150 = arith.addi %iota3A, %add3A_149 : vector<16xi32>
        %shift_right_arithmetic3A = arith.constant 1 : i32
        %shift_right_arithmetic3A_151 = vector.broadcast %shift_right_arithmetic3A : i32 to vector<16xi32>
        %shift_right_arithmetic3A_152 = arith.shrsi %add3A_150, %shift_right_arithmetic3A_151 : vector<16xi32>
        %and3A = arith.constant 1 : i32
        %and3A_153 = vector.broadcast %and3A : i32 to vector<16xi32>
        %and3A_154 = arith.andi %add3A_150, %and3A_153 : vector<16xi32>
        %mul3A_155 = arith.constant 64 : i32
        %mul3A_156 = vector.broadcast %mul3A_155 : i32 to vector<16xi32>
        %mul3A_157 = arith.muli %and3A_154, %mul3A_156 : vector<16xi32>
        %gather3A = tpu.vector_load_idx %arg6[%xor3A_147, %add3A_150] : memref<64x128xf32, #tpu.memory_space<vmem>>[vector<16xi32>, vector<16xi32>], vector<16xf32>,
        %add3A_158 = arith.addi %mul3A_157, %xor3A_147 : vector<16xi32>
        %mul3A_159 = arith.mulf %gather3A, %get3A_60 : vector<16xf32>
        tpu.vector_store_idx %arg8[%shift_right_arithmetic3A_152, %add3A_158], %mul3A_159 : memref<64x128xf32, #tpu.memory_space<vmem>>[vector<16xi32>, vector<16xi32>], vector<16xf32>,
        %add3A_160 = arith.constant 16 : i32
        %add3A_161 = vector.broadcast %add3A_160 : i32 to vector<16xi32>
        %add3A_162 = arith.addi %iota3A, %add3A_161 : vector<16xi32>
        %shift_right_arithmetic3A_163 = arith.constant 1 : i32
        %shift_right_arithmetic3A_164 = vector.broadcast %shift_right_arithmetic3A_163 : i32 to vector<16xi32>
        %shift_right_arithmetic3A_165 = arith.shrsi %add3A_162, %shift_right_arithmetic3A_164 : vector<16xi32>
        %and3A_166 = arith.constant 1 : i32
        %and3A_167 = vector.broadcast %and3A_166 : i32 to vector<16xi32>
        %and3A_168 = arith.andi %add3A_162, %and3A_167 : vector<16xi32>
        %mul3A_169 = arith.constant 64 : i32
        %mul3A_170 = vector.broadcast %mul3A_169 : i32 to vector<16xi32>
        %mul3A_171 = arith.muli %and3A_168, %mul3A_170 : vector<16xi32>
        %gather3A_172 = tpu.vector_load_idx %arg6[%xor3A_147, %add3A_162] : memref<64x128xf32, #tpu.memory_space<vmem>>[vector<16xi32>, vector<16xi32>], vector<16xf32>,
        %add3A_173 = arith.addi %mul3A_171, %xor3A_147 : vector<16xi32>
        %mul3A_174 = arith.mulf %gather3A_172, %get3A_62 : vector<16xf32>
        tpu.vector_store_idx %arg8[%shift_right_arithmetic3A_165, %add3A_173], %mul3A_174 : memref<64x128xf32, #tpu.memory_space<vmem>>[vector<16xi32>, vector<16xi32>], vector<16xf32>,
        %add3A_175 = arith.constant 32 : i32
        %add3A_176 = vector.broadcast %add3A_175 : i32 to vector<16xi32>
        %add3A_177 = arith.addi %iota3A, %add3A_176 : vector<16xi32>
        %shift_right_arithmetic3A_178 = arith.constant 1 : i32
        %shift_right_arithmetic3A_179 = vector.broadcast %shift_right_arithmetic3A_178 : i32 to vector<16xi32>
        %shift_right_arithmetic3A_180 = arith.shrsi %add3A_177, %shift_right_arithmetic3A_179 : vector<16xi32>
        %and3A_181 = arith.constant 1 : i32
        %and3A_182 = vector.broadcast %and3A_181 : i32 to vector<16xi32>
        %and3A_183 = arith.andi %add3A_177, %and3A_182 : vector<16xi32>
        %mul3A_184 = arith.constant 64 : i32
        %mul3A_185 = vector.broadcast %mul3A_184 : i32 to vector<16xi32>
        %mul3A_186 = arith.muli %and3A_183, %mul3A_185 : vector<16xi32>
        %gather3A_187 = tpu.vector_load_idx %arg6[%xor3A_147, %add3A_177] : memref<64x128xf32, #tpu.memory_space<vmem>>[vector<16xi32>, vector<16xi32>], vector<16xf32>,
        %add3A_188 = arith.addi %mul3A_186, %xor3A_147 : vector<16xi32>
        %mul3A_189 = arith.mulf %gather3A_187, %get3A_64 : vector<16xf32>
        tpu.vector_store_idx %arg8[%shift_right_arithmetic3A_180, %add3A_188], %mul3A_189 : memref<64x128xf32, #tpu.memory_space<vmem>>[vector<16xi32>, vector<16xi32>], vector<16xf32>,
        %add3A_190 = arith.constant 48 : i32
        %add3A_191 = vector.broadcast %add3A_190 : i32 to vector<16xi32>
        %add3A_192 = arith.addi %iota3A, %add3A_191 : vector<16xi32>
        %shift_right_arithmetic3A_193 = arith.constant 1 : i32
        %shift_right_arithmetic3A_194 = vector.broadcast %shift_right_arithmetic3A_193 : i32 to vector<16xi32>
        %shift_right_arithmetic3A_195 = arith.shrsi %add3A_192, %shift_right_arithmetic3A_194 : vector<16xi32>
        %and3A_196 = arith.constant 1 : i32
        %and3A_197 = vector.broadcast %and3A_196 : i32 to vector<16xi32>
        %and3A_198 = arith.andi %add3A_192, %and3A_197 : vector<16xi32>
        %mul3A_199 = arith.constant 64 : i32
        %mul3A_200 = vector.broadcast %mul3A_199 : i32 to vector<16xi32>
        %mul3A_201 = arith.muli %and3A_198, %mul3A_200 : vector<16xi32>
        %gather3A_202 = tpu.vector_load_idx %arg6[%xor3A_147, %add3A_192] : memref<64x128xf32, #tpu.memory_space<vmem>>[vector<16xi32>, vector<16xi32>], vector<16xf32>,
        %add3A_203 = arith.addi %mul3A_201, %xor3A_147 : vector<16xi32>
        %mul3A_204 = arith.mulf %gather3A_202, %get3A_66 : vector<16xf32>
        tpu.vector_store_idx %arg8[%shift_right_arithmetic3A_195, %add3A_203], %mul3A_204 : memref<64x128xf32, #tpu.memory_space<vmem>>[vector<16xi32>, vector<16xi32>], vector<16xf32>,
        %add3A_205 = arith.constant 64 : i32
        %add3A_206 = vector.broadcast %add3A_205 : i32 to vector<16xi32>
        %add3A_207 = arith.addi %iota3A, %add3A_206 : vector<16xi32>
        %shift_right_arithmetic3A_208 = arith.constant 1 : i32
        %shift_right_arithmetic3A_209 = vector.broadcast %shift_right_arithmetic3A_208 : i32 to vector<16xi32>
        %shift_right_arithmetic3A_210 = arith.shrsi %add3A_207, %shift_right_arithmetic3A_209 : vector<16xi32>
        %and3A_211 = arith.constant 1 : i32
        %and3A_212 = vector.broadcast %and3A_211 : i32 to vector<16xi32>
        %and3A_213 = arith.andi %add3A_207, %and3A_212 : vector<16xi32>
        %mul3A_214 = arith.constant 64 : i32
        %mul3A_215 = vector.broadcast %mul3A_214 : i32 to vector<16xi32>
        %mul3A_216 = arith.muli %and3A_213, %mul3A_215 : vector<16xi32>
        %gather3A_217 = tpu.vector_load_idx %arg6[%xor3A_147, %add3A_207] : memref<64x128xf32, #tpu.memory_space<vmem>>[vector<16xi32>, vector<16xi32>], vector<16xf32>,
        %add3A_218 = arith.addi %mul3A_216, %xor3A_147 : vector<16xi32>
        %mul3A_219 = arith.mulf %gather3A_217, %get3A_68 : vector<16xf32>
        tpu.vector_store_idx %arg8[%shift_right_arithmetic3A_210, %add3A_218], %mul3A_219 : memref<64x128xf32, #tpu.memory_space<vmem>>[vector<16xi32>, vector<16xi32>], vector<16xf32>,
        %add3A_220 = arith.constant 80 : i32
        %add3A_221 = vector.broadcast %add3A_220 : i32 to vector<16xi32>
        %add3A_222 = arith.addi %iota3A, %add3A_221 : vector<16xi32>
        %shift_right_arithmetic3A_223 = arith.constant 1 : i32
        %shift_right_arithmetic3A_224 = vector.broadcast %shift_right_arithmetic3A_223 : i32 to vector<16xi32>
        %shift_right_arithmetic3A_225 = arith.shrsi %add3A_222, %shift_right_arithmetic3A_224 : vector<16xi32>
        %and3A_226 = arith.constant 1 : i32
        %and3A_227 = vector.broadcast %and3A_226 : i32 to vector<16xi32>
        %and3A_228 = arith.andi %add3A_222, %and3A_227 : vector<16xi32>
        %mul3A_229 = arith.constant 64 : i32
        %mul3A_230 = vector.broadcast %mul3A_229 : i32 to vector<16xi32>
        %mul3A_231 = arith.muli %and3A_228, %mul3A_230 : vector<16xi32>
        %gather3A_232 = tpu.vector_load_idx %arg6[%xor3A_147, %add3A_222] : memref<64x128xf32, #tpu.memory_space<vmem>>[vector<16xi32>, vector<16xi32>], vector<16xf32>,
        %add3A_233 = arith.addi %mul3A_231, %xor3A_147 : vector<16xi32>
        %mul3A_234 = arith.mulf %gather3A_232, %get3A_70 : vector<16xf32>
        tpu.vector_store_idx %arg8[%shift_right_arithmetic3A_225, %add3A_233], %mul3A_234 : memref<64x128xf32, #tpu.memory_space<vmem>>[vector<16xi32>, vector<16xi32>], vector<16xf32>,
        %add3A_235 = arith.constant 96 : i32
        %add3A_236 = vector.broadcast %add3A_235 : i32 to vector<16xi32>
        %add3A_237 = arith.addi %iota3A, %add3A_236 : vector<16xi32>
        %shift_right_arithmetic3A_238 = arith.constant 1 : i32
        %shift_right_arithmetic3A_239 = vector.broadcast %shift_right_arithmetic3A_238 : i32 to vector<16xi32>
        %shift_right_arithmetic3A_240 = arith.shrsi %add3A_237, %shift_right_arithmetic3A_239 : vector<16xi32>
        %and3A_241 = arith.constant 1 : i32
        %and3A_242 = vector.broadcast %and3A_241 : i32 to vector<16xi32>
        %and3A_243 = arith.andi %add3A_237, %and3A_242 : vector<16xi32>
        %mul3A_244 = arith.constant 64 : i32
        %mul3A_245 = vector.broadcast %mul3A_244 : i32 to vector<16xi32>
        %mul3A_246 = arith.muli %and3A_243, %mul3A_245 : vector<16xi32>
        %gather3A_247 = tpu.vector_load_idx %arg6[%xor3A_147, %add3A_237] : memref<64x128xf32, #tpu.memory_space<vmem>>[vector<16xi32>, vector<16xi32>], vector<16xf32>,
        %add3A_248 = arith.addi %mul3A_246, %xor3A_147 : vector<16xi32>
        %mul3A_249 = arith.mulf %gather3A_247, %get3A_72 : vector<16xf32>
        tpu.vector_store_idx %arg8[%shift_right_arithmetic3A_240, %add3A_248], %mul3A_249 : memref<64x128xf32, #tpu.memory_space<vmem>>[vector<16xi32>, vector<16xi32>], vector<16xf32>,
        %add3A_250 = arith.constant 112 : i32
        %add3A_251 = vector.broadcast %add3A_250 : i32 to vector<16xi32>
        %add3A_252 = arith.addi %iota3A, %add3A_251 : vector<16xi32>
        %shift_right_arithmetic3A_253 = arith.constant 1 : i32
        %shift_right_arithmetic3A_254 = vector.broadcast %shift_right_arithmetic3A_253 : i32 to vector<16xi32>
        %shift_right_arithmetic3A_255 = arith.shrsi %add3A_252, %shift_right_arithmetic3A_254 : vector<16xi32>
        %and3A_256 = arith.constant 1 : i32
        %and3A_257 = vector.broadcast %and3A_256 : i32 to vector<16xi32>
        %and3A_258 = arith.andi %add3A_252, %and3A_257 : vector<16xi32>
        %mul3A_259 = arith.constant 64 : i32
        %mul3A_260 = vector.broadcast %mul3A_259 : i32 to vector<16xi32>
        %mul3A_261 = arith.muli %and3A_258, %mul3A_260 : vector<16xi32>
        %gather3A_262 = tpu.vector_load_idx %arg6[%xor3A_147, %add3A_252] : memref<64x128xf32, #tpu.memory_space<vmem>>[vector<16xi32>, vector<16xi32>], vector<16xf32>,
        %add3A_263 = arith.addi %mul3A_261, %xor3A_147 : vector<16xi32>
        %mul3A_264 = arith.mulf %gather3A_262, %get3A_74 : vector<16xf32>
        tpu.vector_store_idx %arg8[%shift_right_arithmetic3A_255, %add3A_263], %mul3A_264 : memref<64x128xf32, #tpu.memory_space<vmem>>[vector<16xi32>, vector<16xi32>], vector<16xf32>,
        %scan3A_265 = arith.constant 1 : i32
        %scan3A_266 = arith.addi %scan3A_146, %scan3A_265 : i32
        %xor3A_267 = vector.broadcast %scan3A_266 : i32 to vector<16xi32>
        %xor3A_268 = arith.xori %iota3A, %xor3A_267 : vector<16xi32>
        %add3A_269 = arith.constant 0 : i32
        %add3A_270 = vector.broadcast %add3A_269 : i32 to vector<16xi32>
        %add3A_271 = arith.addi %iota3A, %add3A_270 : vector<16xi32>
        %shift_right_arithmetic3A_272 = arith.constant 1 : i32
        %shift_right_arithmetic3A_273 = vector.broadcast %shift_right_arithmetic3A_272 : i32 to vector<16xi32>
        %shift_right_arithmetic3A_274 = arith.shrsi %add3A_271, %shift_right_arithmetic3A_273 : vector<16xi32>
        %and3A_275 = arith.constant 1 : i32
        %and3A_276 = vector.broadcast %and3A_275 : i32 to vector<16xi32>
        %and3A_277 = arith.andi %add3A_271, %and3A_276 : vector<16xi32>
        %mul3A_278 = arith.constant 64 : i32
        %mul3A_279 = vector.broadcast %mul3A_278 : i32 to vector<16xi32>
        %mul3A_280 = arith.muli %and3A_277, %mul3A_279 : vector<16xi32>
        %gather3A_281 = tpu.vector_load_idx %arg6[%xor3A_268, %add3A_271] : memref<64x128xf32, #tpu.memory_space<vmem>>[vector<16xi32>, vector<16xi32>], vector<16xf32>,
        %add3A_282 = arith.addi %mul3A_280, %xor3A_268 : vector<16xi32>
        %mul3A_283 = arith.mulf %gather3A_281, %get3A_60 : vector<16xf32>
        tpu.vector_store_idx %arg8[%shift_right_arithmetic3A_274, %add3A_282], %mul3A_283 : memref<64x128xf32, #tpu.memory_space<vmem>>[vector<16xi32>, vector<16xi32>], vector<16xf32>,
        %add3A_284 = arith.constant 16 : i32
        %add3A_285 = vector.broadcast %add3A_284 : i32 to vector<16xi32>
        %add3A_286 = arith.addi %iota3A, %add3A_285 : vector<16xi32>
        %shift_right_arithmetic3A_287 = arith.constant 1 : i32
        %shift_right_arithmetic3A_288 = vector.broadcast %shift_right_arithmetic3A_287 : i32 to vector<16xi32>
        %shift_right_arithmetic3A_289 = arith.shrsi %add3A_286, %shift_right_arithmetic3A_288 : vector<16xi32>
        %and3A_290 = arith.constant 1 : i32
        %and3A_291 = vector.broadcast %and3A_290 : i32 to vector<16xi32>
        %and3A_292 = arith.andi %add3A_286, %and3A_291 : vector<16xi32>
        %mul3A_293 = arith.constant 64 : i32
        %mul3A_294 = vector.broadcast %mul3A_293 : i32 to vector<16xi32>
        %mul3A_295 = arith.muli %and3A_292, %mul3A_294 : vector<16xi32>
        %gather3A_296 = tpu.vector_load_idx %arg6[%xor3A_268, %add3A_286] : memref<64x128xf32, #tpu.memory_space<vmem>>[vector<16xi32>, vector<16xi32>], vector<16xf32>,
        %add3A_297 = arith.addi %mul3A_295, %xor3A_268 : vector<16xi32>
        %mul3A_298 = arith.mulf %gather3A_296, %get3A_62 : vector<16xf32>
        tpu.vector_store_idx %arg8[%shift_right_arithmetic3A_289, %add3A_297], %mul3A_298 : memref<64x128xf32, #tpu.memory_space<vmem>>[vector<16xi32>, vector<16xi32>], vector<16xf32>,
        %add3A_299 = arith.constant 32 : i32
        %add3A_300 = vector.broadcast %add3A_299 : i32 to vector<16xi32>
        %add3A_301 = arith.addi %iota3A, %add3A_300 : vector<16xi32>
        %shift_right_arithmetic3A_302 = arith.constant 1 : i32
        %shift_right_arithmetic3A_303 = vector.broadcast %shift_right_arithmetic3A_302 : i32 to vector<16xi32>
        %shift_right_arithmetic3A_304 = arith.shrsi %add3A_301, %shift_right_arithmetic3A_303 : vector<16xi32>
        %and3A_305 = arith.constant 1 : i32
        %and3A_306 = vector.broadcast %and3A_305 : i32 to vector<16xi32>
        %and3A_307 = arith.andi %add3A_301, %and3A_306 : vector<16xi32>
        %mul3A_308 = arith.constant 64 : i32
        %mul3A_309 = vector.broadcast %mul3A_308 : i32 to vector<16xi32>
        %mul3A_310 = arith.muli %and3A_307, %mul3A_309 : vector<16xi32>
        %gather3A_311 = tpu.vector_load_idx %arg6[%xor3A_268, %add3A_301] : memref<64x128xf32, #tpu.memory_space<vmem>>[vector<16xi32>, vector<16xi32>], vector<16xf32>,
        %add3A_312 = arith.addi %mul3A_310, %xor3A_268 : vector<16xi32>
        %mul3A_313 = arith.mulf %gather3A_311, %get3A_64 : vector<16xf32>
        tpu.vector_store_idx %arg8[%shift_right_arithmetic3A_304, %add3A_312], %mul3A_313 : memref<64x128xf32, #tpu.memory_space<vmem>>[vector<16xi32>, vector<16xi32>], vector<16xf32>,
        %add3A_314 = arith.constant 48 : i32
        %add3A_315 = vector.broadcast %add3A_314 : i32 to vector<16xi32>
        %add3A_316 = arith.addi %iota3A, %add3A_315 : vector<16xi32>
        %shift_right_arithmetic3A_317 = arith.constant 1 : i32
        %shift_right_arithmetic3A_318 = vector.broadcast %shift_right_arithmetic3A_317 : i32 to vector<16xi32>
        %shift_right_arithmetic3A_319 = arith.shrsi %add3A_316, %shift_right_arithmetic3A_318 : vector<16xi32>
        %and3A_320 = arith.constant 1 : i32
        %and3A_321 = vector.broadcast %and3A_320 : i32 to vector<16xi32>
        %and3A_322 = arith.andi %add3A_316, %and3A_321 : vector<16xi32>
        %mul3A_323 = arith.constant 64 : i32
        %mul3A_324 = vector.broadcast %mul3A_323 : i32 to vector<16xi32>
        %mul3A_325 = arith.muli %and3A_322, %mul3A_324 : vector<16xi32>
        %gather3A_326 = tpu.vector_load_idx %arg6[%xor3A_268, %add3A_316] : memref<64x128xf32, #tpu.memory_space<vmem>>[vector<16xi32>, vector<16xi32>], vector<16xf32>,
        %add3A_327 = arith.addi %mul3A_325, %xor3A_268 : vector<16xi32>
        %mul3A_328 = arith.mulf %gather3A_326, %get3A_66 : vector<16xf32>
        tpu.vector_store_idx %arg8[%shift_right_arithmetic3A_319, %add3A_327], %mul3A_328 : memref<64x128xf32, #tpu.memory_space<vmem>>[vector<16xi32>, vector<16xi32>], vector<16xf32>,
        %add3A_329 = arith.constant 64 : i32
        %add3A_330 = vector.broadcast %add3A_329 : i32 to vector<16xi32>
        %add3A_331 = arith.addi %iota3A, %add3A_330 : vector<16xi32>
        %shift_right_arithmetic3A_332 = arith.constant 1 : i32
        %shift_right_arithmetic3A_333 = vector.broadcast %shift_right_arithmetic3A_332 : i32 to vector<16xi32>
        %shift_right_arithmetic3A_334 = arith.shrsi %add3A_331, %shift_right_arithmetic3A_333 : vector<16xi32>
        %and3A_335 = arith.constant 1 : i32
        %and3A_336 = vector.broadcast %and3A_335 : i32 to vector<16xi32>
        %and3A_337 = arith.andi %add3A_331, %and3A_336 : vector<16xi32>
        %mul3A_338 = arith.constant 64 : i32
        %mul3A_339 = vector.broadcast %mul3A_338 : i32 to vector<16xi32>
        %mul3A_340 = arith.muli %and3A_337, %mul3A_339 : vector<16xi32>
        %gather3A_341 = tpu.vector_load_idx %arg6[%xor3A_268, %add3A_331] : memref<64x128xf32, #tpu.memory_space<vmem>>[vector<16xi32>, vector<16xi32>], vector<16xf32>,
        %add3A_342 = arith.addi %mul3A_340, %xor3A_268 : vector<16xi32>
        %mul3A_343 = arith.mulf %gather3A_341, %get3A_68 : vector<16xf32>
        tpu.vector_store_idx %arg8[%shift_right_arithmetic3A_334, %add3A_342], %mul3A_343 : memref<64x128xf32, #tpu.memory_space<vmem>>[vector<16xi32>, vector<16xi32>], vector<16xf32>,
        %add3A_344 = arith.constant 80 : i32
        %add3A_345 = vector.broadcast %add3A_344 : i32 to vector<16xi32>
        %add3A_346 = arith.addi %iota3A, %add3A_345 : vector<16xi32>
        %shift_right_arithmetic3A_347 = arith.constant 1 : i32
        %shift_right_arithmetic3A_348 = vector.broadcast %shift_right_arithmetic3A_347 : i32 to vector<16xi32>
        %shift_right_arithmetic3A_349 = arith.shrsi %add3A_346, %shift_right_arithmetic3A_348 : vector<16xi32>
        %and3A_350 = arith.constant 1 : i32
        %and3A_351 = vector.broadcast %and3A_350 : i32 to vector<16xi32>
        %and3A_352 = arith.andi %add3A_346, %and3A_351 : vector<16xi32>
        %mul3A_353 = arith.constant 64 : i32
        %mul3A_354 = vector.broadcast %mul3A_353 : i32 to vector<16xi32>
        %mul3A_355 = arith.muli %and3A_352, %mul3A_354 : vector<16xi32>
        %gather3A_356 = tpu.vector_load_idx %arg6[%xor3A_268, %add3A_346] : memref<64x128xf32, #tpu.memory_space<vmem>>[vector<16xi32>, vector<16xi32>], vector<16xf32>,
        %add3A_357 = arith.addi %mul3A_355, %xor3A_268 : vector<16xi32>
        %mul3A_358 = arith.mulf %gather3A_356, %get3A_70 : vector<16xf32>
        tpu.vector_store_idx %arg8[%shift_right_arithmetic3A_349, %add3A_357], %mul3A_358 : memref<64x128xf32, #tpu.memory_space<vmem>>[vector<16xi32>, vector<16xi32>], vector<16xf32>,
        %add3A_359 = arith.constant 96 : i32
        %add3A_360 = vector.broadcast %add3A_359 : i32 to vector<16xi32>
        %add3A_361 = arith.addi %iota3A, %add3A_360 : vector<16xi32>
        %shift_right_arithmetic3A_362 = arith.constant 1 : i32
        %shift_right_arithmetic3A_363 = vector.broadcast %shift_right_arithmetic3A_362 : i32 to vector<16xi32>
        %shift_right_arithmetic3A_364 = arith.shrsi %add3A_361, %shift_right_arithmetic3A_363 : vector<16xi32>
        %and3A_365 = arith.constant 1 : i32
        %and3A_366 = vector.broadcast %and3A_365 : i32 to vector<16xi32>
        %and3A_367 = arith.andi %add3A_361, %and3A_366 : vector<16xi32>
        %mul3A_368 = arith.constant 64 : i32
        %mul3A_369 = vector.broadcast %mul3A_368 : i32 to vector<16xi32>
        %mul3A_370 = arith.muli %and3A_367, %mul3A_369 : vector<16xi32>
        %gather3A_371 = tpu.vector_load_idx %arg6[%xor3A_268, %add3A_361] : memref<64x128xf32, #tpu.memory_space<vmem>>[vector<16xi32>, vector<16xi32>], vector<16xf32>,
        %add3A_372 = arith.addi %mul3A_370, %xor3A_268 : vector<16xi32>
        %mul3A_373 = arith.mulf %gather3A_371, %get3A_72 : vector<16xf32>
        tpu.vector_store_idx %arg8[%shift_right_arithmetic3A_364, %add3A_372], %mul3A_373 : memref<64x128xf32, #tpu.memory_space<vmem>>[vector<16xi32>, vector<16xi32>], vector<16xf32>,
        %add3A_374 = arith.constant 112 : i32
        %add3A_375 = vector.broadcast %add3A_374 : i32 to vector<16xi32>
        %add3A_376 = arith.addi %iota3A, %add3A_375 : vector<16xi32>
        %shift_right_arithmetic3A_377 = arith.constant 1 : i32
        %shift_right_arithmetic3A_378 = vector.broadcast %shift_right_arithmetic3A_377 : i32 to vector<16xi32>
        %shift_right_arithmetic3A_379 = arith.shrsi %add3A_376, %shift_right_arithmetic3A_378 : vector<16xi32>
        %and3A_380 = arith.constant 1 : i32
        %and3A_381 = vector.broadcast %and3A_380 : i32 to vector<16xi32>
        %and3A_382 = arith.andi %add3A_376, %and3A_381 : vector<16xi32>
        %mul3A_383 = arith.constant 64 : i32
        %mul3A_384 = vector.broadcast %mul3A_383 : i32 to vector<16xi32>
        %mul3A_385 = arith.muli %and3A_382, %mul3A_384 : vector<16xi32>
        %gather3A_386 = tpu.vector_load_idx %arg6[%xor3A_268, %add3A_376] : memref<64x128xf32, #tpu.memory_space<vmem>>[vector<16xi32>, vector<16xi32>], vector<16xf32>,
        %add3A_387 = arith.addi %mul3A_385, %xor3A_268 : vector<16xi32>
        %mul3A_388 = arith.mulf %gather3A_386, %get3A_74 : vector<16xf32>
        tpu.vector_store_idx %arg8[%shift_right_arithmetic3A_379, %add3A_387], %mul3A_388 : memref<64x128xf32, #tpu.memory_space<vmem>>[vector<16xi32>, vector<16xi32>], vector<16xf32>,
      }
      %scan3A_80 = arith.constant 64 : i32
      %mul3A_81 = arith.constant 32 : i32
      %mul3A_82 = arith.muli %mul3A_39, %mul3A_81 : i32
      %add3A_83 = arith.addi %mul3A_82, %add3A : i32
      %mul3A_84 = arith.constant 64 : i32
      %mul3A_85 = arith.muli %add3A_83, %mul3A_84 : i32
      %dma_start3A_86 = arith.constant 0 : i32
      %dma_start3A_87 = tpu.memref_slice %arg5[%mul3A_85, %dma_start3A_86] : memref<500032x128xf32, #tpu.memory_space<hbm>> -> memref<64x128xf32, #tpu.memory_space<hbm>>
      %dma_start3A_88 = arith.constant 0 : i32
      %dma_start3A_89 = tpu.memref_slice %arg5[%mul3A_85, %dma_start3A_88] : memref<500032x128xf32, #tpu.memory_space<hbm>> -> memref<64x128xf32, #tpu.memory_space<hbm>>
      tpu.enqueue_dma source(%arg8 : memref<64x128xf32, #tpu.memory_space<vmem>>) target(%dma_start3A_89 : memref<64x128xf32, #tpu.memory_space<hbm>>) target_semaphore(%arg14 : memref<!tpu.dma_semaphore, #tpu.memory_space<semaphore_mem>>)
      %mul3A_90 = arith.constant 2 : i32
      %mul3A_91 = arith.muli %mul3A_90, %scan3A_37 : i32
      %add3A_92 = arith.constant 1 : i32
      %add3A_93 = arith.addi %mul3A_91, %add3A_92 : i32
      %add3A_94 = arith.constant 1 : i32
      %add3A_95 = arith.addi %add3A_93, %add3A_94 : i32
      %lt3A_96 = arith.cmpi slt, %add3A_95, %add3A_4 : i32
      %convert_element_type3A_97 = arith.extui %lt3A_96 : i1 to i32
      %cond3A_98 = arith.constant 0 : i32
      %cond3A_99 = arith.cmpi ne, %convert_element_type3A_97, %cond3A_98 : i32
      scf.if %cond3A_99 {
        %add3A_146 = arith.constant 1 : i32
        %add3A_147 = arith.addi %add3A_93, %add3A_146 : i32
        %mul3A_148 = arith.constant 32 : i32
        %mul3A_149 = arith.muli %add3A_147, %mul3A_148 : i32
        %add3A_150 = arith.addi %mul3A_149, %add3A : i32
        %mul3A_151 = arith.constant 128 : i32
        %mul3A_152 = arith.muli %add3A_150, %mul3A_151 : i32
        %dma_start3A_153 = arith.constant 0 : i32
        %dma_start3A_154 = tpu.memref_slice %arg2[%dma_start3A_153, %mul3A_152] : memref<64x1000000xf32, #tpu.memory_space<hbm>> -> memref<64x128xf32, #tpu.memory_space<hbm>>
        %dma_start3A_155 = arith.constant 0 : i32
        %dma_start3A_156 = tpu.memref_slice %arg2[%dma_start3A_155, %mul3A_152] : memref<64x1000000xf32, #tpu.memory_space<hbm>> -> memref<64x128xf32, #tpu.memory_space<hbm>>
        tpu.enqueue_dma source(%dma_start3A_156 : memref<64x128xf32, #tpu.memory_space<hbm>>) target(%arg6 : memref<64x128xf32, #tpu.memory_space<vmem>>) target_semaphore(%arg12 : memref<!tpu.dma_semaphore, #tpu.memory_space<semaphore_mem>>)
        %dma_start3A_157 = tpu.memref_slice %arg3[%mul3A_152] : memref<1000000xf32, #tpu.memory_space<hbm>> -> memref<128xf32, #tpu.memory_space<hbm>>
        %dma_start3A_158 = tpu.memref_slice %arg3[%mul3A_152] : memref<1000000xf32, #tpu.memory_space<hbm>> -> memref<128xf32, #tpu.memory_space<hbm>>
        tpu.enqueue_dma source(%dma_start3A_158 : memref<128xf32, #tpu.memory_space<hbm>>) target(%arg10 : memref<128xf32, #tpu.memory_space<vmem>>) target_semaphore(%arg12 : memref<!tpu.dma_semaphore, #tpu.memory_space<semaphore_mem>>)
      } else {
      }
      %dma_wait3A_100 = arith.constant 0 : i32
      %dma_wait3A_101 = arith.constant 0 : i32
      %dma_wait3A_102 = tpu.memref_slice %arg2[%dma_wait3A_100, %dma_wait3A_101] : memref<64x1000000xf32, #tpu.memory_space<hbm>> -> memref<64x128xf32, #tpu.memory_space<hbm>>
      %dma_wait3A_103 = arith.constant 0 : i32
      %dma_wait3A_104 = arith.constant 0 : i32
      %dma_wait3A_105 = tpu.memref_slice %arg2[%dma_wait3A_103, %dma_wait3A_104] : memref<64x1000000xf32, #tpu.memory_space<hbm>> -> memref<64x128xf32, #tpu.memory_space<hbm>>
      tpu.wait_dma2 semaphore(%arg13 : memref<!tpu.dma_semaphore, #tpu.memory_space<semaphore_mem>>) src(%dma_wait3A_105 : memref<64x128xf32, #tpu.memory_space<hbm>>) dst(%arg7 : memref<64x128xf32, #tpu.memory_space<vmem>>)
      %dma_wait3A_106 = arith.constant 0 : i32
      %dma_wait3A_107 = tpu.memref_slice %arg3[%dma_wait3A_106] : memref<1000000xf32, #tpu.memory_space<hbm>> -> memref<128xf32, #tpu.memory_space<hbm>>
      %dma_wait3A_108 = arith.constant 0 : i32
      %dma_wait3A_109 = tpu.memref_slice %arg3[%dma_wait3A_108] : memref<1000000xf32, #tpu.memory_space<hbm>> -> memref<128xf32, #tpu.memory_space<hbm>>
      tpu.wait_dma2 semaphore(%arg13 : memref<!tpu.dma_semaphore, #tpu.memory_space<semaphore_mem>>) src(%dma_wait3A_109 : memref<128xf32, #tpu.memory_space<hbm>>) dst(%arg11 : memref<128xf32, #tpu.memory_space<vmem>>)
      %ge3A_110 = arith.constant 2 : i32
      %ge3A_111 = arith.cmpi sge, %add3A_93, %ge3A_110 : i32
      %convert_element_type3A_112 = arith.extui %ge3A_111 : i1 to i32
      %cond3A_113 = arith.constant 0 : i32
      %cond3A_114 = arith.cmpi ne, %convert_element_type3A_112, %cond3A_113 : i32
      scf.if %cond3A_114 {
        %dma_wait3A_146 = arith.constant 0 : i32
        %dma_wait3A_147 = arith.constant 0 : i32
        %dma_wait3A_148 = tpu.memref_slice %arg5[%dma_wait3A_146, %dma_wait3A_147] : memref<500032x128xf32, #tpu.memory_space<hbm>> -> memref<64x128xf32, #tpu.memory_space<hbm>>
        %dma_wait3A_149 = arith.constant 0 : i32
        %dma_wait3A_150 = arith.constant 0 : i32
        %dma_wait3A_151 = tpu.memref_slice %arg5[%dma_wait3A_149, %dma_wait3A_150] : memref<500032x128xf32, #tpu.memory_space<hbm>> -> memref<64x128xf32, #tpu.memory_space<hbm>>
        tpu.wait_dma2 semaphore(%arg14 : memref<!tpu.dma_semaphore, #tpu.memory_space<semaphore_mem>>) src(%arg8 : memref<64x128xf32, #tpu.memory_space<vmem>>) dst(%dma_wait3A_151 : memref<64x128xf32, #tpu.memory_space<hbm>>)
      } else {
      }
      %get3A_115 = arith.constant 0 : index
      %get3A_116 = tpu.vector_load %arg11[%get3A_115] {strides = array<i32>} : memref<128xf32, #tpu.memory_space<vmem>>, vector<16xf32>,
      %get3A_117 = arith.constant 16 : index
      %get3A_118 = tpu.vector_load %arg11[%get3A_117] {strides = array<i32>} : memref<128xf32, #tpu.memory_space<vmem>>, vector<16xf32>,
      %get3A_119 = arith.constant 32 : index
      %get3A_120 = tpu.vector_load %arg11[%get3A_119] {strides = array<i32>} : memref<128xf32, #tpu.memory_space<vmem>>, vector<16xf32>,
      %get3A_121 = arith.constant 48 : index
      %get3A_122 = tpu.vector_load %arg11[%get3A_121] {strides = array<i32>} : memref<128xf32, #tpu.memory_space<vmem>>, vector<16xf32>,
      %get3A_123 = arith.constant 64 : index
      %get3A_124 = tpu.vector_load %arg11[%get3A_123] {strides = array<i32>} : memref<128xf32, #tpu.memory_space<vmem>>, vector<16xf32>,
      %get3A_125 = arith.constant 80 : index
      %get3A_126 = tpu.vector_load %arg11[%get3A_125] {strides = array<i32>} : memref<128xf32, #tpu.memory_space<vmem>>, vector<16xf32>,
      %get3A_127 = arith.constant 96 : index
      %get3A_128 = tpu.vector_load %arg11[%get3A_127] {strides = array<i32>} : memref<128xf32, #tpu.memory_space<vmem>>, vector<16xf32>,
      %get3A_129 = arith.constant 112 : index
      %get3A_130 = tpu.vector_load %arg11[%get3A_129] {strides = array<i32>} : memref<128xf32, #tpu.memory_space<vmem>>, vector<16xf32>,
      %scan3A_131 = arith.constant 0 : i32
      %scan3A_132 = arith.constant 0 : i32
      %scan3A_133 = arith.constant 64 : i32
      %scan3A_134 = arith.addi %scan3A_132, %scan3A_133 : i32
      %scan3A_135 = arith.constant 2 : i32
      scf.for %scan3A_146 = %scan3A_132 to %scan3A_134 step %scan3A_135  : i32 {
        %xor3A = vector.broadcast %scan3A_146 : i32 to vector<16xi32>
        %xor3A_147 = arith.xori %iota3A, %xor3A : vector<16xi32>
        %add3A_148 = arith.constant 0 : i32
        %add3A_149 = vector.broadcast %add3A_148 : i32 to vector<16xi32>
        %add3A_150 = arith.addi %iota3A, %add3A_149 : vector<16xi32>
        %shift_right_arithmetic3A = arith.constant 1 : i32
        %shift_right_arithmetic3A_151 = vector.broadcast %shift_right_arithmetic3A : i32 to vector<16xi32>
        %shift_right_arithmetic3A_152 = arith.shrsi %add3A_150, %shift_right_arithmetic3A_151 : vector<16xi32>
        %and3A = arith.constant 1 : i32
        %and3A_153 = vector.broadcast %and3A : i32 to vector<16xi32>
        %and3A_154 = arith.andi %add3A_150, %and3A_153 : vector<16xi32>
        %mul3A_155 = arith.constant 64 : i32
        %mul3A_156 = vector.broadcast %mul3A_155 : i32 to vector<16xi32>
        %mul3A_157 = arith.muli %and3A_154, %mul3A_156 : vector<16xi32>
        %gather3A = tpu.vector_load_idx %arg7[%xor3A_147, %add3A_150] : memref<64x128xf32, #tpu.memory_space<vmem>>[vector<16xi32>, vector<16xi32>], vector<16xf32>,
        %add3A_158 = arith.addi %mul3A_157, %xor3A_147 : vector<16xi32>
        %mul3A_159 = arith.mulf %gather3A, %get3A_116 : vector<16xf32>
        tpu.vector_store_idx %arg9[%shift_right_arithmetic3A_152, %add3A_158], %mul3A_159 : memref<64x128xf32, #tpu.memory_space<vmem>>[vector<16xi32>, vector<16xi32>], vector<16xf32>,
        %add3A_160 = arith.constant 16 : i32
        %add3A_161 = vector.broadcast %add3A_160 : i32 to vector<16xi32>
        %add3A_162 = arith.addi %iota3A, %add3A_161 : vector<16xi32>
        %shift_right_arithmetic3A_163 = arith.constant 1 : i32
        %shift_right_arithmetic3A_164 = vector.broadcast %shift_right_arithmetic3A_163 : i32 to vector<16xi32>
        %shift_right_arithmetic3A_165 = arith.shrsi %add3A_162, %shift_right_arithmetic3A_164 : vector<16xi32>
        %and3A_166 = arith.constant 1 : i32
        %and3A_167 = vector.broadcast %and3A_166 : i32 to vector<16xi32>
        %and3A_168 = arith.andi %add3A_162, %and3A_167 : vector<16xi32>
        %mul3A_169 = arith.constant 64 : i32
        %mul3A_170 = vector.broadcast %mul3A_169 : i32 to vector<16xi32>
        %mul3A_171 = arith.muli %and3A_168, %mul3A_170 : vector<16xi32>
        %gather3A_172 = tpu.vector_load_idx %arg7[%xor3A_147, %add3A_162] : memref<64x128xf32, #tpu.memory_space<vmem>>[vector<16xi32>, vector<16xi32>], vector<16xf32>,
        %add3A_173 = arith.addi %mul3A_171, %xor3A_147 : vector<16xi32>
        %mul3A_174 = arith.mulf %gather3A_172, %get3A_118 : vector<16xf32>
        tpu.vector_store_idx %arg9[%shift_right_arithmetic3A_165, %add3A_173], %mul3A_174 : memref<64x128xf32, #tpu.memory_space<vmem>>[vector<16xi32>, vector<16xi32>], vector<16xf32>,
        %add3A_175 = arith.constant 32 : i32
        %add3A_176 = vector.broadcast %add3A_175 : i32 to vector<16xi32>
        %add3A_177 = arith.addi %iota3A, %add3A_176 : vector<16xi32>
        %shift_right_arithmetic3A_178 = arith.constant 1 : i32
        %shift_right_arithmetic3A_179 = vector.broadcast %shift_right_arithmetic3A_178 : i32 to vector<16xi32>
        %shift_right_arithmetic3A_180 = arith.shrsi %add3A_177, %shift_right_arithmetic3A_179 : vector<16xi32>
        %and3A_181 = arith.constant 1 : i32
        %and3A_182 = vector.broadcast %and3A_181 : i32 to vector<16xi32>
        %and3A_183 = arith.andi %add3A_177, %and3A_182 : vector<16xi32>
        %mul3A_184 = arith.constant 64 : i32
        %mul3A_185 = vector.broadcast %mul3A_184 : i32 to vector<16xi32>
        %mul3A_186 = arith.muli %and3A_183, %mul3A_185 : vector<16xi32>
        %gather3A_187 = tpu.vector_load_idx %arg7[%xor3A_147, %add3A_177] : memref<64x128xf32, #tpu.memory_space<vmem>>[vector<16xi32>, vector<16xi32>], vector<16xf32>,
        %add3A_188 = arith.addi %mul3A_186, %xor3A_147 : vector<16xi32>
        %mul3A_189 = arith.mulf %gather3A_187, %get3A_120 : vector<16xf32>
        tpu.vector_store_idx %arg9[%shift_right_arithmetic3A_180, %add3A_188], %mul3A_189 : memref<64x128xf32, #tpu.memory_space<vmem>>[vector<16xi32>, vector<16xi32>], vector<16xf32>,
        %add3A_190 = arith.constant 48 : i32
        %add3A_191 = vector.broadcast %add3A_190 : i32 to vector<16xi32>
        %add3A_192 = arith.addi %iota3A, %add3A_191 : vector<16xi32>
        %shift_right_arithmetic3A_193 = arith.constant 1 : i32
        %shift_right_arithmetic3A_194 = vector.broadcast %shift_right_arithmetic3A_193 : i32 to vector<16xi32>
        %shift_right_arithmetic3A_195 = arith.shrsi %add3A_192, %shift_right_arithmetic3A_194 : vector<16xi32>
        %and3A_196 = arith.constant 1 : i32
        %and3A_197 = vector.broadcast %and3A_196 : i32 to vector<16xi32>
        %and3A_198 = arith.andi %add3A_192, %and3A_197 : vector<16xi32>
        %mul3A_199 = arith.constant 64 : i32
        %mul3A_200 = vector.broadcast %mul3A_199 : i32 to vector<16xi32>
        %mul3A_201 = arith.muli %and3A_198, %mul3A_200 : vector<16xi32>
        %gather3A_202 = tpu.vector_load_idx %arg7[%xor3A_147, %add3A_192] : memref<64x128xf32, #tpu.memory_space<vmem>>[vector<16xi32>, vector<16xi32>], vector<16xf32>,
        %add3A_203 = arith.addi %mul3A_201, %xor3A_147 : vector<16xi32>
        %mul3A_204 = arith.mulf %gather3A_202, %get3A_122 : vector<16xf32>
        tpu.vector_store_idx %arg9[%shift_right_arithmetic3A_195, %add3A_203], %mul3A_204 : memref<64x128xf32, #tpu.memory_space<vmem>>[vector<16xi32>, vector<16xi32>], vector<16xf32>,
        %add3A_205 = arith.constant 64 : i32
        %add3A_206 = vector.broadcast %add3A_205 : i32 to vector<16xi32>
        %add3A_207 = arith.addi %iota3A, %add3A_206 : vector<16xi32>
        %shift_right_arithmetic3A_208 = arith.constant 1 : i32
        %shift_right_arithmetic3A_209 = vector.broadcast %shift_right_arithmetic3A_208 : i32 to vector<16xi32>
        %shift_right_arithmetic3A_210 = arith.shrsi %add3A_207, %shift_right_arithmetic3A_209 : vector<16xi32>
        %and3A_211 = arith.constant 1 : i32
        %and3A_212 = vector.broadcast %and3A_211 : i32 to vector<16xi32>
        %and3A_213 = arith.andi %add3A_207, %and3A_212 : vector<16xi32>
        %mul3A_214 = arith.constant 64 : i32
        %mul3A_215 = vector.broadcast %mul3A_214 : i32 to vector<16xi32>
        %mul3A_216 = arith.muli %and3A_213, %mul3A_215 : vector<16xi32>
        %gather3A_217 = tpu.vector_load_idx %arg7[%xor3A_147, %add3A_207] : memref<64x128xf32, #tpu.memory_space<vmem>>[vector<16xi32>, vector<16xi32>], vector<16xf32>,
        %add3A_218 = arith.addi %mul3A_216, %xor3A_147 : vector<16xi32>
        %mul3A_219 = arith.mulf %gather3A_217, %get3A_124 : vector<16xf32>
        tpu.vector_store_idx %arg9[%shift_right_arithmetic3A_210, %add3A_218], %mul3A_219 : memref<64x128xf32, #tpu.memory_space<vmem>>[vector<16xi32>, vector<16xi32>], vector<16xf32>,
        %add3A_220 = arith.constant 80 : i32
        %add3A_221 = vector.broadcast %add3A_220 : i32 to vector<16xi32>
        %add3A_222 = arith.addi %iota3A, %add3A_221 : vector<16xi32>
        %shift_right_arithmetic3A_223 = arith.constant 1 : i32
        %shift_right_arithmetic3A_224 = vector.broadcast %shift_right_arithmetic3A_223 : i32 to vector<16xi32>
        %shift_right_arithmetic3A_225 = arith.shrsi %add3A_222, %shift_right_arithmetic3A_224 : vector<16xi32>
        %and3A_226 = arith.constant 1 : i32
        %and3A_227 = vector.broadcast %and3A_226 : i32 to vector<16xi32>
        %and3A_228 = arith.andi %add3A_222, %and3A_227 : vector<16xi32>
        %mul3A_229 = arith.constant 64 : i32
        %mul3A_230 = vector.broadcast %mul3A_229 : i32 to vector<16xi32>
        %mul3A_231 = arith.muli %and3A_228, %mul3A_230 : vector<16xi32>
        %gather3A_232 = tpu.vector_load_idx %arg7[%xor3A_147, %add3A_222] : memref<64x128xf32, #tpu.memory_space<vmem>>[vector<16xi32>, vector<16xi32>], vector<16xf32>,
        %add3A_233 = arith.addi %mul3A_231, %xor3A_147 : vector<16xi32>
        %mul3A_234 = arith.mulf %gather3A_232, %get3A_126 : vector<16xf32>
        tpu.vector_store_idx %arg9[%shift_right_arithmetic3A_225, %add3A_233], %mul3A_234 : memref<64x128xf32, #tpu.memory_space<vmem>>[vector<16xi32>, vector<16xi32>], vector<16xf32>,
        %add3A_235 = arith.constant 96 : i32
        %add3A_236 = vector.broadcast %add3A_235 : i32 to vector<16xi32>
        %add3A_237 = arith.addi %iota3A, %add3A_236 : vector<16xi32>
        %shift_right_arithmetic3A_238 = arith.constant 1 : i32
        %shift_right_arithmetic3A_239 = vector.broadcast %shift_right_arithmetic3A_238 : i32 to vector<16xi32>
        %shift_right_arithmetic3A_240 = arith.shrsi %add3A_237, %shift_right_arithmetic3A_239 : vector<16xi32>
        %and3A_241 = arith.constant 1 : i32
        %and3A_242 = vector.broadcast %and3A_241 : i32 to vector<16xi32>
        %and3A_243 = arith.andi %add3A_237, %and3A_242 : vector<16xi32>
        %mul3A_244 = arith.constant 64 : i32
        %mul3A_245 = vector.broadcast %mul3A_244 : i32 to vector<16xi32>
        %mul3A_246 = arith.muli %and3A_243, %mul3A_245 : vector<16xi32>
        %gather3A_247 = tpu.vector_load_idx %arg7[%xor3A_147, %add3A_237] : memref<64x128xf32, #tpu.memory_space<vmem>>[vector<16xi32>, vector<16xi32>], vector<16xf32>,
        %add3A_248 = arith.addi %mul3A_246, %xor3A_147 : vector<16xi32>
        %mul3A_249 = arith.mulf %gather3A_247, %get3A_128 : vector<16xf32>
        tpu.vector_store_idx %arg9[%shift_right_arithmetic3A_240, %add3A_248], %mul3A_249 : memref<64x128xf32, #tpu.memory_space<vmem>>[vector<16xi32>, vector<16xi32>], vector<16xf32>,
        %add3A_250 = arith.constant 112 : i32
        %add3A_251 = vector.broadcast %add3A_250 : i32 to vector<16xi32>
        %add3A_252 = arith.addi %iota3A, %add3A_251 : vector<16xi32>
        %shift_right_arithmetic3A_253 = arith.constant 1 : i32
        %shift_right_arithmetic3A_254 = vector.broadcast %shift_right_arithmetic3A_253 : i32 to vector<16xi32>
        %shift_right_arithmetic3A_255 = arith.shrsi %add3A_252, %shift_right_arithmetic3A_254 : vector<16xi32>
        %and3A_256 = arith.constant 1 : i32
        %and3A_257 = vector.broadcast %and3A_256 : i32 to vector<16xi32>
        %and3A_258 = arith.andi %add3A_252, %and3A_257 : vector<16xi32>
        %mul3A_259 = arith.constant 64 : i32
        %mul3A_260 = vector.broadcast %mul3A_259 : i32 to vector<16xi32>
        %mul3A_261 = arith.muli %and3A_258, %mul3A_260 : vector<16xi32>
        %gather3A_262 = tpu.vector_load_idx %arg7[%xor3A_147, %add3A_252] : memref<64x128xf32, #tpu.memory_space<vmem>>[vector<16xi32>, vector<16xi32>], vector<16xf32>,
        %add3A_263 = arith.addi %mul3A_261, %xor3A_147 : vector<16xi32>
        %mul3A_264 = arith.mulf %gather3A_262, %get3A_130 : vector<16xf32>
        tpu.vector_store_idx %arg9[%shift_right_arithmetic3A_255, %add3A_263], %mul3A_264 : memref<64x128xf32, #tpu.memory_space<vmem>>[vector<16xi32>, vector<16xi32>], vector<16xf32>,
        %scan3A_265 = arith.constant 1 : i32
        %scan3A_266 = arith.addi %scan3A_146, %scan3A_265 : i32
        %xor3A_267 = vector.broadcast %scan3A_266 : i32 to vector<16xi32>
        %xor3A_268 = arith.xori %iota3A, %xor3A_267 : vector<16xi32>
        %add3A_269 = arith.constant 0 : i32
        %add3A_270 = vector.broadcast %add3A_269 : i32 to vector<16xi32>
        %add3A_271 = arith.addi %iota3A, %add3A_270 : vector<16xi32>
        %shift_right_arithmetic3A_272 = arith.constant 1 : i32
        %shift_right_arithmetic3A_273 = vector.broadcast %shift_right_arithmetic3A_272 : i32 to vector<16xi32>
        %shift_right_arithmetic3A_274 = arith.shrsi %add3A_271, %shift_right_arithmetic3A_273 : vector<16xi32>
        %and3A_275 = arith.constant 1 : i32
        %and3A_276 = vector.broadcast %and3A_275 : i32 to vector<16xi32>
        %and3A_277 = arith.andi %add3A_271, %and3A_276 : vector<16xi32>
        %mul3A_278 = arith.constant 64 : i32
        %mul3A_279 = vector.broadcast %mul3A_278 : i32 to vector<16xi32>
        %mul3A_280 = arith.muli %and3A_277, %mul3A_279 : vector<16xi32>
        %gather3A_281 = tpu.vector_load_idx %arg7[%xor3A_268, %add3A_271] : memref<64x128xf32, #tpu.memory_space<vmem>>[vector<16xi32>, vector<16xi32>], vector<16xf32>,
        %add3A_282 = arith.addi %mul3A_280, %xor3A_268 : vector<16xi32>
        %mul3A_283 = arith.mulf %gather3A_281, %get3A_116 : vector<16xf32>
        tpu.vector_store_idx %arg9[%shift_right_arithmetic3A_274, %add3A_282], %mul3A_283 : memref<64x128xf32, #tpu.memory_space<vmem>>[vector<16xi32>, vector<16xi32>], vector<16xf32>,
        %add3A_284 = arith.constant 16 : i32
        %add3A_285 = vector.broadcast %add3A_284 : i32 to vector<16xi32>
        %add3A_286 = arith.addi %iota3A, %add3A_285 : vector<16xi32>
        %shift_right_arithmetic3A_287 = arith.constant 1 : i32
        %shift_right_arithmetic3A_288 = vector.broadcast %shift_right_arithmetic3A_287 : i32 to vector<16xi32>
        %shift_right_arithmetic3A_289 = arith.shrsi %add3A_286, %shift_right_arithmetic3A_288 : vector<16xi32>
        %and3A_290 = arith.constant 1 : i32
        %and3A_291 = vector.broadcast %and3A_290 : i32 to vector<16xi32>
        %and3A_292 = arith.andi %add3A_286, %and3A_291 : vector<16xi32>
        %mul3A_293 = arith.constant 64 : i32
        %mul3A_294 = vector.broadcast %mul3A_293 : i32 to vector<16xi32>
        %mul3A_295 = arith.muli %and3A_292, %mul3A_294 : vector<16xi32>
        %gather3A_296 = tpu.vector_load_idx %arg7[%xor3A_268, %add3A_286] : memref<64x128xf32, #tpu.memory_space<vmem>>[vector<16xi32>, vector<16xi32>], vector<16xf32>,
        %add3A_297 = arith.addi %mul3A_295, %xor3A_268 : vector<16xi32>
        %mul3A_298 = arith.mulf %gather3A_296, %get3A_118 : vector<16xf32>
        tpu.vector_store_idx %arg9[%shift_right_arithmetic3A_289, %add3A_297], %mul3A_298 : memref<64x128xf32, #tpu.memory_space<vmem>>[vector<16xi32>, vector<16xi32>], vector<16xf32>,
        %add3A_299 = arith.constant 32 : i32
        %add3A_300 = vector.broadcast %add3A_299 : i32 to vector<16xi32>
        %add3A_301 = arith.addi %iota3A, %add3A_300 : vector<16xi32>
        %shift_right_arithmetic3A_302 = arith.constant 1 : i32
        %shift_right_arithmetic3A_303 = vector.broadcast %shift_right_arithmetic3A_302 : i32 to vector<16xi32>
        %shift_right_arithmetic3A_304 = arith.shrsi %add3A_301, %shift_right_arithmetic3A_303 : vector<16xi32>
        %and3A_305 = arith.constant 1 : i32
        %and3A_306 = vector.broadcast %and3A_305 : i32 to vector<16xi32>
        %and3A_307 = arith.andi %add3A_301, %and3A_306 : vector<16xi32>
        %mul3A_308 = arith.constant 64 : i32
        %mul3A_309 = vector.broadcast %mul3A_308 : i32 to vector<16xi32>
        %mul3A_310 = arith.muli %and3A_307, %mul3A_309 : vector<16xi32>
        %gather3A_311 = tpu.vector_load_idx %arg7[%xor3A_268, %add3A_301] : memref<64x128xf32, #tpu.memory_space<vmem>>[vector<16xi32>, vector<16xi32>], vector<16xf32>,
        %add3A_312 = arith.addi %mul3A_310, %xor3A_268 : vector<16xi32>
        %mul3A_313 = arith.mulf %gather3A_311, %get3A_120 : vector<16xf32>
        tpu.vector_store_idx %arg9[%shift_right_arithmetic3A_304, %add3A_312], %mul3A_313 : memref<64x128xf32, #tpu.memory_space<vmem>>[vector<16xi32>, vector<16xi32>], vector<16xf32>,
        %add3A_314 = arith.constant 48 : i32
        %add3A_315 = vector.broadcast %add3A_314 : i32 to vector<16xi32>
        %add3A_316 = arith.addi %iota3A, %add3A_315 : vector<16xi32>
        %shift_right_arithmetic3A_317 = arith.constant 1 : i32
        %shift_right_arithmetic3A_318 = vector.broadcast %shift_right_arithmetic3A_317 : i32 to vector<16xi32>
        %shift_right_arithmetic3A_319 = arith.shrsi %add3A_316, %shift_right_arithmetic3A_318 : vector<16xi32>
        %and3A_320 = arith.constant 1 : i32
        %and3A_321 = vector.broadcast %and3A_320 : i32 to vector<16xi32>
        %and3A_322 = arith.andi %add3A_316, %and3A_321 : vector<16xi32>
        %mul3A_323 = arith.constant 64 : i32
        %mul3A_324 = vector.broadcast %mul3A_323 : i32 to vector<16xi32>
        %mul3A_325 = arith.muli %and3A_322, %mul3A_324 : vector<16xi32>
        %gather3A_326 = tpu.vector_load_idx %arg7[%xor3A_268, %add3A_316] : memref<64x128xf32, #tpu.memory_space<vmem>>[vector<16xi32>, vector<16xi32>], vector<16xf32>,
        %add3A_327 = arith.addi %mul3A_325, %xor3A_268 : vector<16xi32>
        %mul3A_328 = arith.mulf %gather3A_326, %get3A_122 : vector<16xf32>
        tpu.vector_store_idx %arg9[%shift_right_arithmetic3A_319, %add3A_327], %mul3A_328 : memref<64x128xf32, #tpu.memory_space<vmem>>[vector<16xi32>, vector<16xi32>], vector<16xf32>,
        %add3A_329 = arith.constant 64 : i32
        %add3A_330 = vector.broadcast %add3A_329 : i32 to vector<16xi32>
        %add3A_331 = arith.addi %iota3A, %add3A_330 : vector<16xi32>
        %shift_right_arithmetic3A_332 = arith.constant 1 : i32
        %shift_right_arithmetic3A_333 = vector.broadcast %shift_right_arithmetic3A_332 : i32 to vector<16xi32>
        %shift_right_arithmetic3A_334 = arith.shrsi %add3A_331, %shift_right_arithmetic3A_333 : vector<16xi32>
        %and3A_335 = arith.constant 1 : i32
        %and3A_336 = vector.broadcast %and3A_335 : i32 to vector<16xi32>
        %and3A_337 = arith.andi %add3A_331, %and3A_336 : vector<16xi32>
        %mul3A_338 = arith.constant 64 : i32
        %mul3A_339 = vector.broadcast %mul3A_338 : i32 to vector<16xi32>
        %mul3A_340 = arith.muli %and3A_337, %mul3A_339 : vector<16xi32>
        %gather3A_341 = tpu.vector_load_idx %arg7[%xor3A_268, %add3A_331] : memref<64x128xf32, #tpu.memory_space<vmem>>[vector<16xi32>, vector<16xi32>], vector<16xf32>,
        %add3A_342 = arith.addi %mul3A_340, %xor3A_268 : vector<16xi32>
        %mul3A_343 = arith.mulf %gather3A_341, %get3A_124 : vector<16xf32>
        tpu.vector_store_idx %arg9[%shift_right_arithmetic3A_334, %add3A_342], %mul3A_343 : memref<64x128xf32, #tpu.memory_space<vmem>>[vector<16xi32>, vector<16xi32>], vector<16xf32>,
        %add3A_344 = arith.constant 80 : i32
        %add3A_345 = vector.broadcast %add3A_344 : i32 to vector<16xi32>
        %add3A_346 = arith.addi %iota3A, %add3A_345 : vector<16xi32>
        %shift_right_arithmetic3A_347 = arith.constant 1 : i32
        %shift_right_arithmetic3A_348 = vector.broadcast %shift_right_arithmetic3A_347 : i32 to vector<16xi32>
        %shift_right_arithmetic3A_349 = arith.shrsi %add3A_346, %shift_right_arithmetic3A_348 : vector<16xi32>
        %and3A_350 = arith.constant 1 : i32
        %and3A_351 = vector.broadcast %and3A_350 : i32 to vector<16xi32>
        %and3A_352 = arith.andi %add3A_346, %and3A_351 : vector<16xi32>
        %mul3A_353 = arith.constant 64 : i32
        %mul3A_354 = vector.broadcast %mul3A_353 : i32 to vector<16xi32>
        %mul3A_355 = arith.muli %and3A_352, %mul3A_354 : vector<16xi32>
        %gather3A_356 = tpu.vector_load_idx %arg7[%xor3A_268, %add3A_346] : memref<64x128xf32, #tpu.memory_space<vmem>>[vector<16xi32>, vector<16xi32>], vector<16xf32>,
        %add3A_357 = arith.addi %mul3A_355, %xor3A_268 : vector<16xi32>
        %mul3A_358 = arith.mulf %gather3A_356, %get3A_126 : vector<16xf32>
        tpu.vector_store_idx %arg9[%shift_right_arithmetic3A_349, %add3A_357], %mul3A_358 : memref<64x128xf32, #tpu.memory_space<vmem>>[vector<16xi32>, vector<16xi32>], vector<16xf32>,
        %add3A_359 = arith.constant 96 : i32
        %add3A_360 = vector.broadcast %add3A_359 : i32 to vector<16xi32>
        %add3A_361 = arith.addi %iota3A, %add3A_360 : vector<16xi32>
        %shift_right_arithmetic3A_362 = arith.constant 1 : i32
        %shift_right_arithmetic3A_363 = vector.broadcast %shift_right_arithmetic3A_362 : i32 to vector<16xi32>
        %shift_right_arithmetic3A_364 = arith.shrsi %add3A_361, %shift_right_arithmetic3A_363 : vector<16xi32>
        %and3A_365 = arith.constant 1 : i32
        %and3A_366 = vector.broadcast %and3A_365 : i32 to vector<16xi32>
        %and3A_367 = arith.andi %add3A_361, %and3A_366 : vector<16xi32>
        %mul3A_368 = arith.constant 64 : i32
        %mul3A_369 = vector.broadcast %mul3A_368 : i32 to vector<16xi32>
        %mul3A_370 = arith.muli %and3A_367, %mul3A_369 : vector<16xi32>
        %gather3A_371 = tpu.vector_load_idx %arg7[%xor3A_268, %add3A_361] : memref<64x128xf32, #tpu.memory_space<vmem>>[vector<16xi32>, vector<16xi32>], vector<16xf32>,
        %add3A_372 = arith.addi %mul3A_370, %xor3A_268 : vector<16xi32>
        %mul3A_373 = arith.mulf %gather3A_371, %get3A_128 : vector<16xf32>
        tpu.vector_store_idx %arg9[%shift_right_arithmetic3A_364, %add3A_372], %mul3A_373 : memref<64x128xf32, #tpu.memory_space<vmem>>[vector<16xi32>, vector<16xi32>], vector<16xf32>,
        %add3A_374 = arith.constant 112 : i32
        %add3A_375 = vector.broadcast %add3A_374 : i32 to vector<16xi32>
        %add3A_376 = arith.addi %iota3A, %add3A_375 : vector<16xi32>
        %shift_right_arithmetic3A_377 = arith.constant 1 : i32
        %shift_right_arithmetic3A_378 = vector.broadcast %shift_right_arithmetic3A_377 : i32 to vector<16xi32>
        %shift_right_arithmetic3A_379 = arith.shrsi %add3A_376, %shift_right_arithmetic3A_378 : vector<16xi32>
        %and3A_380 = arith.constant 1 : i32
        %and3A_381 = vector.broadcast %and3A_380 : i32 to vector<16xi32>
        %and3A_382 = arith.andi %add3A_376, %and3A_381 : vector<16xi32>
        %mul3A_383 = arith.constant 64 : i32
        %mul3A_384 = vector.broadcast %mul3A_383 : i32 to vector<16xi32>
        %mul3A_385 = arith.muli %and3A_382, %mul3A_384 : vector<16xi32>
        %gather3A_386 = tpu.vector_load_idx %arg7[%xor3A_268, %add3A_376] : memref<64x128xf32, #tpu.memory_space<vmem>>[vector<16xi32>, vector<16xi32>], vector<16xf32>,
        %add3A_387 = arith.addi %mul3A_385, %xor3A_268 : vector<16xi32>
        %mul3A_388 = arith.mulf %gather3A_386, %get3A_130 : vector<16xf32>
        tpu.vector_store_idx %arg9[%shift_right_arithmetic3A_379, %add3A_387], %mul3A_388 : memref<64x128xf32, #tpu.memory_space<vmem>>[vector<16xi32>, vector<16xi32>], vector<16xf32>,
      }
      %scan3A_136 = arith.constant 64 : i32
      %mul3A_137 = arith.constant 32 : i32
      %mul3A_138 = arith.muli %add3A_93, %mul3A_137 : i32
      %add3A_139 = arith.addi %mul3A_138, %add3A : i32
      %mul3A_140 = arith.constant 64 : i32
      %mul3A_141 = arith.muli %add3A_139, %mul3A_140 : i32
      %dma_start3A_142 = arith.constant 0 : i32
      %dma_start3A_143 = tpu.memref_slice %arg5[%mul3A_141, %dma_start3A_142] : memref<500032x128xf32, #tpu.memory_space<hbm>> -> memref<64x128xf32, #tpu.memory_space<hbm>>
      %dma_start3A_144 = arith.constant 0 : i32
      %dma_start3A_145 = tpu.memref_slice %arg5[%mul3A_141, %dma_start3A_144] : memref<500032x128xf32, #tpu.memory_space<hbm>> -> memref<64x128xf32, #tpu.memory_space<hbm>>
      tpu.enqueue_dma source(%arg9 : memref<64x128xf32, #tpu.memory_space<vmem>>) target(%dma_start3A_145 : memref<64x128xf32, #tpu.memory_space<hbm>>) target_semaphore(%arg14 : memref<!tpu.dma_semaphore, #tpu.memory_space<semaphore_mem>>)
    }
    %scan3A_18 = arith.constant 122 : i32
    %dma_wait3A = arith.constant 0 : i32
    %dma_wait3A_19 = arith.constant 0 : i32
    %dma_wait3A_20 = tpu.memref_slice %arg5[%dma_wait3A, %dma_wait3A_19] : memref<500032x128xf32, #tpu.memory_space<hbm>> -> memref<64x128xf32, #tpu.memory_space<hbm>>
    %dma_wait3A_21 = arith.constant 0 : i32
    %dma_wait3A_22 = arith.constant 0 : i32
    %dma_wait3A_23 = tpu.memref_slice %arg5[%dma_wait3A_21, %dma_wait3A_22] : memref<500032x128xf32, #tpu.memory_space<hbm>> -> memref<64x128xf32, #tpu.memory_space<hbm>>
    tpu.wait_dma2 semaphore(%arg14 : memref<!tpu.dma_semaphore, #tpu.memory_space<semaphore_mem>>) src(%arg8 : memref<64x128xf32, #tpu.memory_space<vmem>>) dst(%dma_wait3A_23 : memref<64x128xf32, #tpu.memory_space<hbm>>)
    %dma_wait3A_24 = arith.constant 0 : i32
    %dma_wait3A_25 = arith.constant 0 : i32
    %dma_wait3A_26 = tpu.memref_slice %arg5[%dma_wait3A_24, %dma_wait3A_25] : memref<500032x128xf32, #tpu.memory_space<hbm>> -> memref<64x128xf32, #tpu.memory_space<hbm>>
    %dma_wait3A_27 = arith.constant 0 : i32
    %dma_wait3A_28 = arith.constant 0 : i32
    %dma_wait3A_29 = tpu.memref_slice %arg5[%dma_wait3A_27, %dma_wait3A_28] : memref<500032x128xf32, #tpu.memory_space<hbm>> -> memref<64x128xf32, #tpu.memory_space<hbm>>
    tpu.wait_dma2 semaphore(%arg14 : memref<!tpu.dma_semaphore, #tpu.memory_space<semaphore_mem>>) src(%arg8 : memref<64x128xf32, #tpu.memory_space<vmem>>) dst(%dma_wait3A_29 : memref<64x128xf32, #tpu.memory_space<hbm>>)
    %lt3A_30 = arith.constant 4 : i32
    %lt3A_31 = arith.cmpi slt, %add3A, %lt3A_30 : i32
    %convert_element_type3A = arith.extui %lt3A_31 : i1 to i32
    %cond3A = arith.constant 0 : i32
    %cond3A_32 = arith.cmpi ne, %convert_element_type3A, %cond3A : i32
    scf.if %cond3A_32 {
      %dma_wait3A_37 = arith.constant 0 : i32
      %dma_wait3A_38 = arith.constant 0 : i32
      %dma_wait3A_39 = tpu.memref_slice %arg2[%dma_wait3A_37, %dma_wait3A_38] : memref<64x1000000xf32, #tpu.memory_space<hbm>> -> memref<64x128xf32, #tpu.memory_space<hbm>>
      %dma_wait3A_40 = arith.constant 0 : i32
      %dma_wait3A_41 = arith.constant 0 : i32
      %dma_wait3A_42 = tpu.memref_slice %arg2[%dma_wait3A_40, %dma_wait3A_41] : memref<64x1000000xf32, #tpu.memory_space<hbm>> -> memref<64x128xf32, #tpu.memory_space<hbm>>
      tpu.wait_dma2 semaphore(%arg12 : memref<!tpu.dma_semaphore, #tpu.memory_space<semaphore_mem>>) src(%dma_wait3A_42 : memref<64x128xf32, #tpu.memory_space<hbm>>) dst(%arg6 : memref<64x128xf32, #tpu.memory_space<vmem>>)
      %dma_wait3A_43 = arith.constant 0 : i32
      %dma_wait3A_44 = tpu.memref_slice %arg3[%dma_wait3A_43] : memref<1000000xf32, #tpu.memory_space<hbm>> -> memref<128xf32, #tpu.memory_space<hbm>>
      %dma_wait3A_45 = arith.constant 0 : i32
      %dma_wait3A_46 = tpu.memref_slice %arg3[%dma_wait3A_45] : memref<1000000xf32, #tpu.memory_space<hbm>> -> memref<128xf32, #tpu.memory_space<hbm>>
      tpu.wait_dma2 semaphore(%arg12 : memref<!tpu.dma_semaphore, #tpu.memory_space<semaphore_mem>>) src(%dma_wait3A_46 : memref<128xf32, #tpu.memory_space<hbm>>) dst(%arg10 : memref<128xf32, #tpu.memory_space<vmem>>)
      %get3A = arith.constant 0 : index
      %get3A_47 = tpu.vector_load %arg10[%get3A] {strides = array<i32>} : memref<128xf32, #tpu.memory_space<vmem>>, vector<16xf32>,
      %get3A_48 = arith.constant 16 : index
      %get3A_49 = tpu.vector_load %arg10[%get3A_48] {strides = array<i32>} : memref<128xf32, #tpu.memory_space<vmem>>, vector<16xf32>,
      %get3A_50 = arith.constant 32 : index
      %get3A_51 = tpu.vector_load %arg10[%get3A_50] {strides = array<i32>} : memref<128xf32, #tpu.memory_space<vmem>>, vector<16xf32>,
      %get3A_52 = arith.constant 48 : index
      %get3A_53 = tpu.vector_load %arg10[%get3A_52] {strides = array<i32>} : memref<128xf32, #tpu.memory_space<vmem>>, vector<16xf32>,
      %get3A_54 = arith.constant 64 : index
      %get3A_55 = tpu.vector_load %arg10[%get3A_54] {strides = array<i32>} : memref<128xf32, #tpu.memory_space<vmem>>, vector<16xf32>,
      %get3A_56 = arith.constant 80 : index
      %get3A_57 = tpu.vector_load %arg10[%get3A_56] {strides = array<i32>} : memref<128xf32, #tpu.memory_space<vmem>>, vector<16xf32>,
      %get3A_58 = arith.constant 96 : index
      %get3A_59 = tpu.vector_load %arg10[%get3A_58] {strides = array<i32>} : memref<128xf32, #tpu.memory_space<vmem>>, vector<16xf32>,
      %get3A_60 = arith.constant 112 : index
      %get3A_61 = tpu.vector_load %arg10[%get3A_60] {strides = array<i32>} : memref<128xf32, #tpu.memory_space<vmem>>, vector<16xf32>,
      %scan3A_62 = arith.constant 0 : i32
      %scan3A_63 = arith.constant 0 : i32
      %scan3A_64 = arith.constant 64 : i32
      %scan3A_65 = arith.addi %scan3A_63, %scan3A_64 : i32
      %scan3A_66 = arith.constant 2 : i32
      scf.for %scan3A_72 = %scan3A_63 to %scan3A_65 step %scan3A_66  : i32 {
        %xor3A = vector.broadcast %scan3A_72 : i32 to vector<16xi32>
        %xor3A_73 = arith.xori %iota3A, %xor3A : vector<16xi32>
        %add3A_74 = arith.constant 0 : i32
        %add3A_75 = vector.broadcast %add3A_74 : i32 to vector<16xi32>
        %add3A_76 = arith.addi %iota3A, %add3A_75 : vector<16xi32>
        %shift_right_arithmetic3A = arith.constant 1 : i32
        %shift_right_arithmetic3A_77 = vector.broadcast %shift_right_arithmetic3A : i32 to vector<16xi32>
        %shift_right_arithmetic3A_78 = arith.shrsi %add3A_76, %shift_right_arithmetic3A_77 : vector<16xi32>
        %and3A = arith.constant 1 : i32
        %and3A_79 = vector.broadcast %and3A : i32 to vector<16xi32>
        %and3A_80 = arith.andi %add3A_76, %and3A_79 : vector<16xi32>
        %mul3A_81 = arith.constant 64 : i32
        %mul3A_82 = vector.broadcast %mul3A_81 : i32 to vector<16xi32>
        %mul3A_83 = arith.muli %and3A_80, %mul3A_82 : vector<16xi32>
        %gather3A = tpu.vector_load_idx %arg6[%xor3A_73, %add3A_76] : memref<64x128xf32, #tpu.memory_space<vmem>>[vector<16xi32>, vector<16xi32>], vector<16xf32>,
        %add3A_84 = arith.addi %mul3A_83, %xor3A_73 : vector<16xi32>
        %mul3A_85 = arith.mulf %gather3A, %get3A_47 : vector<16xf32>
        tpu.vector_store_idx %arg8[%shift_right_arithmetic3A_78, %add3A_84], %mul3A_85 : memref<64x128xf32, #tpu.memory_space<vmem>>[vector<16xi32>, vector<16xi32>], vector<16xf32>,
        %add3A_86 = arith.constant 16 : i32
        %add3A_87 = vector.broadcast %add3A_86 : i32 to vector<16xi32>
        %add3A_88 = arith.addi %iota3A, %add3A_87 : vector<16xi32>
        %shift_right_arithmetic3A_89 = arith.constant 1 : i32
        %shift_right_arithmetic3A_90 = vector.broadcast %shift_right_arithmetic3A_89 : i32 to vector<16xi32>
        %shift_right_arithmetic3A_91 = arith.shrsi %add3A_88, %shift_right_arithmetic3A_90 : vector<16xi32>
        %and3A_92 = arith.constant 1 : i32
        %and3A_93 = vector.broadcast %and3A_92 : i32 to vector<16xi32>
        %and3A_94 = arith.andi %add3A_88, %and3A_93 : vector<16xi32>
        %mul3A_95 = arith.constant 64 : i32
        %mul3A_96 = vector.broadcast %mul3A_95 : i32 to vector<16xi32>
        %mul3A_97 = arith.muli %and3A_94, %mul3A_96 : vector<16xi32>
        %gather3A_98 = tpu.vector_load_idx %arg6[%xor3A_73, %add3A_88] : memref<64x128xf32, #tpu.memory_space<vmem>>[vector<16xi32>, vector<16xi32>], vector<16xf32>,
        %add3A_99 = arith.addi %mul3A_97, %xor3A_73 : vector<16xi32>
        %mul3A_100 = arith.mulf %gather3A_98, %get3A_49 : vector<16xf32>
        tpu.vector_store_idx %arg8[%shift_right_arithmetic3A_91, %add3A_99], %mul3A_100 : memref<64x128xf32, #tpu.memory_space<vmem>>[vector<16xi32>, vector<16xi32>], vector<16xf32>,
        %add3A_101 = arith.constant 32 : i32
        %add3A_102 = vector.broadcast %add3A_101 : i32 to vector<16xi32>
        %add3A_103 = arith.addi %iota3A, %add3A_102 : vector<16xi32>
        %shift_right_arithmetic3A_104 = arith.constant 1 : i32
        %shift_right_arithmetic3A_105 = vector.broadcast %shift_right_arithmetic3A_104 : i32 to vector<16xi32>
        %shift_right_arithmetic3A_106 = arith.shrsi %add3A_103, %shift_right_arithmetic3A_105 : vector<16xi32>
        %and3A_107 = arith.constant 1 : i32
        %and3A_108 = vector.broadcast %and3A_107 : i32 to vector<16xi32>
        %and3A_109 = arith.andi %add3A_103, %and3A_108 : vector<16xi32>
        %mul3A_110 = arith.constant 64 : i32
        %mul3A_111 = vector.broadcast %mul3A_110 : i32 to vector<16xi32>
        %mul3A_112 = arith.muli %and3A_109, %mul3A_111 : vector<16xi32>
        %gather3A_113 = tpu.vector_load_idx %arg6[%xor3A_73, %add3A_103] : memref<64x128xf32, #tpu.memory_space<vmem>>[vector<16xi32>, vector<16xi32>], vector<16xf32>,
        %add3A_114 = arith.addi %mul3A_112, %xor3A_73 : vector<16xi32>
        %mul3A_115 = arith.mulf %gather3A_113, %get3A_51 : vector<16xf32>
        tpu.vector_store_idx %arg8[%shift_right_arithmetic3A_106, %add3A_114], %mul3A_115 : memref<64x128xf32, #tpu.memory_space<vmem>>[vector<16xi32>, vector<16xi32>], vector<16xf32>,
        %add3A_116 = arith.constant 48 : i32
        %add3A_117 = vector.broadcast %add3A_116 : i32 to vector<16xi32>
        %add3A_118 = arith.addi %iota3A, %add3A_117 : vector<16xi32>
        %shift_right_arithmetic3A_119 = arith.constant 1 : i32
        %shift_right_arithmetic3A_120 = vector.broadcast %shift_right_arithmetic3A_119 : i32 to vector<16xi32>
        %shift_right_arithmetic3A_121 = arith.shrsi %add3A_118, %shift_right_arithmetic3A_120 : vector<16xi32>
        %and3A_122 = arith.constant 1 : i32
        %and3A_123 = vector.broadcast %and3A_122 : i32 to vector<16xi32>
        %and3A_124 = arith.andi %add3A_118, %and3A_123 : vector<16xi32>
        %mul3A_125 = arith.constant 64 : i32
        %mul3A_126 = vector.broadcast %mul3A_125 : i32 to vector<16xi32>
        %mul3A_127 = arith.muli %and3A_124, %mul3A_126 : vector<16xi32>
        %gather3A_128 = tpu.vector_load_idx %arg6[%xor3A_73, %add3A_118] : memref<64x128xf32, #tpu.memory_space<vmem>>[vector<16xi32>, vector<16xi32>], vector<16xf32>,
        %add3A_129 = arith.addi %mul3A_127, %xor3A_73 : vector<16xi32>
        %mul3A_130 = arith.mulf %gather3A_128, %get3A_53 : vector<16xf32>
        tpu.vector_store_idx %arg8[%shift_right_arithmetic3A_121, %add3A_129], %mul3A_130 : memref<64x128xf32, #tpu.memory_space<vmem>>[vector<16xi32>, vector<16xi32>], vector<16xf32>,
        %add3A_131 = arith.constant 64 : i32
        %add3A_132 = vector.broadcast %add3A_131 : i32 to vector<16xi32>
        %add3A_133 = arith.addi %iota3A, %add3A_132 : vector<16xi32>
        %shift_right_arithmetic3A_134 = arith.constant 1 : i32
        %shift_right_arithmetic3A_135 = vector.broadcast %shift_right_arithmetic3A_134 : i32 to vector<16xi32>
        %shift_right_arithmetic3A_136 = arith.shrsi %add3A_133, %shift_right_arithmetic3A_135 : vector<16xi32>
        %and3A_137 = arith.constant 1 : i32
        %and3A_138 = vector.broadcast %and3A_137 : i32 to vector<16xi32>
        %and3A_139 = arith.andi %add3A_133, %and3A_138 : vector<16xi32>
        %mul3A_140 = arith.constant 64 : i32
        %mul3A_141 = vector.broadcast %mul3A_140 : i32 to vector<16xi32>
        %mul3A_142 = arith.muli %and3A_139, %mul3A_141 : vector<16xi32>
        %gather3A_143 = tpu.vector_load_idx %arg6[%xor3A_73, %add3A_133] : memref<64x128xf32, #tpu.memory_space<vmem>>[vector<16xi32>, vector<16xi32>], vector<16xf32>,
        %add3A_144 = arith.addi %mul3A_142, %xor3A_73 : vector<16xi32>
        %mul3A_145 = arith.mulf %gather3A_143, %get3A_55 : vector<16xf32>
        tpu.vector_store_idx %arg8[%shift_right_arithmetic3A_136, %add3A_144], %mul3A_145 : memref<64x128xf32, #tpu.memory_space<vmem>>[vector<16xi32>, vector<16xi32>], vector<16xf32>,
        %add3A_146 = arith.constant 80 : i32
        %add3A_147 = vector.broadcast %add3A_146 : i32 to vector<16xi32>
        %add3A_148 = arith.addi %iota3A, %add3A_147 : vector<16xi32>
        %shift_right_arithmetic3A_149 = arith.constant 1 : i32
        %shift_right_arithmetic3A_150 = vector.broadcast %shift_right_arithmetic3A_149 : i32 to vector<16xi32>
        %shift_right_arithmetic3A_151 = arith.shrsi %add3A_148, %shift_right_arithmetic3A_150 : vector<16xi32>
        %and3A_152 = arith.constant 1 : i32
        %and3A_153 = vector.broadcast %and3A_152 : i32 to vector<16xi32>
        %and3A_154 = arith.andi %add3A_148, %and3A_153 : vector<16xi32>
        %mul3A_155 = arith.constant 64 : i32
        %mul3A_156 = vector.broadcast %mul3A_155 : i32 to vector<16xi32>
        %mul3A_157 = arith.muli %and3A_154, %mul3A_156 : vector<16xi32>
        %gather3A_158 = tpu.vector_load_idx %arg6[%xor3A_73, %add3A_148] : memref<64x128xf32, #tpu.memory_space<vmem>>[vector<16xi32>, vector<16xi32>], vector<16xf32>,
        %add3A_159 = arith.addi %mul3A_157, %xor3A_73 : vector<16xi32>
        %mul3A_160 = arith.mulf %gather3A_158, %get3A_57 : vector<16xf32>
        tpu.vector_store_idx %arg8[%shift_right_arithmetic3A_151, %add3A_159], %mul3A_160 : memref<64x128xf32, #tpu.memory_space<vmem>>[vector<16xi32>, vector<16xi32>], vector<16xf32>,
        %add3A_161 = arith.constant 96 : i32
        %add3A_162 = vector.broadcast %add3A_161 : i32 to vector<16xi32>
        %add3A_163 = arith.addi %iota3A, %add3A_162 : vector<16xi32>
        %shift_right_arithmetic3A_164 = arith.constant 1 : i32
        %shift_right_arithmetic3A_165 = vector.broadcast %shift_right_arithmetic3A_164 : i32 to vector<16xi32>
        %shift_right_arithmetic3A_166 = arith.shrsi %add3A_163, %shift_right_arithmetic3A_165 : vector<16xi32>
        %and3A_167 = arith.constant 1 : i32
        %and3A_168 = vector.broadcast %and3A_167 : i32 to vector<16xi32>
        %and3A_169 = arith.andi %add3A_163, %and3A_168 : vector<16xi32>
        %mul3A_170 = arith.constant 64 : i32
        %mul3A_171 = vector.broadcast %mul3A_170 : i32 to vector<16xi32>
        %mul3A_172 = arith.muli %and3A_169, %mul3A_171 : vector<16xi32>
        %gather3A_173 = tpu.vector_load_idx %arg6[%xor3A_73, %add3A_163] : memref<64x128xf32, #tpu.memory_space<vmem>>[vector<16xi32>, vector<16xi32>], vector<16xf32>,
        %add3A_174 = arith.addi %mul3A_172, %xor3A_73 : vector<16xi32>
        %mul3A_175 = arith.mulf %gather3A_173, %get3A_59 : vector<16xf32>
        tpu.vector_store_idx %arg8[%shift_right_arithmetic3A_166, %add3A_174], %mul3A_175 : memref<64x128xf32, #tpu.memory_space<vmem>>[vector<16xi32>, vector<16xi32>], vector<16xf32>,
        %add3A_176 = arith.constant 112 : i32
        %add3A_177 = vector.broadcast %add3A_176 : i32 to vector<16xi32>
        %add3A_178 = arith.addi %iota3A, %add3A_177 : vector<16xi32>
        %shift_right_arithmetic3A_179 = arith.constant 1 : i32
        %shift_right_arithmetic3A_180 = vector.broadcast %shift_right_arithmetic3A_179 : i32 to vector<16xi32>
        %shift_right_arithmetic3A_181 = arith.shrsi %add3A_178, %shift_right_arithmetic3A_180 : vector<16xi32>
        %and3A_182 = arith.constant 1 : i32
        %and3A_183 = vector.broadcast %and3A_182 : i32 to vector<16xi32>
        %and3A_184 = arith.andi %add3A_178, %and3A_183 : vector<16xi32>
        %mul3A_185 = arith.constant 64 : i32
        %mul3A_186 = vector.broadcast %mul3A_185 : i32 to vector<16xi32>
        %mul3A_187 = arith.muli %and3A_184, %mul3A_186 : vector<16xi32>
        %gather3A_188 = tpu.vector_load_idx %arg6[%xor3A_73, %add3A_178] : memref<64x128xf32, #tpu.memory_space<vmem>>[vector<16xi32>, vector<16xi32>], vector<16xf32>,
        %add3A_189 = arith.addi %mul3A_187, %xor3A_73 : vector<16xi32>
        %mul3A_190 = arith.mulf %gather3A_188, %get3A_61 : vector<16xf32>
        tpu.vector_store_idx %arg8[%shift_right_arithmetic3A_181, %add3A_189], %mul3A_190 : memref<64x128xf32, #tpu.memory_space<vmem>>[vector<16xi32>, vector<16xi32>], vector<16xf32>,
        %scan3A_191 = arith.constant 1 : i32
        %scan3A_192 = arith.addi %scan3A_72, %scan3A_191 : i32
        %xor3A_193 = vector.broadcast %scan3A_192 : i32 to vector<16xi32>
        %xor3A_194 = arith.xori %iota3A, %xor3A_193 : vector<16xi32>
        %add3A_195 = arith.constant 0 : i32
        %add3A_196 = vector.broadcast %add3A_195 : i32 to vector<16xi32>
        %add3A_197 = arith.addi %iota3A, %add3A_196 : vector<16xi32>
        %shift_right_arithmetic3A_198 = arith.constant 1 : i32
        %shift_right_arithmetic3A_199 = vector.broadcast %shift_right_arithmetic3A_198 : i32 to vector<16xi32>
        %shift_right_arithmetic3A_200 = arith.shrsi %add3A_197, %shift_right_arithmetic3A_199 : vector<16xi32>
        %and3A_201 = arith.constant 1 : i32
        %and3A_202 = vector.broadcast %and3A_201 : i32 to vector<16xi32>
        %and3A_203 = arith.andi %add3A_197, %and3A_202 : vector<16xi32>
        %mul3A_204 = arith.constant 64 : i32
        %mul3A_205 = vector.broadcast %mul3A_204 : i32 to vector<16xi32>
        %mul3A_206 = arith.muli %and3A_203, %mul3A_205 : vector<16xi32>
        %gather3A_207 = tpu.vector_load_idx %arg6[%xor3A_194, %add3A_197] : memref<64x128xf32, #tpu.memory_space<vmem>>[vector<16xi32>, vector<16xi32>], vector<16xf32>,
        %add3A_208 = arith.addi %mul3A_206, %xor3A_194 : vector<16xi32>
        %mul3A_209 = arith.mulf %gather3A_207, %get3A_47 : vector<16xf32>
        tpu.vector_store_idx %arg8[%shift_right_arithmetic3A_200, %add3A_208], %mul3A_209 : memref<64x128xf32, #tpu.memory_space<vmem>>[vector<16xi32>, vector<16xi32>], vector<16xf32>,
        %add3A_210 = arith.constant 16 : i32
        %add3A_211 = vector.broadcast %add3A_210 : i32 to vector<16xi32>
        %add3A_212 = arith.addi %iota3A, %add3A_211 : vector<16xi32>
        %shift_right_arithmetic3A_213 = arith.constant 1 : i32
        %shift_right_arithmetic3A_214 = vector.broadcast %shift_right_arithmetic3A_213 : i32 to vector<16xi32>
        %shift_right_arithmetic3A_215 = arith.shrsi %add3A_212, %shift_right_arithmetic3A_214 : vector<16xi32>
        %and3A_216 = arith.constant 1 : i32
        %and3A_217 = vector.broadcast %and3A_216 : i32 to vector<16xi32>
        %and3A_218 = arith.andi %add3A_212, %and3A_217 : vector<16xi32>
        %mul3A_219 = arith.constant 64 : i32
        %mul3A_220 = vector.broadcast %mul3A_219 : i32 to vector<16xi32>
        %mul3A_221 = arith.muli %and3A_218, %mul3A_220 : vector<16xi32>
        %gather3A_222 = tpu.vector_load_idx %arg6[%xor3A_194, %add3A_212] : memref<64x128xf32, #tpu.memory_space<vmem>>[vector<16xi32>, vector<16xi32>], vector<16xf32>,
        %add3A_223 = arith.addi %mul3A_221, %xor3A_194 : vector<16xi32>
        %mul3A_224 = arith.mulf %gather3A_222, %get3A_49 : vector<16xf32>
        tpu.vector_store_idx %arg8[%shift_right_arithmetic3A_215, %add3A_223], %mul3A_224 : memref<64x128xf32, #tpu.memory_space<vmem>>[vector<16xi32>, vector<16xi32>], vector<16xf32>,
        %add3A_225 = arith.constant 32 : i32
        %add3A_226 = vector.broadcast %add3A_225 : i32 to vector<16xi32>
        %add3A_227 = arith.addi %iota3A, %add3A_226 : vector<16xi32>
        %shift_right_arithmetic3A_228 = arith.constant 1 : i32
        %shift_right_arithmetic3A_229 = vector.broadcast %shift_right_arithmetic3A_228 : i32 to vector<16xi32>
        %shift_right_arithmetic3A_230 = arith.shrsi %add3A_227, %shift_right_arithmetic3A_229 : vector<16xi32>
        %and3A_231 = arith.constant 1 : i32
        %and3A_232 = vector.broadcast %and3A_231 : i32 to vector<16xi32>
        %and3A_233 = arith.andi %add3A_227, %and3A_232 : vector<16xi32>
        %mul3A_234 = arith.constant 64 : i32
        %mul3A_235 = vector.broadcast %mul3A_234 : i32 to vector<16xi32>
        %mul3A_236 = arith.muli %and3A_233, %mul3A_235 : vector<16xi32>
        %gather3A_237 = tpu.vector_load_idx %arg6[%xor3A_194, %add3A_227] : memref<64x128xf32, #tpu.memory_space<vmem>>[vector<16xi32>, vector<16xi32>], vector<16xf32>,
        %add3A_238 = arith.addi %mul3A_236, %xor3A_194 : vector<16xi32>
        %mul3A_239 = arith.mulf %gather3A_237, %get3A_51 : vector<16xf32>
        tpu.vector_store_idx %arg8[%shift_right_arithmetic3A_230, %add3A_238], %mul3A_239 : memref<64x128xf32, #tpu.memory_space<vmem>>[vector<16xi32>, vector<16xi32>], vector<16xf32>,
        %add3A_240 = arith.constant 48 : i32
        %add3A_241 = vector.broadcast %add3A_240 : i32 to vector<16xi32>
        %add3A_242 = arith.addi %iota3A, %add3A_241 : vector<16xi32>
        %shift_right_arithmetic3A_243 = arith.constant 1 : i32
        %shift_right_arithmetic3A_244 = vector.broadcast %shift_right_arithmetic3A_243 : i32 to vector<16xi32>
        %shift_right_arithmetic3A_245 = arith.shrsi %add3A_242, %shift_right_arithmetic3A_244 : vector<16xi32>
        %and3A_246 = arith.constant 1 : i32
        %and3A_247 = vector.broadcast %and3A_246 : i32 to vector<16xi32>
        %and3A_248 = arith.andi %add3A_242, %and3A_247 : vector<16xi32>
        %mul3A_249 = arith.constant 64 : i32
        %mul3A_250 = vector.broadcast %mul3A_249 : i32 to vector<16xi32>
        %mul3A_251 = arith.muli %and3A_248, %mul3A_250 : vector<16xi32>
        %gather3A_252 = tpu.vector_load_idx %arg6[%xor3A_194, %add3A_242] : memref<64x128xf32, #tpu.memory_space<vmem>>[vector<16xi32>, vector<16xi32>], vector<16xf32>,
        %add3A_253 = arith.addi %mul3A_251, %xor3A_194 : vector<16xi32>
        %mul3A_254 = arith.mulf %gather3A_252, %get3A_53 : vector<16xf32>
        tpu.vector_store_idx %arg8[%shift_right_arithmetic3A_245, %add3A_253], %mul3A_254 : memref<64x128xf32, #tpu.memory_space<vmem>>[vector<16xi32>, vector<16xi32>], vector<16xf32>,
        %add3A_255 = arith.constant 64 : i32
        %add3A_256 = vector.broadcast %add3A_255 : i32 to vector<16xi32>
        %add3A_257 = arith.addi %iota3A, %add3A_256 : vector<16xi32>
        %shift_right_arithmetic3A_258 = arith.constant 1 : i32
        %shift_right_arithmetic3A_259 = vector.broadcast %shift_right_arithmetic3A_258 : i32 to vector<16xi32>
        %shift_right_arithmetic3A_260 = arith.shrsi %add3A_257, %shift_right_arithmetic3A_259 : vector<16xi32>
        %and3A_261 = arith.constant 1 : i32
        %and3A_262 = vector.broadcast %and3A_261 : i32 to vector<16xi32>
        %and3A_263 = arith.andi %add3A_257, %and3A_262 : vector<16xi32>
        %mul3A_264 = arith.constant 64 : i32
        %mul3A_265 = vector.broadcast %mul3A_264 : i32 to vector<16xi32>
        %mul3A_266 = arith.muli %and3A_263, %mul3A_265 : vector<16xi32>
        %gather3A_267 = tpu.vector_load_idx %arg6[%xor3A_194, %add3A_257] : memref<64x128xf32, #tpu.memory_space<vmem>>[vector<16xi32>, vector<16xi32>], vector<16xf32>,
        %add3A_268 = arith.addi %mul3A_266, %xor3A_194 : vector<16xi32>
        %mul3A_269 = arith.mulf %gather3A_267, %get3A_55 : vector<16xf32>
        tpu.vector_store_idx %arg8[%shift_right_arithmetic3A_260, %add3A_268], %mul3A_269 : memref<64x128xf32, #tpu.memory_space<vmem>>[vector<16xi32>, vector<16xi32>], vector<16xf32>,
        %add3A_270 = arith.constant 80 : i32
        %add3A_271 = vector.broadcast %add3A_270 : i32 to vector<16xi32>
        %add3A_272 = arith.addi %iota3A, %add3A_271 : vector<16xi32>
        %shift_right_arithmetic3A_273 = arith.constant 1 : i32
        %shift_right_arithmetic3A_274 = vector.broadcast %shift_right_arithmetic3A_273 : i32 to vector<16xi32>
        %shift_right_arithmetic3A_275 = arith.shrsi %add3A_272, %shift_right_arithmetic3A_274 : vector<16xi32>
        %and3A_276 = arith.constant 1 : i32
        %and3A_277 = vector.broadcast %and3A_276 : i32 to vector<16xi32>
        %and3A_278 = arith.andi %add3A_272, %and3A_277 : vector<16xi32>
        %mul3A_279 = arith.constant 64 : i32
        %mul3A_280 = vector.broadcast %mul3A_279 : i32 to vector<16xi32>
        %mul3A_281 = arith.muli %and3A_278, %mul3A_280 : vector<16xi32>
        %gather3A_282 = tpu.vector_load_idx %arg6[%xor3A_194, %add3A_272] : memref<64x128xf32, #tpu.memory_space<vmem>>[vector<16xi32>, vector<16xi32>], vector<16xf32>,
        %add3A_283 = arith.addi %mul3A_281, %xor3A_194 : vector<16xi32>
        %mul3A_284 = arith.mulf %gather3A_282, %get3A_57 : vector<16xf32>
        tpu.vector_store_idx %arg8[%shift_right_arithmetic3A_275, %add3A_283], %mul3A_284 : memref<64x128xf32, #tpu.memory_space<vmem>>[vector<16xi32>, vector<16xi32>], vector<16xf32>,
        %add3A_285 = arith.constant 96 : i32
        %add3A_286 = vector.broadcast %add3A_285 : i32 to vector<16xi32>
        %add3A_287 = arith.addi %iota3A, %add3A_286 : vector<16xi32>
        %shift_right_arithmetic3A_288 = arith.constant 1 : i32
        %shift_right_arithmetic3A_289 = vector.broadcast %shift_right_arithmetic3A_288 : i32 to vector<16xi32>
        %shift_right_arithmetic3A_290 = arith.shrsi %add3A_287, %shift_right_arithmetic3A_289 : vector<16xi32>
        %and3A_291 = arith.constant 1 : i32
        %and3A_292 = vector.broadcast %and3A_291 : i32 to vector<16xi32>
        %and3A_293 = arith.andi %add3A_287, %and3A_292 : vector<16xi32>
        %mul3A_294 = arith.constant 64 : i32
        %mul3A_295 = vector.broadcast %mul3A_294 : i32 to vector<16xi32>
        %mul3A_296 = arith.muli %and3A_293, %mul3A_295 : vector<16xi32>
        %gather3A_297 = tpu.vector_load_idx %arg6[%xor3A_194, %add3A_287] : memref<64x128xf32, #tpu.memory_space<vmem>>[vector<16xi32>, vector<16xi32>], vector<16xf32>,
        %add3A_298 = arith.addi %mul3A_296, %xor3A_194 : vector<16xi32>
        %mul3A_299 = arith.mulf %gather3A_297, %get3A_59 : vector<16xf32>
        tpu.vector_store_idx %arg8[%shift_right_arithmetic3A_290, %add3A_298], %mul3A_299 : memref<64x128xf32, #tpu.memory_space<vmem>>[vector<16xi32>, vector<16xi32>], vector<16xf32>,
        %add3A_300 = arith.constant 112 : i32
        %add3A_301 = vector.broadcast %add3A_300 : i32 to vector<16xi32>
        %add3A_302 = arith.addi %iota3A, %add3A_301 : vector<16xi32>
        %shift_right_arithmetic3A_303 = arith.constant 1 : i32
        %shift_right_arithmetic3A_304 = vector.broadcast %shift_right_arithmetic3A_303 : i32 to vector<16xi32>
        %shift_right_arithmetic3A_305 = arith.shrsi %add3A_302, %shift_right_arithmetic3A_304 : vector<16xi32>
        %and3A_306 = arith.constant 1 : i32
        %and3A_307 = vector.broadcast %and3A_306 : i32 to vector<16xi32>
        %and3A_308 = arith.andi %add3A_302, %and3A_307 : vector<16xi32>
        %mul3A_309 = arith.constant 64 : i32
        %mul3A_310 = vector.broadcast %mul3A_309 : i32 to vector<16xi32>
        %mul3A_311 = arith.muli %and3A_308, %mul3A_310 : vector<16xi32>
        %gather3A_312 = tpu.vector_load_idx %arg6[%xor3A_194, %add3A_302] : memref<64x128xf32, #tpu.memory_space<vmem>>[vector<16xi32>, vector<16xi32>], vector<16xf32>,
        %add3A_313 = arith.addi %mul3A_311, %xor3A_194 : vector<16xi32>
        %mul3A_314 = arith.mulf %gather3A_312, %get3A_61 : vector<16xf32>
        tpu.vector_store_idx %arg8[%shift_right_arithmetic3A_305, %add3A_313], %mul3A_314 : memref<64x128xf32, #tpu.memory_space<vmem>>[vector<16xi32>, vector<16xi32>], vector<16xf32>,
      }
      %scan3A_67 = arith.constant 64 : i32
      %add3A_68 = arith.constant 7808 : i32
      %add3A_69 = arith.addi %add3A_68, %add3A : i32
      %mul3A_70 = arith.constant 64 : i32
      %mul3A_71 = arith.muli %add3A_69, %mul3A_70 : i32
      "tpu.region"() ({
        %run_scoped3A = tpu.sem_alloc : memref<!tpu.dma_semaphore, #tpu.memory_space<semaphore_mem>>
        %dma_start3A_72 = arith.constant 0 : i32
        %dma_start3A_73 = tpu.memref_slice %arg5[%mul3A_71, %dma_start3A_72] : memref<500032x128xf32, #tpu.memory_space<hbm>> -> memref<64x128xf32, #tpu.memory_space<hbm>>
        %dma_start3A_74 = arith.constant 0 : i32
        %dma_start3A_75 = tpu.memref_slice %arg5[%mul3A_71, %dma_start3A_74] : memref<500032x128xf32, #tpu.memory_space<hbm>> -> memref<64x128xf32, #tpu.memory_space<hbm>>
        tpu.enqueue_dma source(%arg8 : memref<64x128xf32, #tpu.memory_space<vmem>>) target(%dma_start3A_75 : memref<64x128xf32, #tpu.memory_space<hbm>>) target_semaphore(%run_scoped3A : memref<!tpu.dma_semaphore, #tpu.memory_space<semaphore_mem>>)
        %dma_wait3A_76 = arith.constant 0 : i32
        %dma_wait3A_77 = tpu.memref_slice %arg5[%mul3A_71, %dma_wait3A_76] : memref<500032x128xf32, #tpu.memory_space<hbm>> -> memref<64x128xf32, #tpu.memory_space<hbm>>
        %dma_wait3A_78 = arith.constant 0 : i32
        %dma_wait3A_79 = tpu.memref_slice %arg5[%mul3A_71, %dma_wait3A_78] : memref<500032x128xf32, #tpu.memory_space<hbm>> -> memref<64x128xf32, #tpu.memory_space<hbm>>
        tpu.wait_dma2 semaphore(%run_scoped3A : memref<!tpu.dma_semaphore, #tpu.memory_space<semaphore_mem>>) src(%arg8 : memref<64x128xf32, #tpu.memory_space<vmem>>) dst(%dma_wait3A_79 : memref<64x128xf32, #tpu.memory_space<hbm>>)
        tpu.yield
      }) : () -> ()
    } else {
    }
    %eq3A = arith.constant 0 : i32
    %eq3A_33 = arith.cmpi eq, %add3A, %eq3A : i32
    %convert_element_type3A_34 = arith.extui %eq3A_33 : i1 to i32
    %cond3A_35 = arith.constant 0 : i32
    %cond3A_36 = arith.cmpi ne, %convert_element_type3A_34, %cond3A_35 : i32
    scf.if %cond3A_36 {
      "tpu.region"() ({
        %run_scoped3A = tpu.sem_alloc : memref<!tpu.dma_semaphore, #tpu.memory_space<semaphore_mem>>
        %dma_start3A_37 = arith.constant 0 : i32
        %dma_start3A_38 = arith.constant 0 : i32
        %dma_start3A_39 = tpu.memref_slice %arg8[%dma_start3A_37, %dma_start3A_38] : memref<64x128xf32, #tpu.memory_space<vmem>> -> memref<32x128xf32, #tpu.memory_space<vmem>>
        %dma_start3A_40 = arith.constant 0 : i32
        %dma_start3A_41 = arith.constant 0 : i32
        %dma_start3A_42 = tpu.memref_slice %arg8[%dma_start3A_40, %dma_start3A_41] : memref<64x128xf32, #tpu.memory_space<vmem>> -> memref<32x128xf32, #tpu.memory_space<vmem>>
        tpu.enqueue_dma source(%arg4 : memref<32x128xf32, #tpu.memory_space<hbm>>) target(%dma_start3A_42 : memref<32x128xf32, #tpu.memory_space<vmem>>) target_semaphore(%run_scoped3A : memref<!tpu.dma_semaphore, #tpu.memory_space<semaphore_mem>>)
        %dma_wait3A_43 = arith.constant 0 : i32
        %dma_wait3A_44 = arith.constant 0 : i32
        %dma_wait3A_45 = tpu.memref_slice %arg8[%dma_wait3A_43, %dma_wait3A_44] : memref<64x128xf32, #tpu.memory_space<vmem>> -> memref<32x128xf32, #tpu.memory_space<vmem>>
        %dma_wait3A_46 = arith.constant 0 : i32
        %dma_wait3A_47 = arith.constant 0 : i32
        %dma_wait3A_48 = tpu.memref_slice %arg8[%dma_wait3A_46, %dma_wait3A_47] : memref<64x128xf32, #tpu.memory_space<vmem>> -> memref<32x128xf32, #tpu.memory_space<vmem>>
        tpu.wait_dma2 semaphore(%run_scoped3A : memref<!tpu.dma_semaphore, #tpu.memory_space<semaphore_mem>>) src(%arg4 : memref<32x128xf32, #tpu.memory_space<hbm>>) dst(%dma_wait3A_48 : memref<32x128xf32, #tpu.memory_space<vmem>>)
        tpu.yield
      }) : () -> ()
      "tpu.region"() ({
        %run_scoped3A = tpu.sem_alloc : memref<!tpu.dma_semaphore, #tpu.memory_space<semaphore_mem>>
        %dma_start3A_37 = arith.constant 0 : i32
        %dma_start3A_38 = arith.constant 0 : i32
        %dma_start3A_39 = tpu.memref_slice %arg8[%dma_start3A_37, %dma_start3A_38] : memref<64x128xf32, #tpu.memory_space<vmem>> -> memref<32x128xf32, #tpu.memory_space<vmem>>
        %dma_start3A_40 = arith.constant 499968 : i32
        %dma_start3A_41 = arith.constant 0 : i32
        %dma_start3A_42 = tpu.memref_slice %arg5[%dma_start3A_40, %dma_start3A_41] : memref<500032x128xf32, #tpu.memory_space<hbm>> -> memref<32x128xf32, #tpu.memory_space<hbm>>
        %dma_start3A_43 = arith.constant 499968 : i32
        %dma_start3A_44 = arith.constant 0 : i32
        %dma_start3A_45 = tpu.memref_slice %arg5[%dma_start3A_43, %dma_start3A_44] : memref<500032x128xf32, #tpu.memory_space<hbm>> -> memref<32x128xf32, #tpu.memory_space<hbm>>
        %dma_start3A_46 = arith.constant 0 : i32
        %dma_start3A_47 = arith.constant 0 : i32
        %dma_start3A_48 = tpu.memref_slice %arg8[%dma_start3A_46, %dma_start3A_47] : memref<64x128xf32, #tpu.memory_space<vmem>> -> memref<32x128xf32, #tpu.memory_space<vmem>>
        tpu.enqueue_dma source(%dma_start3A_48 : memref<32x128xf32, #tpu.memory_space<vmem>>) target(%dma_start3A_45 : memref<32x128xf32, #tpu.memory_space<hbm>>) target_semaphore(%run_scoped3A : memref<!tpu.dma_semaphore, #tpu.memory_space<semaphore_mem>>)
        %dma_wait3A_49 = arith.constant 0 : i32
        %dma_wait3A_50 = arith.constant 0 : i32
        %dma_wait3A_51 = tpu.memref_slice %arg8[%dma_wait3A_49, %dma_wait3A_50] : memref<64x128xf32, #tpu.memory_space<vmem>> -> memref<32x128xf32, #tpu.memory_space<vmem>>
        %dma_wait3A_52 = arith.constant 499968 : i32
        %dma_wait3A_53 = arith.constant 0 : i32
        %dma_wait3A_54 = tpu.memref_slice %arg5[%dma_wait3A_52, %dma_wait3A_53] : memref<500032x128xf32, #tpu.memory_space<hbm>> -> memref<32x128xf32, #tpu.memory_space<hbm>>
        %dma_wait3A_55 = arith.constant 499968 : i32
        %dma_wait3A_56 = arith.constant 0 : i32
        %dma_wait3A_57 = tpu.memref_slice %arg5[%dma_wait3A_55, %dma_wait3A_56] : memref<500032x128xf32, #tpu.memory_space<hbm>> -> memref<32x128xf32, #tpu.memory_space<hbm>>
        %dma_wait3A_58 = arith.constant 0 : i32
        %dma_wait3A_59 = arith.constant 0 : i32
        %dma_wait3A_60 = tpu.memref_slice %arg8[%dma_wait3A_58, %dma_wait3A_59] : memref<64x128xf32, #tpu.memory_space<vmem>> -> memref<32x128xf32, #tpu.memory_space<vmem>>
        tpu.wait_dma2 semaphore(%run_scoped3A : memref<!tpu.dma_semaphore, #tpu.memory_space<semaphore_mem>>) src(%dma_wait3A_60 : memref<32x128xf32, #tpu.memory_space<vmem>>) dst(%dma_wait3A_57 : memref<32x128xf32, #tpu.memory_space<hbm>>)
        tpu.yield
      }) : () -> ()
    } else {
    }
    return
  }
}

#map = affine_map<(d0, d1) -> (0, 0)>
#map1 = affine_map<(d0, d1) -> (0)>
#map2 = affine_map<(d0, d1) -> (0, 0, 0)>
module attributes {stable_mosaic.version = 14 : i64} {
  func.func @k(%arg0: i32, %arg1: i32, %arg2: memref<500032x128xf32, #tpu.memory_space<hbm>>, %arg3: memref<819200xi32, #tpu.memory_space<hbm>>, %arg4: memref<200x64x4096xf32, #tpu.memory_space<hbm>>, %arg5: memref<25600xi32, #tpu.memory_space<vmem>>, %arg6: memref<128x128xf32, #tpu.memory_space<vmem>>, %arg7: memref<128x128xf32, #tpu.memory_space<vmem>>, %arg8: memref<64x128xf32, #tpu.memory_space<vmem>>, %arg9: memref<64x128xf32, #tpu.memory_space<vmem>>, %arg10: memref<128xi32, #tpu.memory_space<vmem>>, %arg11: memref<128xi32, #tpu.memory_space<vmem>>, %arg12: memref<128xi32, #tpu.memory_space<vmem>>, %arg13: memref<128xi32, #tpu.memory_space<vmem>>, %arg14: memref<!tpu.dma_semaphore, #tpu.memory_space<semaphore_mem>>, %arg15: memref<!tpu.dma_semaphore, #tpu.memory_space<semaphore_mem>>, %arg16: memref<!tpu.dma_semaphore, #tpu.memory_space<semaphore_mem>>) attributes {dimension_semantics = [#tpu.dimension_semantics<core_parallel>, #tpu.dimension_semantics<subcore_parallel>], iteration_bounds = array<i64: 2, 16>, scalar_prefetch = 0 : i64, scratch_operands = 12 : i64, tpu.core_type = #tpu.core_type<sc_vector_subcore>, window_params = [{transform_indices = #map}, {transform_indices = #map1}, {transform_indices = #map2}]} {
    %mul3A = arith.constant 2 : i32
    %mul3A_0 = arith.muli %arg1, %mul3A : i32
    %add3A = arith.addi %mul3A_0, %arg0 : i32
    %mul3A_1 = arith.constant 25600 : i32
    %mul3A_2 = arith.muli %add3A, %mul3A_1 : i32
    "tpu.region"() ({
      %run_scoped3A = tpu.sem_alloc : memref<!tpu.dma_semaphore, #tpu.memory_space<semaphore_mem>>
      %dma_start3A_162 = tpu.memref_slice %arg3[%mul3A_2] : memref<819200xi32, #tpu.memory_space<hbm>> -> memref<25600xi32, #tpu.memory_space<hbm>>
      %dma_start3A_163 = tpu.memref_slice %arg3[%mul3A_2] : memref<819200xi32, #tpu.memory_space<hbm>> -> memref<25600xi32, #tpu.memory_space<hbm>>
      tpu.enqueue_dma source(%dma_start3A_163 : memref<25600xi32, #tpu.memory_space<hbm>>) target(%arg5 : memref<25600xi32, #tpu.memory_space<vmem>>) target_semaphore(%run_scoped3A : memref<!tpu.dma_semaphore, #tpu.memory_space<semaphore_mem>>)
      %dma_wait3A_164 = tpu.memref_slice %arg3[%mul3A_2] : memref<819200xi32, #tpu.memory_space<hbm>> -> memref<25600xi32, #tpu.memory_space<hbm>>
      %dma_wait3A_165 = tpu.memref_slice %arg3[%mul3A_2] : memref<819200xi32, #tpu.memory_space<hbm>> -> memref<25600xi32, #tpu.memory_space<hbm>>
      tpu.wait_dma2 semaphore(%run_scoped3A : memref<!tpu.dma_semaphore, #tpu.memory_space<semaphore_mem>>) src(%dma_wait3A_165 : memref<25600xi32, #tpu.memory_space<hbm>>) dst(%arg5 : memref<25600xi32, #tpu.memory_space<vmem>>)
      tpu.yield
    }) : () -> ()
    %iota3A = tpu.iota {dimensions = array<i32: 0>} : vector<16xi32>
    %mul3A_3 = arith.constant 200 : i32
    %mul3A_4 = vector.broadcast %mul3A_3 : i32 to vector<16xi32>
    %mul3A_5 = arith.muli %iota3A, %mul3A_4 : vector<16xi32>
    %add3A_6 = arith.constant 0 : i32
    %add3A_7 = vector.broadcast %add3A_6 : i32 to vector<16xi32>
    %add3A_8 = arith.addi %mul3A_5, %add3A_7 : vector<16xi32>
    %gather3A = tpu.vector_load_idx %arg5[%add3A_8] : memref<25600xi32, #tpu.memory_space<vmem>>[vector<16xi32>], vector<16xi32>,
    %shift_right_arithmetic3A = arith.constant 1 : i32
    %shift_right_arithmetic3A_9 = vector.broadcast %shift_right_arithmetic3A : i32 to vector<16xi32>
    %shift_right_arithmetic3A_10 = arith.shrsi %gather3A, %shift_right_arithmetic3A_9 : vector<16xi32>
    %swap3A = arith.constant 0 : index
    %swap3A_11 = tpu.vector_load %arg10[%swap3A] {strides = array<i32>} : memref<128xi32, #tpu.memory_space<vmem>>, vector<16xi32>,
    tpu.vector_store %arg10[%swap3A], %shift_right_arithmetic3A_10 {strides = array<i32>} : memref<128xi32, #tpu.memory_space<vmem>>, vector<16xi32>,
    %and3A = arith.constant 1 : i32
    %and3A_12 = vector.broadcast %and3A : i32 to vector<16xi32>
    %and3A_13 = arith.andi %gather3A, %and3A_12 : vector<16xi32>
    %mul3A_14 = arith.constant 64 : i32
    %mul3A_15 = vector.broadcast %mul3A_14 : i32 to vector<16xi32>
    %mul3A_16 = arith.muli %and3A_13, %mul3A_15 : vector<16xi32>
    %swap3A_17 = arith.constant 0 : index
    %swap3A_18 = tpu.vector_load %arg12[%swap3A_17] {strides = array<i32>} : memref<128xi32, #tpu.memory_space<vmem>>, vector<16xi32>,
    tpu.vector_store %arg12[%swap3A_17], %mul3A_16 {strides = array<i32>} : memref<128xi32, #tpu.memory_space<vmem>>, vector<16xi32>,
    %add3A_19 = arith.constant 3200 : i32
    %add3A_20 = vector.broadcast %add3A_19 : i32 to vector<16xi32>
    %add3A_21 = arith.addi %mul3A_5, %add3A_20 : vector<16xi32>
    %gather3A_22 = tpu.vector_load_idx %arg5[%add3A_21] : memref<25600xi32, #tpu.memory_space<vmem>>[vector<16xi32>], vector<16xi32>,
    %shift_right_arithmetic3A_23 = arith.constant 1 : i32
    %shift_right_arithmetic3A_24 = vector.broadcast %shift_right_arithmetic3A_23 : i32 to vector<16xi32>
    %shift_right_arithmetic3A_25 = arith.shrsi %gather3A_22, %shift_right_arithmetic3A_24 : vector<16xi32>
    %swap3A_26 = arith.constant 16 : index
    %swap3A_27 = tpu.vector_load %arg10[%swap3A_26] {strides = array<i32>} : memref<128xi32, #tpu.memory_space<vmem>>, vector<16xi32>,
    tpu.vector_store %arg10[%swap3A_26], %shift_right_arithmetic3A_25 {strides = array<i32>} : memref<128xi32, #tpu.memory_space<vmem>>, vector<16xi32>,
    %and3A_28 = arith.constant 1 : i32
    %and3A_29 = vector.broadcast %and3A_28 : i32 to vector<16xi32>
    %and3A_30 = arith.andi %gather3A_22, %and3A_29 : vector<16xi32>
    %mul3A_31 = arith.constant 64 : i32
    %mul3A_32 = vector.broadcast %mul3A_31 : i32 to vector<16xi32>
    %mul3A_33 = arith.muli %and3A_30, %mul3A_32 : vector<16xi32>
    %swap3A_34 = arith.constant 16 : index
    %swap3A_35 = tpu.vector_load %arg12[%swap3A_34] {strides = array<i32>} : memref<128xi32, #tpu.memory_space<vmem>>, vector<16xi32>,
    tpu.vector_store %arg12[%swap3A_34], %mul3A_33 {strides = array<i32>} : memref<128xi32, #tpu.memory_space<vmem>>, vector<16xi32>,
    %add3A_36 = arith.constant 6400 : i32
    %add3A_37 = vector.broadcast %add3A_36 : i32 to vector<16xi32>
    %add3A_38 = arith.addi %mul3A_5, %add3A_37 : vector<16xi32>
    %gather3A_39 = tpu.vector_load_idx %arg5[%add3A_38] : memref<25600xi32, #tpu.memory_space<vmem>>[vector<16xi32>], vector<16xi32>,
    %shift_right_arithmetic3A_40 = arith.constant 1 : i32
    %shift_right_arithmetic3A_41 = vector.broadcast %shift_right_arithmetic3A_40 : i32 to vector<16xi32>
    %shift_right_arithmetic3A_42 = arith.shrsi %gather3A_39, %shift_right_arithmetic3A_41 : vector<16xi32>
    %swap3A_43 = arith.constant 32 : index
    %swap3A_44 = tpu.vector_load %arg10[%swap3A_43] {strides = array<i32>} : memref<128xi32, #tpu.memory_space<vmem>>, vector<16xi32>,
    tpu.vector_store %arg10[%swap3A_43], %shift_right_arithmetic3A_42 {strides = array<i32>} : memref<128xi32, #tpu.memory_space<vmem>>, vector<16xi32>,
    %and3A_45 = arith.constant 1 : i32
    %and3A_46 = vector.broadcast %and3A_45 : i32 to vector<16xi32>
    %and3A_47 = arith.andi %gather3A_39, %and3A_46 : vector<16xi32>
    %mul3A_48 = arith.constant 64 : i32
    %mul3A_49 = vector.broadcast %mul3A_48 : i32 to vector<16xi32>
    %mul3A_50 = arith.muli %and3A_47, %mul3A_49 : vector<16xi32>
    %swap3A_51 = arith.constant 32 : index
    %swap3A_52 = tpu.vector_load %arg12[%swap3A_51] {strides = array<i32>} : memref<128xi32, #tpu.memory_space<vmem>>, vector<16xi32>,
    tpu.vector_store %arg12[%swap3A_51], %mul3A_50 {strides = array<i32>} : memref<128xi32, #tpu.memory_space<vmem>>, vector<16xi32>,
    %add3A_53 = arith.constant 9600 : i32
    %add3A_54 = vector.broadcast %add3A_53 : i32 to vector<16xi32>
    %add3A_55 = arith.addi %mul3A_5, %add3A_54 : vector<16xi32>
    %gather3A_56 = tpu.vector_load_idx %arg5[%add3A_55] : memref<25600xi32, #tpu.memory_space<vmem>>[vector<16xi32>], vector<16xi32>,
    %shift_right_arithmetic3A_57 = arith.constant 1 : i32
    %shift_right_arithmetic3A_58 = vector.broadcast %shift_right_arithmetic3A_57 : i32 to vector<16xi32>
    %shift_right_arithmetic3A_59 = arith.shrsi %gather3A_56, %shift_right_arithmetic3A_58 : vector<16xi32>
    %swap3A_60 = arith.constant 48 : index
    %swap3A_61 = tpu.vector_load %arg10[%swap3A_60] {strides = array<i32>} : memref<128xi32, #tpu.memory_space<vmem>>, vector<16xi32>,
    tpu.vector_store %arg10[%swap3A_60], %shift_right_arithmetic3A_59 {strides = array<i32>} : memref<128xi32, #tpu.memory_space<vmem>>, vector<16xi32>,
    %and3A_62 = arith.constant 1 : i32
    %and3A_63 = vector.broadcast %and3A_62 : i32 to vector<16xi32>
    %and3A_64 = arith.andi %gather3A_56, %and3A_63 : vector<16xi32>
    %mul3A_65 = arith.constant 64 : i32
    %mul3A_66 = vector.broadcast %mul3A_65 : i32 to vector<16xi32>
    %mul3A_67 = arith.muli %and3A_64, %mul3A_66 : vector<16xi32>
    %swap3A_68 = arith.constant 48 : index
    %swap3A_69 = tpu.vector_load %arg12[%swap3A_68] {strides = array<i32>} : memref<128xi32, #tpu.memory_space<vmem>>, vector<16xi32>,
    tpu.vector_store %arg12[%swap3A_68], %mul3A_67 {strides = array<i32>} : memref<128xi32, #tpu.memory_space<vmem>>, vector<16xi32>,
    %add3A_70 = arith.constant 12800 : i32
    %add3A_71 = vector.broadcast %add3A_70 : i32 to vector<16xi32>
    %add3A_72 = arith.addi %mul3A_5, %add3A_71 : vector<16xi32>
    %gather3A_73 = tpu.vector_load_idx %arg5[%add3A_72] : memref<25600xi32, #tpu.memory_space<vmem>>[vector<16xi32>], vector<16xi32>,
    %shift_right_arithmetic3A_74 = arith.constant 1 : i32
    %shift_right_arithmetic3A_75 = vector.broadcast %shift_right_arithmetic3A_74 : i32 to vector<16xi32>
    %shift_right_arithmetic3A_76 = arith.shrsi %gather3A_73, %shift_right_arithmetic3A_75 : vector<16xi32>
    %swap3A_77 = arith.constant 64 : index
    %swap3A_78 = tpu.vector_load %arg10[%swap3A_77] {strides = array<i32>} : memref<128xi32, #tpu.memory_space<vmem>>, vector<16xi32>,
    tpu.vector_store %arg10[%swap3A_77], %shift_right_arithmetic3A_76 {strides = array<i32>} : memref<128xi32, #tpu.memory_space<vmem>>, vector<16xi32>,
    %and3A_79 = arith.constant 1 : i32
    %and3A_80 = vector.broadcast %and3A_79 : i32 to vector<16xi32>
    %and3A_81 = arith.andi %gather3A_73, %and3A_80 : vector<16xi32>
    %mul3A_82 = arith.constant 64 : i32
    %mul3A_83 = vector.broadcast %mul3A_82 : i32 to vector<16xi32>
    %mul3A_84 = arith.muli %and3A_81, %mul3A_83 : vector<16xi32>
    %swap3A_85 = arith.constant 64 : index
    %swap3A_86 = tpu.vector_load %arg12[%swap3A_85] {strides = array<i32>} : memref<128xi32, #tpu.memory_space<vmem>>, vector<16xi32>,
    tpu.vector_store %arg12[%swap3A_85], %mul3A_84 {strides = array<i32>} : memref<128xi32, #tpu.memory_space<vmem>>, vector<16xi32>,
    %add3A_87 = arith.constant 16000 : i32
    %add3A_88 = vector.broadcast %add3A_87 : i32 to vector<16xi32>
    %add3A_89 = arith.addi %mul3A_5, %add3A_88 : vector<16xi32>
    %gather3A_90 = tpu.vector_load_idx %arg5[%add3A_89] : memref<25600xi32, #tpu.memory_space<vmem>>[vector<16xi32>], vector<16xi32>,
    %shift_right_arithmetic3A_91 = arith.constant 1 : i32
    %shift_right_arithmetic3A_92 = vector.broadcast %shift_right_arithmetic3A_91 : i32 to vector<16xi32>
    %shift_right_arithmetic3A_93 = arith.shrsi %gather3A_90, %shift_right_arithmetic3A_92 : vector<16xi32>
    %swap3A_94 = arith.constant 80 : index
    %swap3A_95 = tpu.vector_load %arg10[%swap3A_94] {strides = array<i32>} : memref<128xi32, #tpu.memory_space<vmem>>, vector<16xi32>,
    tpu.vector_store %arg10[%swap3A_94], %shift_right_arithmetic3A_93 {strides = array<i32>} : memref<128xi32, #tpu.memory_space<vmem>>, vector<16xi32>,
    %and3A_96 = arith.constant 1 : i32
    %and3A_97 = vector.broadcast %and3A_96 : i32 to vector<16xi32>
    %and3A_98 = arith.andi %gather3A_90, %and3A_97 : vector<16xi32>
    %mul3A_99 = arith.constant 64 : i32
    %mul3A_100 = vector.broadcast %mul3A_99 : i32 to vector<16xi32>
    %mul3A_101 = arith.muli %and3A_98, %mul3A_100 : vector<16xi32>
    %swap3A_102 = arith.constant 80 : index
    %swap3A_103 = tpu.vector_load %arg12[%swap3A_102] {strides = array<i32>} : memref<128xi32, #tpu.memory_space<vmem>>, vector<16xi32>,
    tpu.vector_store %arg12[%swap3A_102], %mul3A_101 {strides = array<i32>} : memref<128xi32, #tpu.memory_space<vmem>>, vector<16xi32>,
    %add3A_104 = arith.constant 19200 : i32
    %add3A_105 = vector.broadcast %add3A_104 : i32 to vector<16xi32>
    %add3A_106 = arith.addi %mul3A_5, %add3A_105 : vector<16xi32>
    %gather3A_107 = tpu.vector_load_idx %arg5[%add3A_106] : memref<25600xi32, #tpu.memory_space<vmem>>[vector<16xi32>], vector<16xi32>,
    %shift_right_arithmetic3A_108 = arith.constant 1 : i32
    %shift_right_arithmetic3A_109 = vector.broadcast %shift_right_arithmetic3A_108 : i32 to vector<16xi32>
    %shift_right_arithmetic3A_110 = arith.shrsi %gather3A_107, %shift_right_arithmetic3A_109 : vector<16xi32>
    %swap3A_111 = arith.constant 96 : index
    %swap3A_112 = tpu.vector_load %arg10[%swap3A_111] {strides = array<i32>} : memref<128xi32, #tpu.memory_space<vmem>>, vector<16xi32>,
    tpu.vector_store %arg10[%swap3A_111], %shift_right_arithmetic3A_110 {strides = array<i32>} : memref<128xi32, #tpu.memory_space<vmem>>, vector<16xi32>,
    %and3A_113 = arith.constant 1 : i32
    %and3A_114 = vector.broadcast %and3A_113 : i32 to vector<16xi32>
    %and3A_115 = arith.andi %gather3A_107, %and3A_114 : vector<16xi32>
    %mul3A_116 = arith.constant 64 : i32
    %mul3A_117 = vector.broadcast %mul3A_116 : i32 to vector<16xi32>
    %mul3A_118 = arith.muli %and3A_115, %mul3A_117 : vector<16xi32>
    %swap3A_119 = arith.constant 96 : index
    %swap3A_120 = tpu.vector_load %arg12[%swap3A_119] {strides = array<i32>} : memref<128xi32, #tpu.memory_space<vmem>>, vector<16xi32>,
    tpu.vector_store %arg12[%swap3A_119], %mul3A_118 {strides = array<i32>} : memref<128xi32, #tpu.memory_space<vmem>>, vector<16xi32>,
    %add3A_121 = arith.constant 22400 : i32
    %add3A_122 = vector.broadcast %add3A_121 : i32 to vector<16xi32>
    %add3A_123 = arith.addi %mul3A_5, %add3A_122 : vector<16xi32>
    %gather3A_124 = tpu.vector_load_idx %arg5[%add3A_123] : memref<25600xi32, #tpu.memory_space<vmem>>[vector<16xi32>], vector<16xi32>,
    %shift_right_arithmetic3A_125 = arith.constant 1 : i32
    %shift_right_arithmetic3A_126 = vector.broadcast %shift_right_arithmetic3A_125 : i32 to vector<16xi32>
    %shift_right_arithmetic3A_127 = arith.shrsi %gather3A_124, %shift_right_arithmetic3A_126 : vector<16xi32>
    %swap3A_128 = arith.constant 112 : index
    %swap3A_129 = tpu.vector_load %arg10[%swap3A_128] {strides = array<i32>} : memref<128xi32, #tpu.memory_space<vmem>>, vector<16xi32>,
    tpu.vector_store %arg10[%swap3A_128], %shift_right_arithmetic3A_127 {strides = array<i32>} : memref<128xi32, #tpu.memory_space<vmem>>, vector<16xi32>,
    %and3A_130 = arith.constant 1 : i32
    %and3A_131 = vector.broadcast %and3A_130 : i32 to vector<16xi32>
    %and3A_132 = arith.andi %gather3A_124, %and3A_131 : vector<16xi32>
    %mul3A_133 = arith.constant 64 : i32
    %mul3A_134 = vector.broadcast %mul3A_133 : i32 to vector<16xi32>
    %mul3A_135 = arith.muli %and3A_132, %mul3A_134 : vector<16xi32>
    %swap3A_136 = arith.constant 112 : index
    %swap3A_137 = tpu.vector_load %arg12[%swap3A_136] {strides = array<i32>} : memref<128xi32, #tpu.memory_space<vmem>>, vector<16xi32>,
    tpu.vector_store %arg12[%swap3A_136], %mul3A_135 {strides = array<i32>} : memref<128xi32, #tpu.memory_space<vmem>>, vector<16xi32>,
    %dma_start3A = arith.constant 0 : i32
    %dma_start3A_138 = arith.constant 0 : i32
    %dma_start3A_139 = tpu.memref_slice %arg2[%dma_start3A, %dma_start3A_138] : memref<500032x128xf32, #tpu.memory_space<hbm>> -> memref<500032x128xf32, #tpu.memory_space<hbm>>
    tpu.enqueue_indirect_dma source(%dma_start3A_139 : memref<500032x128xf32, #tpu.memory_space<hbm>>) target(%arg6 : memref<128x128xf32, #tpu.memory_space<vmem>>) offsets(%arg10 : memref<128xi32, #tpu.memory_space<vmem>>) semaphore(%arg14 : memref<!tpu.dma_semaphore, #tpu.memory_space<semaphore_mem>>)
    %scan3A = arith.constant 0 : i32
    %scan3A_140 = arith.constant 0 : i32
    %scan3A_141 = arith.constant 100 : i32
    %scan3A_142 = arith.addi %scan3A_140, %scan3A_141 : i32
    %scan3A_143 = arith.constant 1 : i32
    scf.for %scan3A_162 = %scan3A_140 to %scan3A_142 step %scan3A_143  : i32 {
      %mul3A_163 = arith.constant 2 : i32
      %mul3A_164 = arith.muli %mul3A_163, %scan3A_162 : i32
      %add3A_165 = arith.constant 1 : i32
      %add3A_166 = arith.addi %mul3A_164, %add3A_165 : i32
      %lt3A = arith.constant 200 : i32
      %lt3A_167 = arith.cmpi slt, %add3A_166, %lt3A : i32
      %convert_element_type3A = arith.extui %lt3A_167 : i1 to i32
      %cond3A = arith.constant 0 : i32
      %cond3A_168 = arith.cmpi ne, %convert_element_type3A, %cond3A : i32
      scf.if %cond3A_168 {
        %add3A_260 = arith.constant 1 : i32
        %add3A_261 = arith.addi %mul3A_164, %add3A_260 : i32
        %add3A_262 = arith.constant 0 : i32
        %add3A_263 = arith.addi %add3A_262, %add3A_261 : i32
        %add3A_264 = vector.broadcast %add3A_263 : i32 to vector<16xi32>
        %add3A_265 = arith.addi %mul3A_5, %add3A_264 : vector<16xi32>
        %gather3A_266 = tpu.vector_load_idx %arg5[%add3A_265] : memref<25600xi32, #tpu.memory_space<vmem>>[vector<16xi32>], vector<16xi32>,
        %shift_right_arithmetic3A_267 = arith.constant 1 : i32
        %shift_right_arithmetic3A_268 = vector.broadcast %shift_right_arithmetic3A_267 : i32 to vector<16xi32>
        %shift_right_arithmetic3A_269 = arith.shrsi %gather3A_266, %shift_right_arithmetic3A_268 : vector<16xi32>
        %swap3A_270 = arith.constant 0 : index
        %swap3A_271 = tpu.vector_load %arg11[%swap3A_270] {strides = array<i32>} : memref<128xi32, #tpu.memory_space<vmem>>, vector<16xi32>,
        tpu.vector_store %arg11[%swap3A_270], %shift_right_arithmetic3A_269 {strides = array<i32>} : memref<128xi32, #tpu.memory_space<vmem>>, vector<16xi32>,
        %and3A_272 = arith.constant 1 : i32
        %and3A_273 = vector.broadcast %and3A_272 : i32 to vector<16xi32>
        %and3A_274 = arith.andi %gather3A_266, %and3A_273 : vector<16xi32>
        %mul3A_275 = arith.constant 64 : i32
        %mul3A_276 = vector.broadcast %mul3A_275 : i32 to vector<16xi32>
        %mul3A_277 = arith.muli %and3A_274, %mul3A_276 : vector<16xi32>
        %swap3A_278 = arith.constant 0 : index
        %swap3A_279 = tpu.vector_load %arg13[%swap3A_278] {strides = array<i32>} : memref<128xi32, #tpu.memory_space<vmem>>, vector<16xi32>,
        tpu.vector_store %arg13[%swap3A_278], %mul3A_277 {strides = array<i32>} : memref<128xi32, #tpu.memory_space<vmem>>, vector<16xi32>,
        %add3A_280 = arith.constant 3200 : i32
        %add3A_281 = arith.addi %add3A_280, %add3A_261 : i32
        %add3A_282 = vector.broadcast %add3A_281 : i32 to vector<16xi32>
        %add3A_283 = arith.addi %mul3A_5, %add3A_282 : vector<16xi32>
        %gather3A_284 = tpu.vector_load_idx %arg5[%add3A_283] : memref<25600xi32, #tpu.memory_space<vmem>>[vector<16xi32>], vector<16xi32>,
        %shift_right_arithmetic3A_285 = arith.constant 1 : i32
        %shift_right_arithmetic3A_286 = vector.broadcast %shift_right_arithmetic3A_285 : i32 to vector<16xi32>
        %shift_right_arithmetic3A_287 = arith.shrsi %gather3A_284, %shift_right_arithmetic3A_286 : vector<16xi32>
        %swap3A_288 = arith.constant 16 : index
        %swap3A_289 = tpu.vector_load %arg11[%swap3A_288] {strides = array<i32>} : memref<128xi32, #tpu.memory_space<vmem>>, vector<16xi32>,
        tpu.vector_store %arg11[%swap3A_288], %shift_right_arithmetic3A_287 {strides = array<i32>} : memref<128xi32, #tpu.memory_space<vmem>>, vector<16xi32>,
        %and3A_290 = arith.constant 1 : i32
        %and3A_291 = vector.broadcast %and3A_290 : i32 to vector<16xi32>
        %and3A_292 = arith.andi %gather3A_284, %and3A_291 : vector<16xi32>
        %mul3A_293 = arith.constant 64 : i32
        %mul3A_294 = vector.broadcast %mul3A_293 : i32 to vector<16xi32>
        %mul3A_295 = arith.muli %and3A_292, %mul3A_294 : vector<16xi32>
        %swap3A_296 = arith.constant 16 : index
        %swap3A_297 = tpu.vector_load %arg13[%swap3A_296] {strides = array<i32>} : memref<128xi32, #tpu.memory_space<vmem>>, vector<16xi32>,
        tpu.vector_store %arg13[%swap3A_296], %mul3A_295 {strides = array<i32>} : memref<128xi32, #tpu.memory_space<vmem>>, vector<16xi32>,
        %add3A_298 = arith.constant 6400 : i32
        %add3A_299 = arith.addi %add3A_298, %add3A_261 : i32
        %add3A_300 = vector.broadcast %add3A_299 : i32 to vector<16xi32>
        %add3A_301 = arith.addi %mul3A_5, %add3A_300 : vector<16xi32>
        %gather3A_302 = tpu.vector_load_idx %arg5[%add3A_301] : memref<25600xi32, #tpu.memory_space<vmem>>[vector<16xi32>], vector<16xi32>,
        %shift_right_arithmetic3A_303 = arith.constant 1 : i32
        %shift_right_arithmetic3A_304 = vector.broadcast %shift_right_arithmetic3A_303 : i32 to vector<16xi32>
        %shift_right_arithmetic3A_305 = arith.shrsi %gather3A_302, %shift_right_arithmetic3A_304 : vector<16xi32>
        %swap3A_306 = arith.constant 32 : index
        %swap3A_307 = tpu.vector_load %arg11[%swap3A_306] {strides = array<i32>} : memref<128xi32, #tpu.memory_space<vmem>>, vector<16xi32>,
        tpu.vector_store %arg11[%swap3A_306], %shift_right_arithmetic3A_305 {strides = array<i32>} : memref<128xi32, #tpu.memory_space<vmem>>, vector<16xi32>,
        %and3A_308 = arith.constant 1 : i32
        %and3A_309 = vector.broadcast %and3A_308 : i32 to vector<16xi32>
        %and3A_310 = arith.andi %gather3A_302, %and3A_309 : vector<16xi32>
        %mul3A_311 = arith.constant 64 : i32
        %mul3A_312 = vector.broadcast %mul3A_311 : i32 to vector<16xi32>
        %mul3A_313 = arith.muli %and3A_310, %mul3A_312 : vector<16xi32>
        %swap3A_314 = arith.constant 32 : index
        %swap3A_315 = tpu.vector_load %arg13[%swap3A_314] {strides = array<i32>} : memref<128xi32, #tpu.memory_space<vmem>>, vector<16xi32>,
        tpu.vector_store %arg13[%swap3A_314], %mul3A_313 {strides = array<i32>} : memref<128xi32, #tpu.memory_space<vmem>>, vector<16xi32>,
        %add3A_316 = arith.constant 9600 : i32
        %add3A_317 = arith.addi %add3A_316, %add3A_261 : i32
        %add3A_318 = vector.broadcast %add3A_317 : i32 to vector<16xi32>
        %add3A_319 = arith.addi %mul3A_5, %add3A_318 : vector<16xi32>
        %gather3A_320 = tpu.vector_load_idx %arg5[%add3A_319] : memref<25600xi32, #tpu.memory_space<vmem>>[vector<16xi32>], vector<16xi32>,
        %shift_right_arithmetic3A_321 = arith.constant 1 : i32
        %shift_right_arithmetic3A_322 = vector.broadcast %shift_right_arithmetic3A_321 : i32 to vector<16xi32>
        %shift_right_arithmetic3A_323 = arith.shrsi %gather3A_320, %shift_right_arithmetic3A_322 : vector<16xi32>
        %swap3A_324 = arith.constant 48 : index
        %swap3A_325 = tpu.vector_load %arg11[%swap3A_324] {strides = array<i32>} : memref<128xi32, #tpu.memory_space<vmem>>, vector<16xi32>,
        tpu.vector_store %arg11[%swap3A_324], %shift_right_arithmetic3A_323 {strides = array<i32>} : memref<128xi32, #tpu.memory_space<vmem>>, vector<16xi32>,
        %and3A_326 = arith.constant 1 : i32
        %and3A_327 = vector.broadcast %and3A_326 : i32 to vector<16xi32>
        %and3A_328 = arith.andi %gather3A_320, %and3A_327 : vector<16xi32>
        %mul3A_329 = arith.constant 64 : i32
        %mul3A_330 = vector.broadcast %mul3A_329 : i32 to vector<16xi32>
        %mul3A_331 = arith.muli %and3A_328, %mul3A_330 : vector<16xi32>
        %swap3A_332 = arith.constant 48 : index
        %swap3A_333 = tpu.vector_load %arg13[%swap3A_332] {strides = array<i32>} : memref<128xi32, #tpu.memory_space<vmem>>, vector<16xi32>,
        tpu.vector_store %arg13[%swap3A_332], %mul3A_331 {strides = array<i32>} : memref<128xi32, #tpu.memory_space<vmem>>, vector<16xi32>,
        %add3A_334 = arith.constant 12800 : i32
        %add3A_335 = arith.addi %add3A_334, %add3A_261 : i32
        %add3A_336 = vector.broadcast %add3A_335 : i32 to vector<16xi32>
        %add3A_337 = arith.addi %mul3A_5, %add3A_336 : vector<16xi32>
        %gather3A_338 = tpu.vector_load_idx %arg5[%add3A_337] : memref<25600xi32, #tpu.memory_space<vmem>>[vector<16xi32>], vector<16xi32>,
        %shift_right_arithmetic3A_339 = arith.constant 1 : i32
        %shift_right_arithmetic3A_340 = vector.broadcast %shift_right_arithmetic3A_339 : i32 to vector<16xi32>
        %shift_right_arithmetic3A_341 = arith.shrsi %gather3A_338, %shift_right_arithmetic3A_340 : vector<16xi32>
        %swap3A_342 = arith.constant 64 : index
        %swap3A_343 = tpu.vector_load %arg11[%swap3A_342] {strides = array<i32>} : memref<128xi32, #tpu.memory_space<vmem>>, vector<16xi32>,
        tpu.vector_store %arg11[%swap3A_342], %shift_right_arithmetic3A_341 {strides = array<i32>} : memref<128xi32, #tpu.memory_space<vmem>>, vector<16xi32>,
        %and3A_344 = arith.constant 1 : i32
        %and3A_345 = vector.broadcast %and3A_344 : i32 to vector<16xi32>
        %and3A_346 = arith.andi %gather3A_338, %and3A_345 : vector<16xi32>
        %mul3A_347 = arith.constant 64 : i32
        %mul3A_348 = vector.broadcast %mul3A_347 : i32 to vector<16xi32>
        %mul3A_349 = arith.muli %and3A_346, %mul3A_348 : vector<16xi32>
        %swap3A_350 = arith.constant 64 : index
        %swap3A_351 = tpu.vector_load %arg13[%swap3A_350] {strides = array<i32>} : memref<128xi32, #tpu.memory_space<vmem>>, vector<16xi32>,
        tpu.vector_store %arg13[%swap3A_350], %mul3A_349 {strides = array<i32>} : memref<128xi32, #tpu.memory_space<vmem>>, vector<16xi32>,
        %add3A_352 = arith.constant 16000 : i32
        %add3A_353 = arith.addi %add3A_352, %add3A_261 : i32
        %add3A_354 = vector.broadcast %add3A_353 : i32 to vector<16xi32>
        %add3A_355 = arith.addi %mul3A_5, %add3A_354 : vector<16xi32>
        %gather3A_356 = tpu.vector_load_idx %arg5[%add3A_355] : memref<25600xi32, #tpu.memory_space<vmem>>[vector<16xi32>], vector<16xi32>,
        %shift_right_arithmetic3A_357 = arith.constant 1 : i32
        %shift_right_arithmetic3A_358 = vector.broadcast %shift_right_arithmetic3A_357 : i32 to vector<16xi32>
        %shift_right_arithmetic3A_359 = arith.shrsi %gather3A_356, %shift_right_arithmetic3A_358 : vector<16xi32>
        %swap3A_360 = arith.constant 80 : index
        %swap3A_361 = tpu.vector_load %arg11[%swap3A_360] {strides = array<i32>} : memref<128xi32, #tpu.memory_space<vmem>>, vector<16xi32>,
        tpu.vector_store %arg11[%swap3A_360], %shift_right_arithmetic3A_359 {strides = array<i32>} : memref<128xi32, #tpu.memory_space<vmem>>, vector<16xi32>,
        %and3A_362 = arith.constant 1 : i32
        %and3A_363 = vector.broadcast %and3A_362 : i32 to vector<16xi32>
        %and3A_364 = arith.andi %gather3A_356, %and3A_363 : vector<16xi32>
        %mul3A_365 = arith.constant 64 : i32
        %mul3A_366 = vector.broadcast %mul3A_365 : i32 to vector<16xi32>
        %mul3A_367 = arith.muli %and3A_364, %mul3A_366 : vector<16xi32>
        %swap3A_368 = arith.constant 80 : index
        %swap3A_369 = tpu.vector_load %arg13[%swap3A_368] {strides = array<i32>} : memref<128xi32, #tpu.memory_space<vmem>>, vector<16xi32>,
        tpu.vector_store %arg13[%swap3A_368], %mul3A_367 {strides = array<i32>} : memref<128xi32, #tpu.memory_space<vmem>>, vector<16xi32>,
        %add3A_370 = arith.constant 19200 : i32
        %add3A_371 = arith.addi %add3A_370, %add3A_261 : i32
        %add3A_372 = vector.broadcast %add3A_371 : i32 to vector<16xi32>
        %add3A_373 = arith.addi %mul3A_5, %add3A_372 : vector<16xi32>
        %gather3A_374 = tpu.vector_load_idx %arg5[%add3A_373] : memref<25600xi32, #tpu.memory_space<vmem>>[vector<16xi32>], vector<16xi32>,
        %shift_right_arithmetic3A_375 = arith.constant 1 : i32
        %shift_right_arithmetic3A_376 = vector.broadcast %shift_right_arithmetic3A_375 : i32 to vector<16xi32>
        %shift_right_arithmetic3A_377 = arith.shrsi %gather3A_374, %shift_right_arithmetic3A_376 : vector<16xi32>
        %swap3A_378 = arith.constant 96 : index
        %swap3A_379 = tpu.vector_load %arg11[%swap3A_378] {strides = array<i32>} : memref<128xi32, #tpu.memory_space<vmem>>, vector<16xi32>,
        tpu.vector_store %arg11[%swap3A_378], %shift_right_arithmetic3A_377 {strides = array<i32>} : memref<128xi32, #tpu.memory_space<vmem>>, vector<16xi32>,
        %and3A_380 = arith.constant 1 : i32
        %and3A_381 = vector.broadcast %and3A_380 : i32 to vector<16xi32>
        %and3A_382 = arith.andi %gather3A_374, %and3A_381 : vector<16xi32>
        %mul3A_383 = arith.constant 64 : i32
        %mul3A_384 = vector.broadcast %mul3A_383 : i32 to vector<16xi32>
        %mul3A_385 = arith.muli %and3A_382, %mul3A_384 : vector<16xi32>
        %swap3A_386 = arith.constant 96 : index
        %swap3A_387 = tpu.vector_load %arg13[%swap3A_386] {strides = array<i32>} : memref<128xi32, #tpu.memory_space<vmem>>, vector<16xi32>,
        tpu.vector_store %arg13[%swap3A_386], %mul3A_385 {strides = array<i32>} : memref<128xi32, #tpu.memory_space<vmem>>, vector<16xi32>,
        %add3A_388 = arith.constant 22400 : i32
        %add3A_389 = arith.addi %add3A_388, %add3A_261 : i32
        %add3A_390 = vector.broadcast %add3A_389 : i32 to vector<16xi32>
        %add3A_391 = arith.addi %mul3A_5, %add3A_390 : vector<16xi32>
        %gather3A_392 = tpu.vector_load_idx %arg5[%add3A_391] : memref<25600xi32, #tpu.memory_space<vmem>>[vector<16xi32>], vector<16xi32>,
        %shift_right_arithmetic3A_393 = arith.constant 1 : i32
        %shift_right_arithmetic3A_394 = vector.broadcast %shift_right_arithmetic3A_393 : i32 to vector<16xi32>
        %shift_right_arithmetic3A_395 = arith.shrsi %gather3A_392, %shift_right_arithmetic3A_394 : vector<16xi32>
        %swap3A_396 = arith.constant 112 : index
        %swap3A_397 = tpu.vector_load %arg11[%swap3A_396] {strides = array<i32>} : memref<128xi32, #tpu.memory_space<vmem>>, vector<16xi32>,
        tpu.vector_store %arg11[%swap3A_396], %shift_right_arithmetic3A_395 {strides = array<i32>} : memref<128xi32, #tpu.memory_space<vmem>>, vector<16xi32>,
        %and3A_398 = arith.constant 1 : i32
        %and3A_399 = vector.broadcast %and3A_398 : i32 to vector<16xi32>
        %and3A_400 = arith.andi %gather3A_392, %and3A_399 : vector<16xi32>
        %mul3A_401 = arith.constant 64 : i32
        %mul3A_402 = vector.broadcast %mul3A_401 : i32 to vector<16xi32>
        %mul3A_403 = arith.muli %and3A_400, %mul3A_402 : vector<16xi32>
        %swap3A_404 = arith.constant 112 : index
        %swap3A_405 = tpu.vector_load %arg13[%swap3A_404] {strides = array<i32>} : memref<128xi32, #tpu.memory_space<vmem>>, vector<16xi32>,
        tpu.vector_store %arg13[%swap3A_404], %mul3A_403 {strides = array<i32>} : memref<128xi32, #tpu.memory_space<vmem>>, vector<16xi32>,
        %dma_start3A_406 = arith.constant 0 : i32
        %dma_start3A_407 = arith.constant 0 : i32
        %dma_start3A_408 = tpu.memref_slice %arg2[%dma_start3A_406, %dma_start3A_407] : memref<500032x128xf32, #tpu.memory_space<hbm>> -> memref<500032x128xf32, #tpu.memory_space<hbm>>
        tpu.enqueue_indirect_dma source(%dma_start3A_408 : memref<500032x128xf32, #tpu.memory_space<hbm>>) target(%arg7 : memref<128x128xf32, #tpu.memory_space<vmem>>) offsets(%arg11 : memref<128xi32, #tpu.memory_space<vmem>>) semaphore(%arg15 : memref<!tpu.dma_semaphore, #tpu.memory_space<semaphore_mem>>)
      } else {
      }
      %dma_wait3A_169 = arith.constant 0 : i32
      %dma_wait3A_170 = arith.constant 0 : i32
      %dma_wait3A_171 = tpu.memref_slice %arg2[%dma_wait3A_169, %dma_wait3A_170] : memref<500032x128xf32, #tpu.memory_space<hbm>> -> memref<128x128xf32, #tpu.memory_space<hbm>>
      %dma_wait3A_172 = arith.constant 0 : i32
      %dma_wait3A_173 = arith.constant 0 : i32
      %dma_wait3A_174 = tpu.memref_slice %arg2[%dma_wait3A_172, %dma_wait3A_173] : memref<500032x128xf32, #tpu.memory_space<hbm>> -> memref<128x128xf32, #tpu.memory_space<hbm>>
      tpu.wait_dma2 semaphore(%arg14 : memref<!tpu.dma_semaphore, #tpu.memory_space<semaphore_mem>>) src(%dma_wait3A_174 : memref<128x128xf32, #tpu.memory_space<hbm>>) dst(%arg6 : memref<128x128xf32, #tpu.memory_space<vmem>>)
      %get3A = arith.constant 0 : index
      %get3A_175 = tpu.vector_load %arg12[%get3A] {strides = array<i32>} : memref<128xi32, #tpu.memory_space<vmem>>, vector<16xi32>,
      %get3A_176 = arith.constant 16 : index
      %get3A_177 = tpu.vector_load %arg12[%get3A_176] {strides = array<i32>} : memref<128xi32, #tpu.memory_space<vmem>>, vector<16xi32>,
      %get3A_178 = arith.constant 32 : index
      %get3A_179 = tpu.vector_load %arg12[%get3A_178] {strides = array<i32>} : memref<128xi32, #tpu.memory_space<vmem>>, vector<16xi32>,
      %get3A_180 = arith.constant 48 : index
      %get3A_181 = tpu.vector_load %arg12[%get3A_180] {strides = array<i32>} : memref<128xi32, #tpu.memory_space<vmem>>, vector<16xi32>,
      %get3A_182 = arith.constant 64 : index
      %get3A_183 = tpu.vector_load %arg12[%get3A_182] {strides = array<i32>} : memref<128xi32, #tpu.memory_space<vmem>>, vector<16xi32>,
      %get3A_184 = arith.constant 80 : index
      %get3A_185 = tpu.vector_load %arg12[%get3A_184] {strides = array<i32>} : memref<128xi32, #tpu.memory_space<vmem>>, vector<16xi32>,
      %get3A_186 = arith.constant 96 : index
      %get3A_187 = tpu.vector_load %arg12[%get3A_186] {strides = array<i32>} : memref<128xi32, #tpu.memory_space<vmem>>, vector<16xi32>,
      %get3A_188 = arith.constant 112 : index
      %get3A_189 = tpu.vector_load %arg12[%get3A_188] {strides = array<i32>} : memref<128xi32, #tpu.memory_space<vmem>>, vector<16xi32>,
      %ge3A = arith.constant 2 : i32
      %ge3A_190 = arith.cmpi sge, %mul3A_164, %ge3A : i32
      %convert_element_type3A_191 = arith.extui %ge3A_190 : i1 to i32
      %cond3A_192 = arith.constant 0 : i32
      %cond3A_193 = arith.cmpi ne, %convert_element_type3A_191, %cond3A_192 : i32
      scf.if %cond3A_193 {
        %dma_wait3A_260 = arith.constant 0 : i32
        %dma_wait3A_261 = arith.constant 0 : i32
        %dma_wait3A_262 = arith.constant 0 : i32
        %dma_wait3A_263 = tpu.memref_slice %arg4[%dma_wait3A_260, %dma_wait3A_261, %dma_wait3A_262] : memref<200x64x4096xf32, #tpu.memory_space<hbm>> -> memref<1x64x128xf32, #tpu.memory_space<hbm>>
        %dma_wait3A_264 = tpu.memref_squeeze %dma_wait3A_263 : memref<1x64x128xf32, #tpu.memory_space<hbm>> -> memref<64x128xf32, #tpu.memory_space<hbm>>
        %dma_wait3A_265 = arith.constant 0 : i32
        %dma_wait3A_266 = arith.constant 0 : i32
        %dma_wait3A_267 = tpu.memref_slice %arg4[%dma_wait3A_260, %dma_wait3A_265, %dma_wait3A_266] : memref<200x64x4096xf32, #tpu.memory_space<hbm>> -> memref<1x64x128xf32, #tpu.memory_space<hbm>>
        %dma_wait3A_268 = tpu.memref_squeeze %dma_wait3A_267 : memref<1x64x128xf32, #tpu.memory_space<hbm>> -> memref<64x128xf32, #tpu.memory_space<hbm>>
        tpu.wait_dma2 semaphore(%arg16 : memref<!tpu.dma_semaphore, #tpu.memory_space<semaphore_mem>>) src(%arg8 : memref<64x128xf32, #tpu.memory_space<vmem>>) dst(%dma_wait3A_268 : memref<64x128xf32, #tpu.memory_space<hbm>>)
      } else {
      }
      %scan3A_194 = arith.constant 0 : i32
      %scan3A_195 = arith.constant 0 : i32
      %scan3A_196 = arith.constant 64 : i32
      %scan3A_197 = arith.addi %scan3A_195, %scan3A_196 : i32
      %scan3A_198 = arith.constant 2 : i32
      scf.for %scan3A_260 = %scan3A_195 to %scan3A_197 step %scan3A_198  : i32 {
        %xor3A = vector.broadcast %scan3A_260 : i32 to vector<16xi32>
        %xor3A_261 = arith.xori %iota3A, %xor3A : vector<16xi32>
        %add3A_262 = arith.constant 0 : i32
        %add3A_263 = vector.broadcast %add3A_262 : i32 to vector<16xi32>
        %add3A_264 = arith.addi %iota3A, %add3A_263 : vector<16xi32>
        %add3A_265 = arith.addi %get3A_175, %xor3A_261 : vector<16xi32>
        %gather3A_266 = tpu.vector_load_idx %arg6[%add3A_264, %add3A_265] : memref<128x128xf32, #tpu.memory_space<vmem>>[vector<16xi32>, vector<16xi32>], vector<16xf32>,
        tpu.vector_store_idx %arg8[%xor3A_261, %add3A_264], %gather3A_266 : memref<64x128xf32, #tpu.memory_space<vmem>>[vector<16xi32>, vector<16xi32>], vector<16xf32>,
        %add3A_267 = arith.constant 16 : i32
        %add3A_268 = vector.broadcast %add3A_267 : i32 to vector<16xi32>
        %add3A_269 = arith.addi %iota3A, %add3A_268 : vector<16xi32>
        %add3A_270 = arith.addi %get3A_177, %xor3A_261 : vector<16xi32>
        %gather3A_271 = tpu.vector_load_idx %arg6[%add3A_269, %add3A_270] : memref<128x128xf32, #tpu.memory_space<vmem>>[vector<16xi32>, vector<16xi32>], vector<16xf32>,
        tpu.vector_store_idx %arg8[%xor3A_261, %add3A_269], %gather3A_271 : memref<64x128xf32, #tpu.memory_space<vmem>>[vector<16xi32>, vector<16xi32>], vector<16xf32>,
        %add3A_272 = arith.constant 32 : i32
        %add3A_273 = vector.broadcast %add3A_272 : i32 to vector<16xi32>
        %add3A_274 = arith.addi %iota3A, %add3A_273 : vector<16xi32>
        %add3A_275 = arith.addi %get3A_179, %xor3A_261 : vector<16xi32>
        %gather3A_276 = tpu.vector_load_idx %arg6[%add3A_274, %add3A_275] : memref<128x128xf32, #tpu.memory_space<vmem>>[vector<16xi32>, vector<16xi32>], vector<16xf32>,
        tpu.vector_store_idx %arg8[%xor3A_261, %add3A_274], %gather3A_276 : memref<64x128xf32, #tpu.memory_space<vmem>>[vector<16xi32>, vector<16xi32>], vector<16xf32>,
        %add3A_277 = arith.constant 48 : i32
        %add3A_278 = vector.broadcast %add3A_277 : i32 to vector<16xi32>
        %add3A_279 = arith.addi %iota3A, %add3A_278 : vector<16xi32>
        %add3A_280 = arith.addi %get3A_181, %xor3A_261 : vector<16xi32>
        %gather3A_281 = tpu.vector_load_idx %arg6[%add3A_279, %add3A_280] : memref<128x128xf32, #tpu.memory_space<vmem>>[vector<16xi32>, vector<16xi32>], vector<16xf32>,
        tpu.vector_store_idx %arg8[%xor3A_261, %add3A_279], %gather3A_281 : memref<64x128xf32, #tpu.memory_space<vmem>>[vector<16xi32>, vector<16xi32>], vector<16xf32>,
        %add3A_282 = arith.constant 64 : i32
        %add3A_283 = vector.broadcast %add3A_282 : i32 to vector<16xi32>
        %add3A_284 = arith.addi %iota3A, %add3A_283 : vector<16xi32>
        %add3A_285 = arith.addi %get3A_183, %xor3A_261 : vector<16xi32>
        %gather3A_286 = tpu.vector_load_idx %arg6[%add3A_284, %add3A_285] : memref<128x128xf32, #tpu.memory_space<vmem>>[vector<16xi32>, vector<16xi32>], vector<16xf32>,
        tpu.vector_store_idx %arg8[%xor3A_261, %add3A_284], %gather3A_286 : memref<64x128xf32, #tpu.memory_space<vmem>>[vector<16xi32>, vector<16xi32>], vector<16xf32>,
        %add3A_287 = arith.constant 80 : i32
        %add3A_288 = vector.broadcast %add3A_287 : i32 to vector<16xi32>
        %add3A_289 = arith.addi %iota3A, %add3A_288 : vector<16xi32>
        %add3A_290 = arith.addi %get3A_185, %xor3A_261 : vector<16xi32>
        %gather3A_291 = tpu.vector_load_idx %arg6[%add3A_289, %add3A_290] : memref<128x128xf32, #tpu.memory_space<vmem>>[vector<16xi32>, vector<16xi32>], vector<16xf32>,
        tpu.vector_store_idx %arg8[%xor3A_261, %add3A_289], %gather3A_291 : memref<64x128xf32, #tpu.memory_space<vmem>>[vector<16xi32>, vector<16xi32>], vector<16xf32>,
        %add3A_292 = arith.constant 96 : i32
        %add3A_293 = vector.broadcast %add3A_292 : i32 to vector<16xi32>
        %add3A_294 = arith.addi %iota3A, %add3A_293 : vector<16xi32>
        %add3A_295 = arith.addi %get3A_187, %xor3A_261 : vector<16xi32>
        %gather3A_296 = tpu.vector_load_idx %arg6[%add3A_294, %add3A_295] : memref<128x128xf32, #tpu.memory_space<vmem>>[vector<16xi32>, vector<16xi32>], vector<16xf32>,
        tpu.vector_store_idx %arg8[%xor3A_261, %add3A_294], %gather3A_296 : memref<64x128xf32, #tpu.memory_space<vmem>>[vector<16xi32>, vector<16xi32>], vector<16xf32>,
        %add3A_297 = arith.constant 112 : i32
        %add3A_298 = vector.broadcast %add3A_297 : i32 to vector<16xi32>
        %add3A_299 = arith.addi %iota3A, %add3A_298 : vector<16xi32>
        %add3A_300 = arith.addi %get3A_189, %xor3A_261 : vector<16xi32>
        %gather3A_301 = tpu.vector_load_idx %arg6[%add3A_299, %add3A_300] : memref<128x128xf32, #tpu.memory_space<vmem>>[vector<16xi32>, vector<16xi32>], vector<16xf32>,
        tpu.vector_store_idx %arg8[%xor3A_261, %add3A_299], %gather3A_301 : memref<64x128xf32, #tpu.memory_space<vmem>>[vector<16xi32>, vector<16xi32>], vector<16xf32>,
        %scan3A_302 = arith.constant 1 : i32
        %scan3A_303 = arith.addi %scan3A_260, %scan3A_302 : i32
        %xor3A_304 = vector.broadcast %scan3A_303 : i32 to vector<16xi32>
        %xor3A_305 = arith.xori %iota3A, %xor3A_304 : vector<16xi32>
        %add3A_306 = arith.constant 0 : i32
        %add3A_307 = vector.broadcast %add3A_306 : i32 to vector<16xi32>
        %add3A_308 = arith.addi %iota3A, %add3A_307 : vector<16xi32>
        %add3A_309 = arith.addi %get3A_175, %xor3A_305 : vector<16xi32>
        %gather3A_310 = tpu.vector_load_idx %arg6[%add3A_308, %add3A_309] : memref<128x128xf32, #tpu.memory_space<vmem>>[vector<16xi32>, vector<16xi32>], vector<16xf32>,
        tpu.vector_store_idx %arg8[%xor3A_305, %add3A_308], %gather3A_310 : memref<64x128xf32, #tpu.memory_space<vmem>>[vector<16xi32>, vector<16xi32>], vector<16xf32>,
        %add3A_311 = arith.constant 16 : i32
        %add3A_312 = vector.broadcast %add3A_311 : i32 to vector<16xi32>
        %add3A_313 = arith.addi %iota3A, %add3A_312 : vector<16xi32>
        %add3A_314 = arith.addi %get3A_177, %xor3A_305 : vector<16xi32>
        %gather3A_315 = tpu.vector_load_idx %arg6[%add3A_313, %add3A_314] : memref<128x128xf32, #tpu.memory_space<vmem>>[vector<16xi32>, vector<16xi32>], vector<16xf32>,
        tpu.vector_store_idx %arg8[%xor3A_305, %add3A_313], %gather3A_315 : memref<64x128xf32, #tpu.memory_space<vmem>>[vector<16xi32>, vector<16xi32>], vector<16xf32>,
        %add3A_316 = arith.constant 32 : i32
        %add3A_317 = vector.broadcast %add3A_316 : i32 to vector<16xi32>
        %add3A_318 = arith.addi %iota3A, %add3A_317 : vector<16xi32>
        %add3A_319 = arith.addi %get3A_179, %xor3A_305 : vector<16xi32>
        %gather3A_320 = tpu.vector_load_idx %arg6[%add3A_318, %add3A_319] : memref<128x128xf32, #tpu.memory_space<vmem>>[vector<16xi32>, vector<16xi32>], vector<16xf32>,
        tpu.vector_store_idx %arg8[%xor3A_305, %add3A_318], %gather3A_320 : memref<64x128xf32, #tpu.memory_space<vmem>>[vector<16xi32>, vector<16xi32>], vector<16xf32>,
        %add3A_321 = arith.constant 48 : i32
        %add3A_322 = vector.broadcast %add3A_321 : i32 to vector<16xi32>
        %add3A_323 = arith.addi %iota3A, %add3A_322 : vector<16xi32>
        %add3A_324 = arith.addi %get3A_181, %xor3A_305 : vector<16xi32>
        %gather3A_325 = tpu.vector_load_idx %arg6[%add3A_323, %add3A_324] : memref<128x128xf32, #tpu.memory_space<vmem>>[vector<16xi32>, vector<16xi32>], vector<16xf32>,
        tpu.vector_store_idx %arg8[%xor3A_305, %add3A_323], %gather3A_325 : memref<64x128xf32, #tpu.memory_space<vmem>>[vector<16xi32>, vector<16xi32>], vector<16xf32>,
        %add3A_326 = arith.constant 64 : i32
        %add3A_327 = vector.broadcast %add3A_326 : i32 to vector<16xi32>
        %add3A_328 = arith.addi %iota3A, %add3A_327 : vector<16xi32>
        %add3A_329 = arith.addi %get3A_183, %xor3A_305 : vector<16xi32>
        %gather3A_330 = tpu.vector_load_idx %arg6[%add3A_328, %add3A_329] : memref<128x128xf32, #tpu.memory_space<vmem>>[vector<16xi32>, vector<16xi32>], vector<16xf32>,
        tpu.vector_store_idx %arg8[%xor3A_305, %add3A_328], %gather3A_330 : memref<64x128xf32, #tpu.memory_space<vmem>>[vector<16xi32>, vector<16xi32>], vector<16xf32>,
        %add3A_331 = arith.constant 80 : i32
        %add3A_332 = vector.broadcast %add3A_331 : i32 to vector<16xi32>
        %add3A_333 = arith.addi %iota3A, %add3A_332 : vector<16xi32>
        %add3A_334 = arith.addi %get3A_185, %xor3A_305 : vector<16xi32>
        %gather3A_335 = tpu.vector_load_idx %arg6[%add3A_333, %add3A_334] : memref<128x128xf32, #tpu.memory_space<vmem>>[vector<16xi32>, vector<16xi32>], vector<16xf32>,
        tpu.vector_store_idx %arg8[%xor3A_305, %add3A_333], %gather3A_335 : memref<64x128xf32, #tpu.memory_space<vmem>>[vector<16xi32>, vector<16xi32>], vector<16xf32>,
        %add3A_336 = arith.constant 96 : i32
        %add3A_337 = vector.broadcast %add3A_336 : i32 to vector<16xi32>
        %add3A_338 = arith.addi %iota3A, %add3A_337 : vector<16xi32>
        %add3A_339 = arith.addi %get3A_187, %xor3A_305 : vector<16xi32>
        %gather3A_340 = tpu.vector_load_idx %arg6[%add3A_338, %add3A_339] : memref<128x128xf32, #tpu.memory_space<vmem>>[vector<16xi32>, vector<16xi32>], vector<16xf32>,
        tpu.vector_store_idx %arg8[%xor3A_305, %add3A_338], %gather3A_340 : memref<64x128xf32, #tpu.memory_space<vmem>>[vector<16xi32>, vector<16xi32>], vector<16xf32>,
        %add3A_341 = arith.constant 112 : i32
        %add3A_342 = vector.broadcast %add3A_341 : i32 to vector<16xi32>
        %add3A_343 = arith.addi %iota3A, %add3A_342 : vector<16xi32>
        %add3A_344 = arith.addi %get3A_189, %xor3A_305 : vector<16xi32>
        %gather3A_345 = tpu.vector_load_idx %arg6[%add3A_343, %add3A_344] : memref<128x128xf32, #tpu.memory_space<vmem>>[vector<16xi32>, vector<16xi32>], vector<16xf32>,
        tpu.vector_store_idx %arg8[%xor3A_305, %add3A_343], %gather3A_345 : memref<64x128xf32, #tpu.memory_space<vmem>>[vector<16xi32>, vector<16xi32>], vector<16xf32>,
      }
      %scan3A_199 = arith.constant 64 : i32
      %mul3A_200 = arith.constant 128 : i32
      %mul3A_201 = arith.muli %add3A, %mul3A_200 : i32
      %dma_start3A_202 = arith.constant 0 : i32
      %dma_start3A_203 = tpu.memref_slice %arg4[%mul3A_164, %dma_start3A_202, %mul3A_201] : memref<200x64x4096xf32, #tpu.memory_space<hbm>> -> memref<1x64x128xf32, #tpu.memory_space<hbm>>
      %dma_start3A_204 = tpu.memref_squeeze %dma_start3A_203 : memref<1x64x128xf32, #tpu.memory_space<hbm>> -> memref<64x128xf32, #tpu.memory_space<hbm>>
      %dma_start3A_205 = arith.constant 0 : i32
      %dma_start3A_206 = tpu.memref_slice %arg4[%mul3A_164, %dma_start3A_205, %mul3A_201] : memref<200x64x4096xf32, #tpu.memory_space<hbm>> -> memref<1x64x128xf32, #tpu.memory_space<hbm>>
      %dma_start3A_207 = tpu.memref_squeeze %dma_start3A_206 : memref<1x64x128xf32, #tpu.memory_space<hbm>> -> memref<64x128xf32, #tpu.memory_space<hbm>>
      tpu.enqueue_dma source(%arg8 : memref<64x128xf32, #tpu.memory_space<vmem>>) target(%dma_start3A_207 : memref<64x128xf32, #tpu.memory_space<hbm>>) target_semaphore(%arg16 : memref<!tpu.dma_semaphore, #tpu.memory_space<semaphore_mem>>)
      %mul3A_208 = arith.constant 2 : i32
      %mul3A_209 = arith.muli %mul3A_208, %scan3A_162 : i32
      %add3A_210 = arith.constant 1 : i32
      %add3A_211 = arith.addi %mul3A_209, %add3A_210 : i32
      %add3A_212 = arith.constant 1 : i32
      %add3A_213 = arith.addi %add3A_211, %add3A_212 : i32
      %lt3A_214 = arith.constant 200 : i32
      %lt3A_215 = arith.cmpi slt, %add3A_213, %lt3A_214 : i32
      %convert_element_type3A_216 = arith.extui %lt3A_215 : i1 to i32
      %cond3A_217 = arith.constant 0 : i32
      %cond3A_218 = arith.cmpi ne, %convert_element_type3A_216, %cond3A_217 : i32
      scf.if %cond3A_218 {
        %add3A_260 = arith.constant 1 : i32
        %add3A_261 = arith.addi %add3A_211, %add3A_260 : i32
        %add3A_262 = arith.constant 0 : i32
        %add3A_263 = arith.addi %add3A_262, %add3A_261 : i32
        %add3A_264 = vector.broadcast %add3A_263 : i32 to vector<16xi32>
        %add3A_265 = arith.addi %mul3A_5, %add3A_264 : vector<16xi32>
        %gather3A_266 = tpu.vector_load_idx %arg5[%add3A_265] : memref<25600xi32, #tpu.memory_space<vmem>>[vector<16xi32>], vector<16xi32>,
        %shift_right_arithmetic3A_267 = arith.constant 1 : i32
        %shift_right_arithmetic3A_268 = vector.broadcast %shift_right_arithmetic3A_267 : i32 to vector<16xi32>
        %shift_right_arithmetic3A_269 = arith.shrsi %gather3A_266, %shift_right_arithmetic3A_268 : vector<16xi32>
        %swap3A_270 = arith.constant 0 : index
        %swap3A_271 = tpu.vector_load %arg10[%swap3A_270] {strides = array<i32>} : memref<128xi32, #tpu.memory_space<vmem>>, vector<16xi32>,
        tpu.vector_store %arg10[%swap3A_270], %shift_right_arithmetic3A_269 {strides = array<i32>} : memref<128xi32, #tpu.memory_space<vmem>>, vector<16xi32>,
        %and3A_272 = arith.constant 1 : i32
        %and3A_273 = vector.broadcast %and3A_272 : i32 to vector<16xi32>
        %and3A_274 = arith.andi %gather3A_266, %and3A_273 : vector<16xi32>
        %mul3A_275 = arith.constant 64 : i32
        %mul3A_276 = vector.broadcast %mul3A_275 : i32 to vector<16xi32>
        %mul3A_277 = arith.muli %and3A_274, %mul3A_276 : vector<16xi32>
        %swap3A_278 = arith.constant 0 : index
        %swap3A_279 = tpu.vector_load %arg12[%swap3A_278] {strides = array<i32>} : memref<128xi32, #tpu.memory_space<vmem>>, vector<16xi32>,
        tpu.vector_store %arg12[%swap3A_278], %mul3A_277 {strides = array<i32>} : memref<128xi32, #tpu.memory_space<vmem>>, vector<16xi32>,
        %add3A_280 = arith.constant 3200 : i32
        %add3A_281 = arith.addi %add3A_280, %add3A_261 : i32
        %add3A_282 = vector.broadcast %add3A_281 : i32 to vector<16xi32>
        %add3A_283 = arith.addi %mul3A_5, %add3A_282 : vector<16xi32>
        %gather3A_284 = tpu.vector_load_idx %arg5[%add3A_283] : memref<25600xi32, #tpu.memory_space<vmem>>[vector<16xi32>], vector<16xi32>,
        %shift_right_arithmetic3A_285 = arith.constant 1 : i32
        %shift_right_arithmetic3A_286 = vector.broadcast %shift_right_arithmetic3A_285 : i32 to vector<16xi32>
        %shift_right_arithmetic3A_287 = arith.shrsi %gather3A_284, %shift_right_arithmetic3A_286 : vector<16xi32>
        %swap3A_288 = arith.constant 16 : index
        %swap3A_289 = tpu.vector_load %arg10[%swap3A_288] {strides = array<i32>} : memref<128xi32, #tpu.memory_space<vmem>>, vector<16xi32>,
        tpu.vector_store %arg10[%swap3A_288], %shift_right_arithmetic3A_287 {strides = array<i32>} : memref<128xi32, #tpu.memory_space<vmem>>, vector<16xi32>,
        %and3A_290 = arith.constant 1 : i32
        %and3A_291 = vector.broadcast %and3A_290 : i32 to vector<16xi32>
        %and3A_292 = arith.andi %gather3A_284, %and3A_291 : vector<16xi32>
        %mul3A_293 = arith.constant 64 : i32
        %mul3A_294 = vector.broadcast %mul3A_293 : i32 to vector<16xi32>
        %mul3A_295 = arith.muli %and3A_292, %mul3A_294 : vector<16xi32>
        %swap3A_296 = arith.constant 16 : index
        %swap3A_297 = tpu.vector_load %arg12[%swap3A_296] {strides = array<i32>} : memref<128xi32, #tpu.memory_space<vmem>>, vector<16xi32>,
        tpu.vector_store %arg12[%swap3A_296], %mul3A_295 {strides = array<i32>} : memref<128xi32, #tpu.memory_space<vmem>>, vector<16xi32>,
        %add3A_298 = arith.constant 6400 : i32
        %add3A_299 = arith.addi %add3A_298, %add3A_261 : i32
        %add3A_300 = vector.broadcast %add3A_299 : i32 to vector<16xi32>
        %add3A_301 = arith.addi %mul3A_5, %add3A_300 : vector<16xi32>
        %gather3A_302 = tpu.vector_load_idx %arg5[%add3A_301] : memref<25600xi32, #tpu.memory_space<vmem>>[vector<16xi32>], vector<16xi32>,
        %shift_right_arithmetic3A_303 = arith.constant 1 : i32
        %shift_right_arithmetic3A_304 = vector.broadcast %shift_right_arithmetic3A_303 : i32 to vector<16xi32>
        %shift_right_arithmetic3A_305 = arith.shrsi %gather3A_302, %shift_right_arithmetic3A_304 : vector<16xi32>
        %swap3A_306 = arith.constant 32 : index
        %swap3A_307 = tpu.vector_load %arg10[%swap3A_306] {strides = array<i32>} : memref<128xi32, #tpu.memory_space<vmem>>, vector<16xi32>,
        tpu.vector_store %arg10[%swap3A_306], %shift_right_arithmetic3A_305 {strides = array<i32>} : memref<128xi32, #tpu.memory_space<vmem>>, vector<16xi32>,
        %and3A_308 = arith.constant 1 : i32
        %and3A_309 = vector.broadcast %and3A_308 : i32 to vector<16xi32>
        %and3A_310 = arith.andi %gather3A_302, %and3A_309 : vector<16xi32>
        %mul3A_311 = arith.constant 64 : i32
        %mul3A_312 = vector.broadcast %mul3A_311 : i32 to vector<16xi32>
        %mul3A_313 = arith.muli %and3A_310, %mul3A_312 : vector<16xi32>
        %swap3A_314 = arith.constant 32 : index
        %swap3A_315 = tpu.vector_load %arg12[%swap3A_314] {strides = array<i32>} : memref<128xi32, #tpu.memory_space<vmem>>, vector<16xi32>,
        tpu.vector_store %arg12[%swap3A_314], %mul3A_313 {strides = array<i32>} : memref<128xi32, #tpu.memory_space<vmem>>, vector<16xi32>,
        %add3A_316 = arith.constant 9600 : i32
        %add3A_317 = arith.addi %add3A_316, %add3A_261 : i32
        %add3A_318 = vector.broadcast %add3A_317 : i32 to vector<16xi32>
        %add3A_319 = arith.addi %mul3A_5, %add3A_318 : vector<16xi32>
        %gather3A_320 = tpu.vector_load_idx %arg5[%add3A_319] : memref<25600xi32, #tpu.memory_space<vmem>>[vector<16xi32>], vector<16xi32>,
        %shift_right_arithmetic3A_321 = arith.constant 1 : i32
        %shift_right_arithmetic3A_322 = vector.broadcast %shift_right_arithmetic3A_321 : i32 to vector<16xi32>
        %shift_right_arithmetic3A_323 = arith.shrsi %gather3A_320, %shift_right_arithmetic3A_322 : vector<16xi32>
        %swap3A_324 = arith.constant 48 : index
        %swap3A_325 = tpu.vector_load %arg10[%swap3A_324] {strides = array<i32>} : memref<128xi32, #tpu.memory_space<vmem>>, vector<16xi32>,
        tpu.vector_store %arg10[%swap3A_324], %shift_right_arithmetic3A_323 {strides = array<i32>} : memref<128xi32, #tpu.memory_space<vmem>>, vector<16xi32>,
        %and3A_326 = arith.constant 1 : i32
        %and3A_327 = vector.broadcast %and3A_326 : i32 to vector<16xi32>
        %and3A_328 = arith.andi %gather3A_320, %and3A_327 : vector<16xi32>
        %mul3A_329 = arith.constant 64 : i32
        %mul3A_330 = vector.broadcast %mul3A_329 : i32 to vector<16xi32>
        %mul3A_331 = arith.muli %and3A_328, %mul3A_330 : vector<16xi32>
        %swap3A_332 = arith.constant 48 : index
        %swap3A_333 = tpu.vector_load %arg12[%swap3A_332] {strides = array<i32>} : memref<128xi32, #tpu.memory_space<vmem>>, vector<16xi32>,
        tpu.vector_store %arg12[%swap3A_332], %mul3A_331 {strides = array<i32>} : memref<128xi32, #tpu.memory_space<vmem>>, vector<16xi32>,
        %add3A_334 = arith.constant 12800 : i32
        %add3A_335 = arith.addi %add3A_334, %add3A_261 : i32
        %add3A_336 = vector.broadcast %add3A_335 : i32 to vector<16xi32>
        %add3A_337 = arith.addi %mul3A_5, %add3A_336 : vector<16xi32>
        %gather3A_338 = tpu.vector_load_idx %arg5[%add3A_337] : memref<25600xi32, #tpu.memory_space<vmem>>[vector<16xi32>], vector<16xi32>,
        %shift_right_arithmetic3A_339 = arith.constant 1 : i32
        %shift_right_arithmetic3A_340 = vector.broadcast %shift_right_arithmetic3A_339 : i32 to vector<16xi32>
        %shift_right_arithmetic3A_341 = arith.shrsi %gather3A_338, %shift_right_arithmetic3A_340 : vector<16xi32>
        %swap3A_342 = arith.constant 64 : index
        %swap3A_343 = tpu.vector_load %arg10[%swap3A_342] {strides = array<i32>} : memref<128xi32, #tpu.memory_space<vmem>>, vector<16xi32>,
        tpu.vector_store %arg10[%swap3A_342], %shift_right_arithmetic3A_341 {strides = array<i32>} : memref<128xi32, #tpu.memory_space<vmem>>, vector<16xi32>,
        %and3A_344 = arith.constant 1 : i32
        %and3A_345 = vector.broadcast %and3A_344 : i32 to vector<16xi32>
        %and3A_346 = arith.andi %gather3A_338, %and3A_345 : vector<16xi32>
        %mul3A_347 = arith.constant 64 : i32
        %mul3A_348 = vector.broadcast %mul3A_347 : i32 to vector<16xi32>
        %mul3A_349 = arith.muli %and3A_346, %mul3A_348 : vector<16xi32>
        %swap3A_350 = arith.constant 64 : index
        %swap3A_351 = tpu.vector_load %arg12[%swap3A_350] {strides = array<i32>} : memref<128xi32, #tpu.memory_space<vmem>>, vector<16xi32>,
        tpu.vector_store %arg12[%swap3A_350], %mul3A_349 {strides = array<i32>} : memref<128xi32, #tpu.memory_space<vmem>>, vector<16xi32>,
        %add3A_352 = arith.constant 16000 : i32
        %add3A_353 = arith.addi %add3A_352, %add3A_261 : i32
        %add3A_354 = vector.broadcast %add3A_353 : i32 to vector<16xi32>
        %add3A_355 = arith.addi %mul3A_5, %add3A_354 : vector<16xi32>
        %gather3A_356 = tpu.vector_load_idx %arg5[%add3A_355] : memref<25600xi32, #tpu.memory_space<vmem>>[vector<16xi32>], vector<16xi32>,
        %shift_right_arithmetic3A_357 = arith.constant 1 : i32
        %shift_right_arithmetic3A_358 = vector.broadcast %shift_right_arithmetic3A_357 : i32 to vector<16xi32>
        %shift_right_arithmetic3A_359 = arith.shrsi %gather3A_356, %shift_right_arithmetic3A_358 : vector<16xi32>
        %swap3A_360 = arith.constant 80 : index
        %swap3A_361 = tpu.vector_load %arg10[%swap3A_360] {strides = array<i32>} : memref<128xi32, #tpu.memory_space<vmem>>, vector<16xi32>,
        tpu.vector_store %arg10[%swap3A_360], %shift_right_arithmetic3A_359 {strides = array<i32>} : memref<128xi32, #tpu.memory_space<vmem>>, vector<16xi32>,
        %and3A_362 = arith.constant 1 : i32
        %and3A_363 = vector.broadcast %and3A_362 : i32 to vector<16xi32>
        %and3A_364 = arith.andi %gather3A_356, %and3A_363 : vector<16xi32>
        %mul3A_365 = arith.constant 64 : i32
        %mul3A_366 = vector.broadcast %mul3A_365 : i32 to vector<16xi32>
        %mul3A_367 = arith.muli %and3A_364, %mul3A_366 : vector<16xi32>
        %swap3A_368 = arith.constant 80 : index
        %swap3A_369 = tpu.vector_load %arg12[%swap3A_368] {strides = array<i32>} : memref<128xi32, #tpu.memory_space<vmem>>, vector<16xi32>,
        tpu.vector_store %arg12[%swap3A_368], %mul3A_367 {strides = array<i32>} : memref<128xi32, #tpu.memory_space<vmem>>, vector<16xi32>,
        %add3A_370 = arith.constant 19200 : i32
        %add3A_371 = arith.addi %add3A_370, %add3A_261 : i32
        %add3A_372 = vector.broadcast %add3A_371 : i32 to vector<16xi32>
        %add3A_373 = arith.addi %mul3A_5, %add3A_372 : vector<16xi32>
        %gather3A_374 = tpu.vector_load_idx %arg5[%add3A_373] : memref<25600xi32, #tpu.memory_space<vmem>>[vector<16xi32>], vector<16xi32>,
        %shift_right_arithmetic3A_375 = arith.constant 1 : i32
        %shift_right_arithmetic3A_376 = vector.broadcast %shift_right_arithmetic3A_375 : i32 to vector<16xi32>
        %shift_right_arithmetic3A_377 = arith.shrsi %gather3A_374, %shift_right_arithmetic3A_376 : vector<16xi32>
        %swap3A_378 = arith.constant 96 : index
        %swap3A_379 = tpu.vector_load %arg10[%swap3A_378] {strides = array<i32>} : memref<128xi32, #tpu.memory_space<vmem>>, vector<16xi32>,
        tpu.vector_store %arg10[%swap3A_378], %shift_right_arithmetic3A_377 {strides = array<i32>} : memref<128xi32, #tpu.memory_space<vmem>>, vector<16xi32>,
        %and3A_380 = arith.constant 1 : i32
        %and3A_381 = vector.broadcast %and3A_380 : i32 to vector<16xi32>
        %and3A_382 = arith.andi %gather3A_374, %and3A_381 : vector<16xi32>
        %mul3A_383 = arith.constant 64 : i32
        %mul3A_384 = vector.broadcast %mul3A_383 : i32 to vector<16xi32>
        %mul3A_385 = arith.muli %and3A_382, %mul3A_384 : vector<16xi32>
        %swap3A_386 = arith.constant 96 : index
        %swap3A_387 = tpu.vector_load %arg12[%swap3A_386] {strides = array<i32>} : memref<128xi32, #tpu.memory_space<vmem>>, vector<16xi32>,
        tpu.vector_store %arg12[%swap3A_386], %mul3A_385 {strides = array<i32>} : memref<128xi32, #tpu.memory_space<vmem>>, vector<16xi32>,
        %add3A_388 = arith.constant 22400 : i32
        %add3A_389 = arith.addi %add3A_388, %add3A_261 : i32
        %add3A_390 = vector.broadcast %add3A_389 : i32 to vector<16xi32>
        %add3A_391 = arith.addi %mul3A_5, %add3A_390 : vector<16xi32>
        %gather3A_392 = tpu.vector_load_idx %arg5[%add3A_391] : memref<25600xi32, #tpu.memory_space<vmem>>[vector<16xi32>], vector<16xi32>,
        %shift_right_arithmetic3A_393 = arith.constant 1 : i32
        %shift_right_arithmetic3A_394 = vector.broadcast %shift_right_arithmetic3A_393 : i32 to vector<16xi32>
        %shift_right_arithmetic3A_395 = arith.shrsi %gather3A_392, %shift_right_arithmetic3A_394 : vector<16xi32>
        %swap3A_396 = arith.constant 112 : index
        %swap3A_397 = tpu.vector_load %arg10[%swap3A_396] {strides = array<i32>} : memref<128xi32, #tpu.memory_space<vmem>>, vector<16xi32>,
        tpu.vector_store %arg10[%swap3A_396], %shift_right_arithmetic3A_395 {strides = array<i32>} : memref<128xi32, #tpu.memory_space<vmem>>, vector<16xi32>,
        %and3A_398 = arith.constant 1 : i32
        %and3A_399 = vector.broadcast %and3A_398 : i32 to vector<16xi32>
        %and3A_400 = arith.andi %gather3A_392, %and3A_399 : vector<16xi32>
        %mul3A_401 = arith.constant 64 : i32
        %mul3A_402 = vector.broadcast %mul3A_401 : i32 to vector<16xi32>
        %mul3A_403 = arith.muli %and3A_400, %mul3A_402 : vector<16xi32>
        %swap3A_404 = arith.constant 112 : index
        %swap3A_405 = tpu.vector_load %arg12[%swap3A_404] {strides = array<i32>} : memref<128xi32, #tpu.memory_space<vmem>>, vector<16xi32>,
        tpu.vector_store %arg12[%swap3A_404], %mul3A_403 {strides = array<i32>} : memref<128xi32, #tpu.memory_space<vmem>>, vector<16xi32>,
        %dma_start3A_406 = arith.constant 0 : i32
        %dma_start3A_407 = arith.constant 0 : i32
        %dma_start3A_408 = tpu.memref_slice %arg2[%dma_start3A_406, %dma_start3A_407] : memref<500032x128xf32, #tpu.memory_space<hbm>> -> memref<500032x128xf32, #tpu.memory_space<hbm>>
        tpu.enqueue_indirect_dma source(%dma_start3A_408 : memref<500032x128xf32, #tpu.memory_space<hbm>>) target(%arg6 : memref<128x128xf32, #tpu.memory_space<vmem>>) offsets(%arg10 : memref<128xi32, #tpu.memory_space<vmem>>) semaphore(%arg14 : memref<!tpu.dma_semaphore, #tpu.memory_space<semaphore_mem>>)
      } else {
      }
      %dma_wait3A_219 = arith.constant 0 : i32
      %dma_wait3A_220 = arith.constant 0 : i32
      %dma_wait3A_221 = tpu.memref_slice %arg2[%dma_wait3A_219, %dma_wait3A_220] : memref<500032x128xf32, #tpu.memory_space<hbm>> -> memref<128x128xf32, #tpu.memory_space<hbm>>
      %dma_wait3A_222 = arith.constant 0 : i32
      %dma_wait3A_223 = arith.constant 0 : i32
      %dma_wait3A_224 = tpu.memref_slice %arg2[%dma_wait3A_222, %dma_wait3A_223] : memref<500032x128xf32, #tpu.memory_space<hbm>> -> memref<128x128xf32, #tpu.memory_space<hbm>>
      tpu.wait_dma2 semaphore(%arg15 : memref<!tpu.dma_semaphore, #tpu.memory_space<semaphore_mem>>) src(%dma_wait3A_224 : memref<128x128xf32, #tpu.memory_space<hbm>>) dst(%arg7 : memref<128x128xf32, #tpu.memory_space<vmem>>)
      %get3A_225 = arith.constant 0 : index
      %get3A_226 = tpu.vector_load %arg13[%get3A_225] {strides = array<i32>} : memref<128xi32, #tpu.memory_space<vmem>>, vector<16xi32>,
      %get3A_227 = arith.constant 16 : index
      %get3A_228 = tpu.vector_load %arg13[%get3A_227] {strides = array<i32>} : memref<128xi32, #tpu.memory_space<vmem>>, vector<16xi32>,
      %get3A_229 = arith.constant 32 : index
      %get3A_230 = tpu.vector_load %arg13[%get3A_229] {strides = array<i32>} : memref<128xi32, #tpu.memory_space<vmem>>, vector<16xi32>,
      %get3A_231 = arith.constant 48 : index
      %get3A_232 = tpu.vector_load %arg13[%get3A_231] {strides = array<i32>} : memref<128xi32, #tpu.memory_space<vmem>>, vector<16xi32>,
      %get3A_233 = arith.constant 64 : index
      %get3A_234 = tpu.vector_load %arg13[%get3A_233] {strides = array<i32>} : memref<128xi32, #tpu.memory_space<vmem>>, vector<16xi32>,
      %get3A_235 = arith.constant 80 : index
      %get3A_236 = tpu.vector_load %arg13[%get3A_235] {strides = array<i32>} : memref<128xi32, #tpu.memory_space<vmem>>, vector<16xi32>,
      %get3A_237 = arith.constant 96 : index
      %get3A_238 = tpu.vector_load %arg13[%get3A_237] {strides = array<i32>} : memref<128xi32, #tpu.memory_space<vmem>>, vector<16xi32>,
      %get3A_239 = arith.constant 112 : index
      %get3A_240 = tpu.vector_load %arg13[%get3A_239] {strides = array<i32>} : memref<128xi32, #tpu.memory_space<vmem>>, vector<16xi32>,
      %ge3A_241 = arith.constant 2 : i32
      %ge3A_242 = arith.cmpi sge, %add3A_211, %ge3A_241 : i32
      %convert_element_type3A_243 = arith.extui %ge3A_242 : i1 to i32
      %cond3A_244 = arith.constant 0 : i32
      %cond3A_245 = arith.cmpi ne, %convert_element_type3A_243, %cond3A_244 : i32
      scf.if %cond3A_245 {
        %dma_wait3A_260 = arith.constant 0 : i32
        %dma_wait3A_261 = arith.constant 0 : i32
        %dma_wait3A_262 = arith.constant 0 : i32
        %dma_wait3A_263 = tpu.memref_slice %arg4[%dma_wait3A_260, %dma_wait3A_261, %dma_wait3A_262] : memref<200x64x4096xf32, #tpu.memory_space<hbm>> -> memref<1x64x128xf32, #tpu.memory_space<hbm>>
        %dma_wait3A_264 = tpu.memref_squeeze %dma_wait3A_263 : memref<1x64x128xf32, #tpu.memory_space<hbm>> -> memref<64x128xf32, #tpu.memory_space<hbm>>
        %dma_wait3A_265 = arith.constant 0 : i32
        %dma_wait3A_266 = arith.constant 0 : i32
        %dma_wait3A_267 = tpu.memref_slice %arg4[%dma_wait3A_260, %dma_wait3A_265, %dma_wait3A_266] : memref<200x64x4096xf32, #tpu.memory_space<hbm>> -> memref<1x64x128xf32, #tpu.memory_space<hbm>>
        %dma_wait3A_268 = tpu.memref_squeeze %dma_wait3A_267 : memref<1x64x128xf32, #tpu.memory_space<hbm>> -> memref<64x128xf32, #tpu.memory_space<hbm>>
        tpu.wait_dma2 semaphore(%arg16 : memref<!tpu.dma_semaphore, #tpu.memory_space<semaphore_mem>>) src(%arg8 : memref<64x128xf32, #tpu.memory_space<vmem>>) dst(%dma_wait3A_268 : memref<64x128xf32, #tpu.memory_space<hbm>>)
      } else {
      }
      %scan3A_246 = arith.constant 0 : i32
      %scan3A_247 = arith.constant 0 : i32
      %scan3A_248 = arith.constant 64 : i32
      %scan3A_249 = arith.addi %scan3A_247, %scan3A_248 : i32
      %scan3A_250 = arith.constant 2 : i32
      scf.for %scan3A_260 = %scan3A_247 to %scan3A_249 step %scan3A_250  : i32 {
        %xor3A = vector.broadcast %scan3A_260 : i32 to vector<16xi32>
        %xor3A_261 = arith.xori %iota3A, %xor3A : vector<16xi32>
        %add3A_262 = arith.constant 0 : i32
        %add3A_263 = vector.broadcast %add3A_262 : i32 to vector<16xi32>
        %add3A_264 = arith.addi %iota3A, %add3A_263 : vector<16xi32>
        %add3A_265 = arith.addi %get3A_226, %xor3A_261 : vector<16xi32>
        %gather3A_266 = tpu.vector_load_idx %arg7[%add3A_264, %add3A_265] : memref<128x128xf32, #tpu.memory_space<vmem>>[vector<16xi32>, vector<16xi32>], vector<16xf32>,
        tpu.vector_store_idx %arg9[%xor3A_261, %add3A_264], %gather3A_266 : memref<64x128xf32, #tpu.memory_space<vmem>>[vector<16xi32>, vector<16xi32>], vector<16xf32>,
        %add3A_267 = arith.constant 16 : i32
        %add3A_268 = vector.broadcast %add3A_267 : i32 to vector<16xi32>
        %add3A_269 = arith.addi %iota3A, %add3A_268 : vector<16xi32>
        %add3A_270 = arith.addi %get3A_228, %xor3A_261 : vector<16xi32>
        %gather3A_271 = tpu.vector_load_idx %arg7[%add3A_269, %add3A_270] : memref<128x128xf32, #tpu.memory_space<vmem>>[vector<16xi32>, vector<16xi32>], vector<16xf32>,
        tpu.vector_store_idx %arg9[%xor3A_261, %add3A_269], %gather3A_271 : memref<64x128xf32, #tpu.memory_space<vmem>>[vector<16xi32>, vector<16xi32>], vector<16xf32>,
        %add3A_272 = arith.constant 32 : i32
        %add3A_273 = vector.broadcast %add3A_272 : i32 to vector<16xi32>
        %add3A_274 = arith.addi %iota3A, %add3A_273 : vector<16xi32>
        %add3A_275 = arith.addi %get3A_230, %xor3A_261 : vector<16xi32>
        %gather3A_276 = tpu.vector_load_idx %arg7[%add3A_274, %add3A_275] : memref<128x128xf32, #tpu.memory_space<vmem>>[vector<16xi32>, vector<16xi32>], vector<16xf32>,
        tpu.vector_store_idx %arg9[%xor3A_261, %add3A_274], %gather3A_276 : memref<64x128xf32, #tpu.memory_space<vmem>>[vector<16xi32>, vector<16xi32>], vector<16xf32>,
        %add3A_277 = arith.constant 48 : i32
        %add3A_278 = vector.broadcast %add3A_277 : i32 to vector<16xi32>
        %add3A_279 = arith.addi %iota3A, %add3A_278 : vector<16xi32>
        %add3A_280 = arith.addi %get3A_232, %xor3A_261 : vector<16xi32>
        %gather3A_281 = tpu.vector_load_idx %arg7[%add3A_279, %add3A_280] : memref<128x128xf32, #tpu.memory_space<vmem>>[vector<16xi32>, vector<16xi32>], vector<16xf32>,
        tpu.vector_store_idx %arg9[%xor3A_261, %add3A_279], %gather3A_281 : memref<64x128xf32, #tpu.memory_space<vmem>>[vector<16xi32>, vector<16xi32>], vector<16xf32>,
        %add3A_282 = arith.constant 64 : i32
        %add3A_283 = vector.broadcast %add3A_282 : i32 to vector<16xi32>
        %add3A_284 = arith.addi %iota3A, %add3A_283 : vector<16xi32>
        %add3A_285 = arith.addi %get3A_234, %xor3A_261 : vector<16xi32>
        %gather3A_286 = tpu.vector_load_idx %arg7[%add3A_284, %add3A_285] : memref<128x128xf32, #tpu.memory_space<vmem>>[vector<16xi32>, vector<16xi32>], vector<16xf32>,
        tpu.vector_store_idx %arg9[%xor3A_261, %add3A_284], %gather3A_286 : memref<64x128xf32, #tpu.memory_space<vmem>>[vector<16xi32>, vector<16xi32>], vector<16xf32>,
        %add3A_287 = arith.constant 80 : i32
        %add3A_288 = vector.broadcast %add3A_287 : i32 to vector<16xi32>
        %add3A_289 = arith.addi %iota3A, %add3A_288 : vector<16xi32>
        %add3A_290 = arith.addi %get3A_236, %xor3A_261 : vector<16xi32>
        %gather3A_291 = tpu.vector_load_idx %arg7[%add3A_289, %add3A_290] : memref<128x128xf32, #tpu.memory_space<vmem>>[vector<16xi32>, vector<16xi32>], vector<16xf32>,
        tpu.vector_store_idx %arg9[%xor3A_261, %add3A_289], %gather3A_291 : memref<64x128xf32, #tpu.memory_space<vmem>>[vector<16xi32>, vector<16xi32>], vector<16xf32>,
        %add3A_292 = arith.constant 96 : i32
        %add3A_293 = vector.broadcast %add3A_292 : i32 to vector<16xi32>
        %add3A_294 = arith.addi %iota3A, %add3A_293 : vector<16xi32>
        %add3A_295 = arith.addi %get3A_238, %xor3A_261 : vector<16xi32>
        %gather3A_296 = tpu.vector_load_idx %arg7[%add3A_294, %add3A_295] : memref<128x128xf32, #tpu.memory_space<vmem>>[vector<16xi32>, vector<16xi32>], vector<16xf32>,
        tpu.vector_store_idx %arg9[%xor3A_261, %add3A_294], %gather3A_296 : memref<64x128xf32, #tpu.memory_space<vmem>>[vector<16xi32>, vector<16xi32>], vector<16xf32>,
        %add3A_297 = arith.constant 112 : i32
        %add3A_298 = vector.broadcast %add3A_297 : i32 to vector<16xi32>
        %add3A_299 = arith.addi %iota3A, %add3A_298 : vector<16xi32>
        %add3A_300 = arith.addi %get3A_240, %xor3A_261 : vector<16xi32>
        %gather3A_301 = tpu.vector_load_idx %arg7[%add3A_299, %add3A_300] : memref<128x128xf32, #tpu.memory_space<vmem>>[vector<16xi32>, vector<16xi32>], vector<16xf32>,
        tpu.vector_store_idx %arg9[%xor3A_261, %add3A_299], %gather3A_301 : memref<64x128xf32, #tpu.memory_space<vmem>>[vector<16xi32>, vector<16xi32>], vector<16xf32>,
        %scan3A_302 = arith.constant 1 : i32
        %scan3A_303 = arith.addi %scan3A_260, %scan3A_302 : i32
        %xor3A_304 = vector.broadcast %scan3A_303 : i32 to vector<16xi32>
        %xor3A_305 = arith.xori %iota3A, %xor3A_304 : vector<16xi32>
        %add3A_306 = arith.constant 0 : i32
        %add3A_307 = vector.broadcast %add3A_306 : i32 to vector<16xi32>
        %add3A_308 = arith.addi %iota3A, %add3A_307 : vector<16xi32>
        %add3A_309 = arith.addi %get3A_226, %xor3A_305 : vector<16xi32>
        %gather3A_310 = tpu.vector_load_idx %arg7[%add3A_308, %add3A_309] : memref<128x128xf32, #tpu.memory_space<vmem>>[vector<16xi32>, vector<16xi32>], vector<16xf32>,
        tpu.vector_store_idx %arg9[%xor3A_305, %add3A_308], %gather3A_310 : memref<64x128xf32, #tpu.memory_space<vmem>>[vector<16xi32>, vector<16xi32>], vector<16xf32>,
        %add3A_311 = arith.constant 16 : i32
        %add3A_312 = vector.broadcast %add3A_311 : i32 to vector<16xi32>
        %add3A_313 = arith.addi %iota3A, %add3A_312 : vector<16xi32>
        %add3A_314 = arith.addi %get3A_228, %xor3A_305 : vector<16xi32>
        %gather3A_315 = tpu.vector_load_idx %arg7[%add3A_313, %add3A_314] : memref<128x128xf32, #tpu.memory_space<vmem>>[vector<16xi32>, vector<16xi32>], vector<16xf32>,
        tpu.vector_store_idx %arg9[%xor3A_305, %add3A_313], %gather3A_315 : memref<64x128xf32, #tpu.memory_space<vmem>>[vector<16xi32>, vector<16xi32>], vector<16xf32>,
        %add3A_316 = arith.constant 32 : i32
        %add3A_317 = vector.broadcast %add3A_316 : i32 to vector<16xi32>
        %add3A_318 = arith.addi %iota3A, %add3A_317 : vector<16xi32>
        %add3A_319 = arith.addi %get3A_230, %xor3A_305 : vector<16xi32>
        %gather3A_320 = tpu.vector_load_idx %arg7[%add3A_318, %add3A_319] : memref<128x128xf32, #tpu.memory_space<vmem>>[vector<16xi32>, vector<16xi32>], vector<16xf32>,
        tpu.vector_store_idx %arg9[%xor3A_305, %add3A_318], %gather3A_320 : memref<64x128xf32, #tpu.memory_space<vmem>>[vector<16xi32>, vector<16xi32>], vector<16xf32>,
        %add3A_321 = arith.constant 48 : i32
        %add3A_322 = vector.broadcast %add3A_321 : i32 to vector<16xi32>
        %add3A_323 = arith.addi %iota3A, %add3A_322 : vector<16xi32>
        %add3A_324 = arith.addi %get3A_232, %xor3A_305 : vector<16xi32>
        %gather3A_325 = tpu.vector_load_idx %arg7[%add3A_323, %add3A_324] : memref<128x128xf32, #tpu.memory_space<vmem>>[vector<16xi32>, vector<16xi32>], vector<16xf32>,
        tpu.vector_store_idx %arg9[%xor3A_305, %add3A_323], %gather3A_325 : memref<64x128xf32, #tpu.memory_space<vmem>>[vector<16xi32>, vector<16xi32>], vector<16xf32>,
        %add3A_326 = arith.constant 64 : i32
        %add3A_327 = vector.broadcast %add3A_326 : i32 to vector<16xi32>
        %add3A_328 = arith.addi %iota3A, %add3A_327 : vector<16xi32>
        %add3A_329 = arith.addi %get3A_234, %xor3A_305 : vector<16xi32>
        %gather3A_330 = tpu.vector_load_idx %arg7[%add3A_328, %add3A_329] : memref<128x128xf32, #tpu.memory_space<vmem>>[vector<16xi32>, vector<16xi32>], vector<16xf32>,
        tpu.vector_store_idx %arg9[%xor3A_305, %add3A_328], %gather3A_330 : memref<64x128xf32, #tpu.memory_space<vmem>>[vector<16xi32>, vector<16xi32>], vector<16xf32>,
        %add3A_331 = arith.constant 80 : i32
        %add3A_332 = vector.broadcast %add3A_331 : i32 to vector<16xi32>
        %add3A_333 = arith.addi %iota3A, %add3A_332 : vector<16xi32>
        %add3A_334 = arith.addi %get3A_236, %xor3A_305 : vector<16xi32>
        %gather3A_335 = tpu.vector_load_idx %arg7[%add3A_333, %add3A_334] : memref<128x128xf32, #tpu.memory_space<vmem>>[vector<16xi32>, vector<16xi32>], vector<16xf32>,
        tpu.vector_store_idx %arg9[%xor3A_305, %add3A_333], %gather3A_335 : memref<64x128xf32, #tpu.memory_space<vmem>>[vector<16xi32>, vector<16xi32>], vector<16xf32>,
        %add3A_336 = arith.constant 96 : i32
        %add3A_337 = vector.broadcast %add3A_336 : i32 to vector<16xi32>
        %add3A_338 = arith.addi %iota3A, %add3A_337 : vector<16xi32>
        %add3A_339 = arith.addi %get3A_238, %xor3A_305 : vector<16xi32>
        %gather3A_340 = tpu.vector_load_idx %arg7[%add3A_338, %add3A_339] : memref<128x128xf32, #tpu.memory_space<vmem>>[vector<16xi32>, vector<16xi32>], vector<16xf32>,
        tpu.vector_store_idx %arg9[%xor3A_305, %add3A_338], %gather3A_340 : memref<64x128xf32, #tpu.memory_space<vmem>>[vector<16xi32>, vector<16xi32>], vector<16xf32>,
        %add3A_341 = arith.constant 112 : i32
        %add3A_342 = vector.broadcast %add3A_341 : i32 to vector<16xi32>
        %add3A_343 = arith.addi %iota3A, %add3A_342 : vector<16xi32>
        %add3A_344 = arith.addi %get3A_240, %xor3A_305 : vector<16xi32>
        %gather3A_345 = tpu.vector_load_idx %arg7[%add3A_343, %add3A_344] : memref<128x128xf32, #tpu.memory_space<vmem>>[vector<16xi32>, vector<16xi32>], vector<16xf32>,
        tpu.vector_store_idx %arg9[%xor3A_305, %add3A_343], %gather3A_345 : memref<64x128xf32, #tpu.memory_space<vmem>>[vector<16xi32>, vector<16xi32>], vector<16xf32>,
      }
      %scan3A_251 = arith.constant 64 : i32
      %mul3A_252 = arith.constant 128 : i32
      %mul3A_253 = arith.muli %add3A, %mul3A_252 : i32
      %dma_start3A_254 = arith.constant 0 : i32
      %dma_start3A_255 = tpu.memref_slice %arg4[%add3A_211, %dma_start3A_254, %mul3A_253] : memref<200x64x4096xf32, #tpu.memory_space<hbm>> -> memref<1x64x128xf32, #tpu.memory_space<hbm>>
      %dma_start3A_256 = tpu.memref_squeeze %dma_start3A_255 : memref<1x64x128xf32, #tpu.memory_space<hbm>> -> memref<64x128xf32, #tpu.memory_space<hbm>>
      %dma_start3A_257 = arith.constant 0 : i32
      %dma_start3A_258 = tpu.memref_slice %arg4[%add3A_211, %dma_start3A_257, %mul3A_253] : memref<200x64x4096xf32, #tpu.memory_space<hbm>> -> memref<1x64x128xf32, #tpu.memory_space<hbm>>
      %dma_start3A_259 = tpu.memref_squeeze %dma_start3A_258 : memref<1x64x128xf32, #tpu.memory_space<hbm>> -> memref<64x128xf32, #tpu.memory_space<hbm>>
      tpu.enqueue_dma source(%arg9 : memref<64x128xf32, #tpu.memory_space<vmem>>) target(%dma_start3A_259 : memref<64x128xf32, #tpu.memory_space<hbm>>) target_semaphore(%arg16 : memref<!tpu.dma_semaphore, #tpu.memory_space<semaphore_mem>>)
    }
    %scan3A_144 = arith.constant 100 : i32
    %dma_wait3A = arith.constant 0 : i32
    %dma_wait3A_145 = arith.constant 0 : i32
    %dma_wait3A_146 = arith.constant 0 : i32
    %dma_wait3A_147 = tpu.memref_slice %arg4[%dma_wait3A, %dma_wait3A_145, %dma_wait3A_146] : memref<200x64x4096xf32, #tpu.memory_space<hbm>> -> memref<1x64x128xf32, #tpu.memory_space<hbm>>
    %dma_wait3A_148 = tpu.memref_squeeze %dma_wait3A_147 : memref<1x64x128xf32, #tpu.memory_space<hbm>> -> memref<64x128xf32, #tpu.memory_space<hbm>>
    %dma_wait3A_149 = arith.constant 0 : i32
    %dma_wait3A_150 = arith.constant 0 : i32
    %dma_wait3A_151 = tpu.memref_slice %arg4[%dma_wait3A, %dma_wait3A_149, %dma_wait3A_150] : memref<200x64x4096xf32, #tpu.memory_space<hbm>> -> memref<1x64x128xf32, #tpu.memory_space<hbm>>
    %dma_wait3A_152 = tpu.memref_squeeze %dma_wait3A_151 : memref<1x64x128xf32, #tpu.memory_space<hbm>> -> memref<64x128xf32, #tpu.memory_space<hbm>>
    tpu.wait_dma2 semaphore(%arg16 : memref<!tpu.dma_semaphore, #tpu.memory_space<semaphore_mem>>) src(%arg8 : memref<64x128xf32, #tpu.memory_space<vmem>>) dst(%dma_wait3A_152 : memref<64x128xf32, #tpu.memory_space<hbm>>)
    %dma_wait3A_153 = arith.constant 0 : i32
    %dma_wait3A_154 = arith.constant 0 : i32
    %dma_wait3A_155 = arith.constant 0 : i32
    %dma_wait3A_156 = tpu.memref_slice %arg4[%dma_wait3A_153, %dma_wait3A_154, %dma_wait3A_155] : memref<200x64x4096xf32, #tpu.memory_space<hbm>> -> memref<1x64x128xf32, #tpu.memory_space<hbm>>
    %dma_wait3A_157 = tpu.memref_squeeze %dma_wait3A_156 : memref<1x64x128xf32, #tpu.memory_space<hbm>> -> memref<64x128xf32, #tpu.memory_space<hbm>>
    %dma_wait3A_158 = arith.constant 0 : i32
    %dma_wait3A_159 = arith.constant 0 : i32
    %dma_wait3A_160 = tpu.memref_slice %arg4[%dma_wait3A_153, %dma_wait3A_158, %dma_wait3A_159] : memref<200x64x4096xf32, #tpu.memory_space<hbm>> -> memref<1x64x128xf32, #tpu.memory_space<hbm>>
    %dma_wait3A_161 = tpu.memref_squeeze %dma_wait3A_160 : memref<1x64x128xf32, #tpu.memory_space<hbm>> -> memref<64x128xf32, #tpu.memory_space<hbm>>
    tpu.wait_dma2 semaphore(%arg16 : memref<!tpu.dma_semaphore, #tpu.memory_space<semaphore_mem>>) src(%arg8 : memref<64x128xf32, #tpu.memory_space<vmem>>) dst(%dma_wait3A_161 : memref<64x128xf32, #tpu.memory_space<hbm>>)
    return
  }
}

</mosaic_0001>

<sc_bundles>
// kernel: kernel.4.cloned.1.call-start
scs
__scs_entry_jumppad:
0x0: {  	(pc) =	sbr.rel $0x88, $3  }
0x1: {  	(tag) =	ssettag $0x0;
	lr =	simm.s32 $0x1  }
0x2: {  	[smem:$0x3F9F] =	sst lr;
	_ =	strace $0xD0000000  }
0x3: {  	_ = 	snop  }
0x4: {  	_ = 	snop  }
0x5: {  	_ = 	snop  }
0x6: {  	_ = 	snop  }
0x7: {  	_ = 	snop  }
__scs_overlays_trampoline_lowered:
0x8: {  	[smem:$0x3FAE] =	sst s0  }
0x9: {  	[smem:$0x3FAF] =	sst s1  }
0xa: {  	[smem:$0x3FB0] =	sst s2  }
0xb: {  	[smem:$0x3FB1] =	sst s3  }
0xc: {  	[smem:$0x3FB2] =	sst s4  }
0xd: {  	[smem:$0x3FB3] =	sst s5  }
0xe: {  	[smem:$0x3FB4] =	sst s6  }
0xf: {  	[smem:$0x3FB5] =	sst s7  }
0x10: {  	[smem:$0x3FB6] =	sst s8  }
0x11: {  	[smem:$0x3FB7] =	sst s9;
	s0 =	simm.s32 @!p0 $0x0  }
0x12: {  	s1 =	sld [smem:$0x3F9D];
	s0 =	simm.s32 @p0 $0x1  }
0x13: {  	[smem:$0x3FB8] =	sst s0;
	s0 =	simm.s32 @!p1 $0x0  }
0x14: {  	s2 =	sld [smem:$0x3F9C];
	s0 =	simm.s32 @p1 $0x1  }
0x15: {  	[smem:$0x3FB9] =	sst s0;
	s0 =	simm.s32 @!p2 $0x0  }
0x16: {  	s3 =	sld [smem:$0x3FDB];
	s0 =	simm.s32 @p2 $0x1  }
0x17: {  	s4 =	simm.s32 $0x1BF5;
	[smem:$0x3FBB] =	sst s0  }
0x18: {  	s0 =	sld [smem:$0x3F9E];
	_ =	swait.ge [sflag:s4], $0x0  }
0x19: {  	s7 =	sld [smem:$0x3F9F]  }
0x1a: {  	s8 =	sadd.s32 $0xFFFFE003, lr  }
0x1b: {  	s9 =	sadd.s32 $0xFFFFFEF7, lr;
	s5 =	simm.s32 $0xFFFFFFFF;
	p2 =	slt.u32 s8, $0xFFFFF086  }
0x1c: {  	p1 =	slt.u32 s9, $0xF7A;
	s5 =	simm.s32 @!p2 $0x0  }
0x1d: {  	s5 =	simm.s32 @p1 $0x1;
	p0 =	seq.s32 s7, s2  }
0x1e: {  	s7 =	smul.u32 @!p0 $0xF7A, s2;
	p2 =	seq.s32 @!p0 s5, $0x0  }
0x1f: {  	s9 =	smul.u32 $0xF7A, s1;
	s8 =	simm.s32 @!p0 $0x1BF5;
	p2 =	por !p2, p0  }
0x20: {  	[sflag:s8] =	ssyncset.s32 @!p0 $0xFFFFF086;
	s6 =	sadd.s32 @!p0 s3, s7;
	s7 =	simm.s32 @!p0 $0x108  }
0x21: {  	s3 =	sadd.s32 s3, s9;
	s6 =	sadd.s32 @!p0 $0x88, s6;
	s7 =	simm.s32 @p2 $0x1082  }
0x22: {  	[simem:s7], [sflag:s8] =	dma.local @!p0 [hbm:s6], $0xF7A  }
0x23: {  	s9 =	sor.u32 $0xD0000000, s2;
	s6 =	simm.s32 $0x108;
	_ =	swait.ge @!p0 [sflag:s8], $0x0  }
0x24: {  	s3 =	sadd.s32 $0x88, s3;
	s6 =	simm.s32 @!p1 $0x1082;
	[sflag:s4] =	ssyncset.s32 $0xFFFFF086  }
0x25: {  	[simem:s6], [sflag:s4] =	dma.local [hbm:s3], $0xF7A  }
0x26: {  	[smem:$0x3F9F] =	sst s1;
	(tag) =	ssettag s2;
	_ =	strace s9  }
0x27: {  	s1 =	sld [smem:$0x3FAF]  }
0x28: {  	s2 =	sld [smem:$0x3FB0]  }
0x29: {  	s4 =	sld [smem:$0x3FB2]  }
0x2a: {  	p0 =	seq.s32 s5, $0x0;
	s5 =	sld [smem:$0x3FB3]  }
0x2b: {  	s6 =	sld [smem:$0x3FB4]  }
0x2c: {  	s7 =	sld [smem:$0x3FB5]  }
0x2d: {  	s3 =	simm.s32 $0x108;
	s8 =	sld [smem:$0x3FB6]  }
0x2e: {  	s3 =	simm.s32 @!p0 $0x1082;
	s9 =	sld [smem:$0x3FB7]  }
0x2f: {  	lr =	sadd.s32 s0, s3;
	s0 =	sld [smem:$0x3FAE]  }
0x30: {  	s3 =	sld [smem:$0x3FB1]  }
0x31: {  	[smem:$0x3FBA] =	sst s10  }
0x32: {  	s10 =	sld [smem:$0x3FB8];
	_ =	sdelay $0x3  }
0x33: {  	p0 =	seq.s32 s10, $0x1;
	s10 =	sld [smem:$0x3FBA];
	_ =	sdelay $0x3  }
0x34: {  	[smem:$0x3FBA] =	sst s10  }
0x35: {  	s10 =	sld [smem:$0x3FB9];
	_ =	sdelay $0x3  }
0x36: {  	p1 =	seq.s32 s10, $0x1;
	s10 =	sld [smem:$0x3FBA];
	_ =	sdelay $0x3  }
0x37: {  	[smem:$0x3FBA] =	sst s10  }
0x38: {  	s10 =	sld [smem:$0x3FBB]  }
0x39: {  	_ = 	snop;
	(pc) =	sbr.ind lr, $3  }
0x3a: {  	_ = 	snop  }
0x3b: {  	_ = 	snop  }
0x3c: {  	p2 =	seq.s32 s10, $0x1;
	s10 =	sld [smem:$0x3FBA]  }
0x3d: {  	_ =	shalt  }
0x3e: {  	_ =	shalt  }
0x3f: {  	_ =	shalt  }
0x40: {  	_ =	shalt  }
0x41: {  	_ =	shalt  }
0x42: {  	_ =	shalt  }
0x43: {  	_ =	shalt  }
0x44: {  	_ =	shalt  }
0x45: {  	_ =	shalt  }
0x46: {  	_ =	shalt  }
0x47: {  	_ =	shalt  }
0x48: {  	_ =	shalt  }
0x49: {  	_ =	shalt  }
0x4a: {  	_ =	shalt  }
0x4b: {  	_ =	shalt  }
0x4c: {  	_ =	shalt  }
0x4d: {  	_ =	shalt  }
0x4e: {  	_ =	shalt  }
0x4f: {  	_ =	shalt  }
0x50: {  	_ =	shalt  }
0x51: {  	_ =	shalt  }
0x52: {  	_ =	shalt  }
0x53: {  	_ =	shalt  }
0x54: {  	_ =	shalt  }
0x55: {  	_ =	shalt  }
0x56: {  	_ =	shalt  }
0x57: {  	_ =	shalt  }
0x58: {  	_ =	shalt  }
0x59: {  	_ =	shalt  }
0x5a: {  	_ =	shalt  }
0x5b: {  	_ =	shalt  }
0x5c: {  	_ =	shalt  }
0x5d: {  	_ =	shalt  }
0x5e: {  	_ =	shalt  }
0x5f: {  	_ =	shalt  }
0x60: {  	_ =	shalt  }
0x61: {  	_ =	shalt  }
0x62: {  	_ =	shalt  }
0x63: {  	_ =	shalt  }
0x64: {  	_ =	shalt  }
0x65: {  	_ =	shalt  }
0x66: {  	_ =	shalt  }
0x67: {  	_ =	shalt  }
0x68: {  	_ =	shalt  }
0x69: {  	_ =	shalt  }
0x6a: {  	_ =	shalt  }
0x6b: {  	_ =	shalt  }
0x6c: {  	_ =	shalt  }
0x6d: {  	_ =	shalt  }
0x6e: {  	_ =	shalt  }
0x6f: {  	_ =	shalt  }
0x70: {  	_ =	shalt  }
0x71: {  	_ =	shalt  }
0x72: {  	_ =	shalt  }
0x73: {  	_ =	shalt  }
0x74: {  	_ =	shalt  }
0x75: {  	_ =	shalt  }
0x76: {  	_ =	shalt  }
0x77: {  	_ =	shalt  }
0x78: {  	_ =	shalt  }
0x79: {  	_ =	shalt  }
0x7a: {  	_ =	shalt  }
0x7b: {  	_ =	shalt  }
0x7c: {  	_ =	shalt  }
0x7d: {  	_ =	shalt  }
0x7e: {  	_ =	shalt  }
0x7f: {  	_ =	shalt  }
0x80: {  	_ =	shalt  }
0x81: {  	_ =	shalt  }
0x82: {  	_ =	shalt  }
0x83: {  	_ =	shalt  }
0x84: {  	_ =	shalt  }
0x85: {  	_ =	shalt  }
0x86: {  	_ =	shalt  }
0x87: {  	_ =	shalt  }
.Lfunc_end0:
.L_simem_size_0:
called_computation_lowered:
.L_overlay_start_0:
0x88: {  	s2 =	sld [smem:$0x3FD9]  }
0x89: {  	s3 =	sld [smem:$0x3FFE];
	_ =	sdelay $0x1  }
0x8a: {  	s1 =	srdreg.scid  }
0x8b: {  	s0 =	sand.u32 $0x1, s1  }
0x8c: {  	s17 =	sshll.u32 s0, $0xA;
	s2 =	sadd.s32 s3, s2  }
0x8d: {  	s2 =	sadd.s32 s2, s17  }
0x8e: {  	[smem:$0x3FC6] =	sst s2  }
0x8f: {  	_ = 	snop  }
0x90: {  	s2 =	sld [smem:$0x3FC8]  }
0x91: {  	s18 =	sld [smem:$0x3FD0];
	(tm) =	ssettm $0x1  }
0x92: {  	s4 =	sld [smem:$0x3FFB];
	_ =	sdelay $0x3  }
0x93: {  	_ =	strace s4  }
0x94: {  	s4 =	sld [smem:$0x3FFC];
	_ =	sdelay $0x3  }
0x95: {  	_ =	strace s4  }
0x96: {  	s4 =	sld [smem:$0x3FFD];
	_ =	sdelay $0x3  }
0x97: {  	_ =	strace s4  }
0x98: {  	_ =	strace $0x8FFFFFFF  }
0x99: {  	s19 =	sld [smem:$0x3FDB];
	_ =	sdelay $0x1  }
0x9a: {  	s5 =	simm.s32 $_scs_section_size  }
0x9b: {  	s6 =	simm.s32 $_size__tile_overlayer_lowered;
	s7 =	simm.s32 $_tile_overlayer_lowered  }
0x9c: {  	s22 =	simm.s32 $0x1BFF;
	s21 =	sshll.u32 s7, $0x1;
	s4 =	sadd.s32 s5, s19  }
0x9d: {  	s8 =	simm.s32 $0x0;
	s20 =	sshll.u32 s6, $0x1;
	s6 =	sadd.s32 s21, s4  }
0x9e: {  	[timem:s8], [sflag:s22] =	dma.local [hbm:s6], s20  }
0x9f: {  	_ =	swait.ge [sflag:s22], s20  }
0xa0: {  	s5 =	ssub.s32 $0x0, s20;
	[sflag:s22] =	ssyncset.done $0x0  }
0xa1: {  	[sflag:s22] =	ssyncadd.s32 s5;
	_ =	sdelay $0x1  }
0xa2: {  	s23 =	simm.s32 $0x1B8B  }
0xa3: {  	_ =	swait.ge [sflag:s23], $0x1  }
0xa4: {  	[sflag:s23] =	ssyncset.done $0x0  }
0xa5: {  	s25 =	simm.s32 $0x1B8E;
	s24 =	sld [smem:$0x3FFE];
	[sflag:s23] =	ssyncadd.s32 $0xFFFFFFFF  }
0xa6: {  	s26 =	simm.s32 $execute0_lowered;
	[smem:$0x3FD2] =	sst s25  }
0xa7: {  	s6 =	sshll.u32 s26, $0x1;
	_ =	strace $0x80000046;
	[dreg:$0x1] =	wrdreg $0xFFFFFFFF  }
0xa8: {  	s28 =	simm.s32 $_size_execute0_lowered;
	s4 =	sadd.s32 s4, s6;
	[dreg:$0x0] =	wrdreg $0x0  }
0xa9: {  	s6 =	sshll.u32 s28, $0x1;
	[dreg:$0x2] =	wrdreg s4  }
0xaa: {  	[dreg:$0x3] =	wrdreg s6  }
0xab: {  	[dreg:$0x4] =	wrdreg $0xC0  }
0xac: {  	_ =	task [dreg:s8], $0x5FFFF  }
0xad: {  	[dreg:$0x1] =	wrdreg $0xFFFFFFFF  }
0xae: {  	[dreg:$0x0] =	wrdreg $0x60  }
0xaf: {  	[dreg:$0x2] =	wrdreg s2  }
0xb0: {  	[dreg:$0x3] =	wrdreg s18  }
0xb1: {  	[dreg:$0x4] =	wrdreg s24  }
0xb2: {  	[dreg:$0x5] =	wrdreg $0x9  }
0xb3: {  	_ =	task.clear_ibuf [dreg:s8], $0x6FFFF;
	_ =	strace $0x90000046  }
0xb4: {  	s29 =	simm.s32 $0x9;
	_ =	strace $0x80000048  }
0xb5: {  	_ =	swait.ge [sflag:s29], $0x1  }
0xb6: {  	[sflag:s29] =	ssyncadd.s32 $0xFFFFFFFF  }
0xb7: {  	_ =	strace $0x90000048  }
0xb8: {  	_ =	sfence  }
0xb9: {  	s30 =	sld [smem:$0x0];
	_ =	sdelay $0x2  }
0xba: {  	s31 =	sshll.u32 s1, $0xD;
	s1 =	sshrl.u32 s1, $0x2  }
0xbb: {  	s3 =	sand.u32 $0x4000, s31;
	s1 =	sadd.s32 s1, s30  }
0xbc: {  	s0 =	sor.u32 s3, s0;
	s1 =	sshll.u32 s1, $0x11  }
0xbd: {  	s0 =	sor.u32 s1, s0  }
0xbe: {  	s0 =	sadd.s32 $0x8F2B, s0  }
0xbf: {  	[sflag:s0] =	ssyncadd.remote.s32 $0x1  }
0xc0: {  	_ =	sfence.sel $0xFFFF  }
0xc1: {  	[dreg:$0x0] =	wrdreg $0xFFFFFFFF;
	(pc) =	sbr.abs _section_cstart, $3  }
0xc2: {  	[dreg:$0x1] =	wrdreg $0xFFFFFFFF  }
0xc3: {  	_ =	task.clear_ibuf [dreg:s8], $0x2FFFF;
	_ =	strace $0x9FFFFFFF  }
0xc4: {  	(tm) =	ssettm $0x7FFFFFFF  }
0xc5: {  	_ =	shalt  }
tec
execute0_lowered:
.L_overlay_start_1:
0x0: {  	(tag) =	ssettag $0x1  }
0x1: {  	s1 =	rddreg [dreg:$0x0]  }
0x2: {  	s2 =	rddreg [dreg:$0x1]  }
0x3: {  	s0 =	rddreg [dreg:$0x2];
	s4 =	simm.s32 $0x0  }
0x4: {  	s5 =	srdreg.scid;
	s3 =	stileid.u32;
	s14 =	simm.s32 $0x400  }
0x5: {  	s15 =	simm.s32 $0x7A1400;
	s16 =	simm.s32 $0x8000;
	s17 =	simm.s32 $0x2000  }
0x6: {  	s18 =	simm.s32 $0x8080;
	s19 =	simm.s32 $0x1;
	s20 =	simm.s32 $0x4000  }
0x7: {  	s21 =	simm.s32 $0x2;
	s22 =	simm.s32 $0x6000;
	s23 =	simm.s32 $0x3  }
0x8: {  	s24 =	simm.s32 $0x4;
	s25 =	simm.s32 $0x0;
	[smem:$0x7FF] =	sst s4  }
0x9: {  	s6 =	sand.u32 $0x1, s5;
	s29 =	sshll.u32 s3, $0x1;
	p0 =	slt.u32 s3, $0x2  }
0xa: {  	s12 =	sadd.s32 $0x7A1E00, s0;
	_ =	strace $0x80000047;
	s5 =	sor.u32 s6, s29  }
0xb: {  	v0 =	vlaneseq.u32;
	s7 =	ssub.s32 $0x2, s6;
	s6 =	sadd.s32 $0xC00, s0;
	s8 =	sshll.u32 s5, $0xA  }
.Ltmp0:
0xc: {  	v1 =	vmul.u32 $0x40, v0;
	v2 =	vor.u32 $0x10, v0;
	v4 =	vor.u32 $0x20, v0;
	s9 =	sshrl.u32 s7, $0x1;
	s30 =	sshll.u32 s5, $0x7;
	(pc) =	sbr.rel .LBB2_1-.Ltmp0, $4  }
0xd: {  	v6 =	vor.u32 $0x30, v0;
	v8 =	vor.u32 $0x40, v0;
	v10 =	vor.u32 $0x50, v0;
	s31 =	sshll.u32 s5, $0x4;
	p1 =	sne.s32 s5, $0x0;
	s11 =	sadd.s32 s8, s0  }
0xe: {  	v12 =	vor.u32 $0x60, v0;
	v14 =	vor.u32 $0x70, v0;
	v3 =	vor.u32 $0x400, v1;
	s13 =	ssub.s32 s7, s9;
	s7 =	simm.s32 $0xF5;
	s8 =	sadd.s32 s1, s30  }
0xf: {  	v5 =	vor.u32 $0x800, v1;
	v7 =	vor.u32 $0xC00, v1;
	v9 =	vor.u32 $0x1000, v1;
	s9 =	sadd.s32 s2, s31;
	s7 =	simm.s32 @!p0 $0xF4;
	s10 =	sadd.s32 $0xE00, s11  }
0x10: {  	v11 =	vor.u32 $0x1400, v1;
	v13 =	vor.u32 $0x1800, v1;
	v15 =	vor.u32 $0x1C00, v1;
	s11 =	sadd.s32 $0x7A0E00, s11;
	s13 =	smax.u32 s13, $0x1;
	p0 =	sgt.u32 s3, $0x1  }
.LBB2_11:
0x11: {  	s0 =	simm.s32 @!p1 $0x0;
	s3 =	simm.s32 @!p1 $0x4000;
	s26 =	simm.s32 @!p1 $0x4  }
0x12: {  	[tilespmem:s3], [sflag:$0x4] =	stream.linear.gather @!p1 [hbm4b:s6+s0], $0x1000, $0x38;
	[tilespmem:$0x8100] =	vst v63  }
0x13: {  	s25 =	sadd.s32 $0x1, s25;
	_ =	swait.ge @!p1 [sflag:s26], $0x1000  }
0x14: {  	p2 =	sne.s32 s25, s13;
	[sflag:s26] =	ssyncset.done @!p1 $0x0  }
.Ltmp1:
0x15: {  	[sflag:s26] =	ssyncadd.s32 @!p1 $0xFFFFF000;
	(pc) =	sbr.rel @!p2 .LBB2_12-.Ltmp1, $4  }
0x16: {  	[hbm4b:s12+s0] =	stream.linear.scatter @!p1 [tilespmem:s3], [sflag:$0x4], $0x1000, $0x38;
	[tilespmem:$0x8100] =	vst v63  }
0x17: {  	_ =	swait.ge @!p1 [sflag:s26], $0x1000  }
0x18: {  	[sflag:s26] =	ssyncset.done @!p1 $0x0  }
0x19: {  	[sflag:s26] =	ssyncadd.s32 @!p1 $0xFFFFF000  }
.LBB2_1:
0x1a: {  	[tilespmem:s4], [sflag:$0x1] =	stream.strided.gather [hbm4b:s8+s14], $0x2000, s15, s14, $0x38;
	[tilespmem:$0x8100] =	vst v63  }
0x1b: {  	s26 =	simm.s32 $0x0  }
0x1c: {  	[tilespmem:s16], [sflag:$0x1] =	stream.linear.gather [hbm4b:s9+s4], $0x80, $0x38;
	[tilespmem:$0x8100] =	vst v63  }
.LBB2_2:
0x1d: {  	s28 =	sshllo.u32 s26, $0x1  }
0x1e: {  	s0 =	sshll.u32 s28, $0x5  }
0x1f: {  	s0 =	sor.u32 s5, s0  }
0x20: {  	s29 =	sshll.u32 s0, $0x7  }
0x21: {  	s0 =	sshll.u32 s0, $0x4;
	s29 =	sand.u32 $0x1FFFFF80, s29  }
0x22: {  	s0 =	sand.u32 $0x1FFFFFF0, s0;
	s29 =	sadd.s32 s1, s29  }
0x23: {  	[tilespmem:s17], [sflag:$0x2] =	stream.strided.gather [hbm4b:s29+s14], $0x2000, s15, s14, $0x38;
	[tilespmem:$0x8100] =	vst v63  }
0x24: {  	s0 =	sadd.s32 s2, s0  }
0x25: {  	[tilespmem:s18], [sflag:$0x2] =	stream.linear.gather [hbm4b:s0+s4], $0x80, $0x38;
	[tilespmem:$0x8100] =	vst v63  }
0x26: {  	_ =	swait.ge [sflag:s19], $0x2000  }
0x27: {  	[sflag:s19] =	ssyncset.done $0x0  }
0x28: {  	s3 =	simm.s32 $0x0;
	[sflag:s19] =	ssyncadd.s32 $0xFFFFE000  }
0x29: {  	v24 =	vxor.u32 s3, v0;
	_ =	swait.ge [sflag:s19], $0x80  }
0x2a: {  	p2 =	seq.s32 s26, $0x0;
	v25 =	vshll.u32 v24, $0x7;
	[sflag:s19] =	ssyncset.done $0x0  }
0x2b: {  	v16 =	vor.u32 v0, v25;
	s0 =	simm.s32 @!p2 $0x3;
	[sflag:s19] =	ssyncadd.s32 $0xFFFFFF80  }
0x2c: {  	_ =	swait.ge @!p2 [sflag:s0], $0x2000  }
0x2d: {  	[sflag:s0] =	ssyncset.done @!p2 $0x0  }
0x2e: {  	[sflag:s0] =	ssyncadd.s32 @!p2 $0xFFFFE000  }
0x2f: {  	v23 =	vld [tilespmem:$0x8000]  }
0x30: {  	v16 =	vld.idx.msk [tilespmem:v16+s4+$0x0], $0xffff  }
0x31: {  	v22 =	vld [tilespmem:$0x8010]  }
0x32: {  	v26 =	vor.u32 v1, v24;
	v21 =	vld [tilespmem:$0x8020]  }
0x33: {  	v27 =	vor.u32 v2, v25;
	v20 =	vld [tilespmem:$0x8030]  }
0x34: {  	v19 =	vld [tilespmem:$0x8040]  }
0x35: {  	v18 =	vld [tilespmem:$0x8050];
	v28 =	vmul.f32 v16, v23  }
0x36: {  	v17 =	vld [tilespmem:$0x8060]  }
0x37: {  	v16 =	vld [tilespmem:$0x8070];
	[tilespmem:v26+s20+$0x0] =	vst.idx.msk $0xffff, v28  }
0x38: {  	v26 =	vld.idx.msk [tilespmem:v27+s4+$0x0], $0xffff;
	_ =	sdelay $0x1  }
0x39: {  	v27 =	vor.u32 v3, v24  }
0x3a: {  	v28 =	vor.u32 v4, v25;
	_ =	sdelay $0x1  }
0x3b: {  	v26 =	vmul.f32 v26, v22;
	_ =	sdelay $0x1  }
0x3c: {  	[tilespmem:v27+s20+$0x0] =	vst.idx.msk $0xffff, v26  }
0x3d: {  	v26 =	vld.idx.msk [tilespmem:v28+s4+$0x0], $0xffff;
	_ =	sdelay $0x1  }
0x3e: {  	v27 =	vor.u32 v5, v24  }
0x3f: {  	v28 =	vor.u32 v6, v25;
	_ =	sdelay $0x1  }
0x40: {  	v26 =	vmul.f32 v26, v21;
	_ =	sdelay $0x1  }
0x41: {  	[tilespmem:v27+s20+$0x0] =	vst.idx.msk $0xffff, v26  }
0x42: {  	v26 =	vld.idx.msk [tilespmem:v28+s4+$0x0], $0xffff;
	_ =	sdelay $0x1  }
0x43: {  	v27 =	vor.u32 v7, v24  }
0x44: {  	v28 =	vor.u32 v8, v25;
	_ =	sdelay $0x1  }
0x45: {  	v26 =	vmul.f32 v26, v20;
	_ =	sdelay $0x1  }
0x46: {  	[tilespmem:v27+s20+$0x0] =	vst.idx.msk $0xffff, v26  }
0x47: {  	v26 =	vld.idx.msk [tilespmem:v28+s4+$0x0], $0xffff;
	_ =	sdelay $0x1  }
0x48: {  	v27 =	vor.u32 v9, v24  }
0x49: {  	v28 =	vor.u32 v10, v25;
	_ =	sdelay $0x1  }
0x4a: {  	v26 =	vmul.f32 v26, v19;
	_ =	sdelay $0x1  }
0x4b: {  	[tilespmem:v27+s20+$0x0] =	vst.idx.msk $0xffff, v26  }
0x4c: {  	v26 =	vld.idx.msk [tilespmem:v28+s4+$0x0], $0xffff;
	_ =	sdelay $0x1  }
0x4d: {  	v27 =	vor.u32 v11, v24  }
0x4e: {  	v28 =	vor.u32 v12, v25;
	_ =	sdelay $0x1  }
0x4f: {  	v26 =	vmul.f32 v26, v18;
	_ =	sdelay $0x1  }
0x50: {  	[tilespmem:v27+s20+$0x0] =	vst.idx.msk $0xffff, v26  }
0x51: {  	v26 =	vld.idx.msk [tilespmem:v28+s4+$0x0], $0xffff;
	_ =	sdelay $0x1  }
0x52: {  	v27 =	vor.u32 v13, v24  }
0x53: {  	v25 =	vor.u32 v14, v25;
	_ =	sdelay $0x1  }
0x54: {  	v26 =	vmul.f32 v26, v17;
	_ =	sdelay $0x1  }
0x55: {  	[tilespmem:v27+s20+$0x0] =	vst.idx.msk $0xffff, v26  }
0x56: {  	s3 =	simm.s32 $0x1;
	v25 =	vld.idx.msk [tilespmem:v25+s4+$0x0], $0xffff  }
0x57: {  	v26 =	vxor.u32 s3, v0  }
0x58: {  	v24 =	vor.u32 v15, v24;
	v27 =	vshll.u32 v26, $0x7  }
0x59: {  	v28 =	vor.u32 v0, v27;
	_ =	sdelay $0x1  }
0x5a: {  	v25 =	vmul.f32 v25, v16;
	_ =	sdelay $0x1  }
0x5b: {  	[tilespmem:v24+s20+$0x0] =	vst.idx.msk $0xffff, v25  }
0x5c: {  	v24 =	vld.idx.msk [tilespmem:v28+s4+$0x0], $0xffff;
	_ =	sdelay $0x1  }
0x5d: {  	v25 =	vor.u32 v1, v26  }
0x5e: {  	v28 =	vor.u32 v2, v27;
	_ =	sdelay $0x1  }
0x5f: {  	v24 =	vmul.f32 v24, v23;
	_ =	sdelay $0x1  }
0x60: {  	[tilespmem:v25+s20+$0x0] =	vst.idx.msk $0xffff, v24  }
0x61: {  	v24 =	vld.idx.msk [tilespmem:v28+s4+$0x0], $0xffff;
	_ =	sdelay $0x1  }
0x62: {  	v25 =	vor.u32 v3, v26  }
0x63: {  	v28 =	vor.u32 v4, v27;
	_ =	sdelay $0x1  }
0x64: {  	v24 =	vmul.f32 v24, v22;
	_ =	sdelay $0x1  }
0x65: {  	[tilespmem:v25+s20+$0x0] =	vst.idx.msk $0xffff, v24  }
0x66: {  	v24 =	vld.idx.msk [tilespmem:v28+s4+$0x0], $0xffff;
	_ =	sdelay $0x1  }
0x67: {  	v25 =	vor.u32 v5, v26  }
0x68: {  	v28 =	vor.u32 v6, v27;
	_ =	sdelay $0x1  }
0x69: {  	v24 =	vmul.f32 v24, v21;
	_ =	sdelay $0x1  }
0x6a: {  	[tilespmem:v25+s20+$0x0] =	vst.idx.msk $0xffff, v24  }
0x6b: {  	v24 =	vld.idx.msk [tilespmem:v28+s4+$0x0], $0xffff;
	_ =	sdelay $0x1  }
0x6c: {  	v25 =	vor.u32 v7, v26  }
0x6d: {  	v28 =	vor.u32 v8, v27;
	_ =	sdelay $0x1  }
0x6e: {  	v24 =	vmul.f32 v24, v20;
	_ =	sdelay $0x1  }
0x6f: {  	[tilespmem:v25+s20+$0x0] =	vst.idx.msk $0xffff, v24  }
0x70: {  	v24 =	vld.idx.msk [tilespmem:v28+s4+$0x0], $0xffff;
	_ =	sdelay $0x1  }
0x71: {  	v25 =	vor.u32 v9, v26  }
0x72: {  	v28 =	vor.u32 v10, v27;
	_ =	sdelay $0x1  }
0x73: {  	v24 =	vmul.f32 v24, v19;
	_ =	sdelay $0x1  }
0x74: {  	[tilespmem:v25+s20+$0x0] =	vst.idx.msk $0xffff, v24  }
0x75: {  	v24 =	vld.idx.msk [tilespmem:v28+s4+$0x0], $0xffff;
	_ =	sdelay $0x1  }
0x76: {  	v25 =	vor.u32 v11, v26  }
0x77: {  	v28 =	vor.u32 v12, v27;
	_ =	sdelay $0x1  }
0x78: {  	v24 =	vmul.f32 v24, v18;
	_ =	sdelay $0x1  }
0x79: {  	[tilespmem:v25+s20+$0x0] =	vst.idx.msk $0xffff, v24  }
0x7a: {  	v24 =	vld.idx.msk [tilespmem:v28+s4+$0x0], $0xffff;
	_ =	sdelay $0x1  }
0x7b: {  	v25 =	vor.u32 v13, v26  }
0x7c: {  	v27 =	vor.u32 v14, v27;
	_ =	sdelay $0x1  }
0x7d: {  	v24 =	vmul.f32 v24, v17;
	_ =	sdelay $0x1  }
0x7e: {  	[tilespmem:v25+s20+$0x0] =	vst.idx.msk $0xffff, v24  }
0x7f: {  	s30 =	simm.s32 $0x2;
	v28 =	vld.idx.msk [tilespmem:v27+s4+$0x0], $0xffff  }
0x80: {  	v24 =	vxor.u32 s30, v0  }
0x81: {  	v25 =	vshll.u32 v24, $0x7;
	v27 =	vor.u32 v15, v26  }
0x82: {  	v26 =	vor.u32 v0, v25;
	_ =	sdelay $0x1  }
0x83: {  	s31 =	simm.s32 $0x4;
	s29 =	sshll.u32 s26, $0x1;
	v28 =	vmul.f32 v28, v16  }
.LBB2_3:
0x84: {  	_ = 	snop  }
0x85: {  	p3 =	slt.u32 s31, $0x3E;
	s0 =	smov.u32 s31;
	s31 =	sadd.s32 $0x2, s31;
	[tilespmem:v27+s20+$0x0] =	vst.idx.msk $0xffff, v28  }
0x86: {  	v26 =	vld.idx.msk [tilespmem:v26+s4+$0x0], $0xffff;
	_ =	sdelay $0x2  }
0x87: {  	v27 =	vor.u32 v1, v24  }
0x88: {  	v28 =	vor.u32 v2, v25;
	_ =	sdelay $0x1  }
0x89: {  	v26 =	vmul.f32 v26, v23;
	_ =	sdelay $0x1  }
0x8a: {  	[tilespmem:v27+s20+$0x0] =	vst.idx.msk $0xffff, v26  }
0x8b: {  	v26 =	vld.idx.msk [tilespmem:v28+s4+$0x0], $0xffff;
	_ =	sdelay $0x2  }
0x8c: {  	v27 =	vor.u32 v3, v24  }
0x8d: {  	v28 =	vor.u32 v4, v25;
	_ =	sdelay $0x1  }
0x8e: {  	v26 =	vmul.f32 v26, v22;
	_ =	sdelay $0x1  }
0x8f: {  	[tilespmem:v27+s20+$0x0] =	vst.idx.msk $0xffff, v26  }
0x90: {  	v26 =	vld.idx.msk [tilespmem:v28+s4+$0x0], $0xffff;
	_ =	sdelay $0x2  }
0x91: {  	v27 =	vor.u32 v5, v24  }
0x92: {  	v28 =	vor.u32 v6, v25;
	_ =	sdelay $0x1  }
0x93: {  	v26 =	vmul.f32 v26, v21;
	_ =	sdelay $0x1  }
0x94: {  	[tilespmem:v27+s20+$0x0] =	vst.idx.msk $0xffff, v26  }
0x95: {  	v26 =	vld.idx.msk [tilespmem:v28+s4+$0x0], $0xffff;
	_ =	sdelay $0x2  }
0x96: {  	v27 =	vor.u32 v7, v24  }
0x97: {  	v28 =	vor.u32 v8, v25;
	_ =	sdelay $0x1  }
0x98: {  	v26 =	vmul.f32 v26, v20;
	_ =	sdelay $0x1  }
0x99: {  	[tilespmem:v27+s20+$0x0] =	vst.idx.msk $0xffff, v26  }
0x9a: {  	v26 =	vld.idx.msk [tilespmem:v28+s4+$0x0], $0xffff;
	_ =	sdelay $0x2  }
0x9b: {  	v27 =	vor.u32 v9, v24  }
0x9c: {  	v28 =	vor.u32 v10, v25;
	_ =	sdelay $0x1  }
0x9d: {  	v26 =	vmul.f32 v26, v19;
	_ =	sdelay $0x1  }
0x9e: {  	[tilespmem:v27+s20+$0x0] =	vst.idx.msk $0xffff, v26  }
0x9f: {  	v26 =	vld.idx.msk [tilespmem:v28+s4+$0x0], $0xffff;
	_ =	sdelay $0x2  }
0xa0: {  	v27 =	vor.u32 v11, v24  }
0xa1: {  	v28 =	vor.u32 v12, v25;
	_ =	sdelay $0x1  }
0xa2: {  	v26 =	vmul.f32 v26, v18;
	_ =	sdelay $0x1  }
0xa3: {  	[tilespmem:v27+s20+$0x0] =	vst.idx.msk $0xffff, v26  }
0xa4: {  	v26 =	vld.idx.msk [tilespmem:v28+s4+$0x0], $0xffff;
	_ =	sdelay $0x2  }
0xa5: {  	v27 =	vor.u32 v13, v24  }
0xa6: {  	v25 =	vor.u32 v14, v25;
	_ =	sdelay $0x1  }
0xa7: {  	v26 =	vmul.f32 v26, v17;
	_ =	sdelay $0x1  }
0xa8: {  	[tilespmem:v27+s20+$0x0] =	vst.idx.msk $0xffff, v26  }
0xa9: {  	v25 =	vld.idx.msk [tilespmem:v25+s4+$0x0], $0xffff  }
0xaa: {  	s3 =	sadd.s32 $0x1, s30;
	s30 =	smov.u32 s0  }
0xab: {  	v26 =	vxor.u32 s3, v0  }
0xac: {  	v24 =	vor.u32 v15, v24;
	v27 =	vshll.u32 v26, $0x7  }
0xad: {  	v28 =	vor.u32 v0, v27;
	_ =	sdelay $0x1  }
0xae: {  	v25 =	vmul.f32 v25, v16;
	_ =	sdelay $0x1  }
0xaf: {  	[tilespmem:v24+s20+$0x0] =	vst.idx.msk $0xffff, v25  }
0xb0: {  	v24 =	vld.idx.msk [tilespmem:v28+s4+$0x0], $0xffff;
	_ =	sdelay $0x2  }
0xb1: {  	v25 =	vor.u32 v1, v26  }
0xb2: {  	v28 =	vor.u32 v2, v27;
	_ =	sdelay $0x1  }
0xb3: {  	v24 =	vmul.f32 v24, v23;
	_ =	sdelay $0x1  }
0xb4: {  	[tilespmem:v25+s20+$0x0] =	vst.idx.msk $0xffff, v24  }
0xb5: {  	v24 =	vld.idx.msk [tilespmem:v28+s4+$0x0], $0xffff;
	_ =	sdelay $0x2  }
0xb6: {  	v25 =	vor.u32 v3, v26  }
0xb7: {  	v28 =	vor.u32 v4, v27;
	_ =	sdelay $0x1  }
0xb8: {  	v24 =	vmul.f32 v24, v22;
	_ =	sdelay $0x1  }
0xb9: {  	[tilespmem:v25+s20+$0x0] =	vst.idx.msk $0xffff, v24  }
0xba: {  	v24 =	vld.idx.msk [tilespmem:v28+s4+$0x0], $0xffff;
	_ =	sdelay $0x2  }
0xbb: {  	v25 =	vor.u32 v5, v26  }
0xbc: {  	v28 =	vor.u32 v6, v27;
	_ =	sdelay $0x1  }
0xbd: {  	v24 =	vmul.f32 v24, v21;
	_ =	sdelay $0x1  }
0xbe: {  	[tilespmem:v25+s20+$0x0] =	vst.idx.msk $0xffff, v24  }
0xbf: {  	v24 =	vld.idx.msk [tilespmem:v28+s4+$0x0], $0xffff;
	_ =	sdelay $0x2  }
0xc0: {  	v25 =	vor.u32 v7, v26  }
0xc1: {  	v28 =	vor.u32 v8, v27;
	_ =	sdelay $0x1  }
0xc2: {  	v24 =	vmul.f32 v24, v20;
	_ =	sdelay $0x1  }
0xc3: {  	[tilespmem:v25+s20+$0x0] =	vst.idx.msk $0xffff, v24  }
0xc4: {  	v24 =	vld.idx.msk [tilespmem:v28+s4+$0x0], $0xffff;
	_ =	sdelay $0x2  }
0xc5: {  	v25 =	vor.u32 v9, v26  }
0xc6: {  	v28 =	vor.u32 v10, v27;
	_ =	sdelay $0x1  }
0xc7: {  	v24 =	vmul.f32 v24, v19;
	_ =	sdelay $0x1  }
0xc8: {  	[tilespmem:v25+s20+$0x0] =	vst.idx.msk $0xffff, v24  }
0xc9: {  	v24 =	vld.idx.msk [tilespmem:v28+s4+$0x0], $0xffff;
	_ =	sdelay $0x2  }
0xca: {  	v25 =	vor.u32 v11, v26  }
0xcb: {  	v28 =	vor.u32 v12, v27;
	_ =	sdelay $0x1  }
0xcc: {  	v24 =	vmul.f32 v24, v18;
	_ =	sdelay $0x1  }
0xcd: {  	[tilespmem:v25+s20+$0x0] =	vst.idx.msk $0xffff, v24  }
0xce: {  	v24 =	vld.idx.msk [tilespmem:v28+s4+$0x0], $0xffff;
	_ =	sdelay $0x2  }
0xcf: {  	v25 =	vor.u32 v13, v26  }
0xd0: {  	v27 =	vor.u32 v14, v27;
	_ =	sdelay $0x1  }
0xd1: {  	v24 =	vmul.f32 v24, v17;
	_ =	sdelay $0x1  }
0xd2: {  	[tilespmem:v25+s20+$0x0] =	vst.idx.msk $0xffff, v24  }
0xd3: {  	v28 =	vld.idx.msk [tilespmem:v27+s4+$0x0], $0xffff;
	_ =	sdelay $0x1  }
.Ltmp2:
0xd4: {  	v24 =	vxor.u32 s30, v0;
	(pc) =	sbr.rel @p3 .LBB2_3-.Ltmp2, $3  }
0xd5: {  	v25 =	vshll.u32 v24, $0x7;
	v27 =	vor.u32 v15, v26  }
0xd6: {  	v26 =	vor.u32 v0, v25;
	_ =	sdelay $0x1  }
0xd7: {  	v28 =	vmul.f32 v28, v16  }
0xd8: {  	_ =	sdelay $0x3  }
0xd9: {  	[tilespmem:v27+s20+$0x0] =	vst.idx.msk $0xffff, v28  }
0xda: {  	v26 =	vld.idx.msk [tilespmem:v26+s4+$0x0], $0xffff;
	_ =	sdelay $0x1  }
0xdb: {  	v27 =	vor.u32 v1, v24  }
0xdc: {  	v28 =	vor.u32 v2, v25;
	_ =	sdelay $0x1  }
0xdd: {  	v26 =	vmul.f32 v26, v23;
	_ =	sdelay $0x1  }
0xde: {  	[tilespmem:v27+s20+$0x0] =	vst.idx.msk $0xffff, v26  }
0xdf: {  	v26 =	vld.idx.msk [tilespmem:v28+s4+$0x0], $0xffff;
	_ =	sdelay $0x1  }
0xe0: {  	v27 =	vor.u32 v3, v24  }
0xe1: {  	v28 =	vor.u32 v4, v25;
	_ =	sdelay $0x1  }
0xe2: {  	v26 =	vmul.f32 v26, v22;
	_ =	sdelay $0x1  }
0xe3: {  	[tilespmem:v27+s20+$0x0] =	vst.idx.msk $0xffff, v26  }
0xe4: {  	v26 =	vld.idx.msk [tilespmem:v28+s4+$0x0], $0xffff;
	_ =	sdelay $0x1  }
0xe5: {  	v27 =	vor.u32 v5, v24  }
0xe6: {  	v28 =	vor.u32 v6, v25;
	_ =	sdelay $0x1  }
0xe7: {  	v26 =	vmul.f32 v26, v21;
	_ =	sdelay $0x1  }
0xe8: {  	[tilespmem:v27+s20+$0x0] =	vst.idx.msk $0xffff, v26  }
0xe9: {  	v26 =	vld.idx.msk [tilespmem:v28+s4+$0x0], $0xffff;
	_ =	sdelay $0x1  }
0xea: {  	v27 =	vor.u32 v7, v24  }
0xeb: {  	v28 =	vor.u32 v8, v25;
	_ =	sdelay $0x1  }
0xec: {  	v26 =	vmul.f32 v26, v20;
	_ =	sdelay $0x1  }
0xed: {  	[tilespmem:v27+s20+$0x0] =	vst.idx.msk $0xffff, v26  }
0xee: {  	v26 =	vld.idx.msk [tilespmem:v28+s4+$0x0], $0xffff;
	_ =	sdelay $0x1  }
0xef: {  	v27 =	vor.u32 v9, v24  }
0xf0: {  	v28 =	vor.u32 v10, v25;
	_ =	sdelay $0x1  }
0xf1: {  	v26 =	vmul.f32 v26, v19;
	_ =	sdelay $0x1  }
0xf2: {  	[tilespmem:v27+s20+$0x0] =	vst.idx.msk $0xffff, v26  }
0xf3: {  	v26 =	vld.idx.msk [tilespmem:v28+s4+$0x0], $0xffff;
	_ =	sdelay $0x1  }
0xf4: {  	v27 =	vor.u32 v11, v24  }
0xf5: {  	v28 =	vor.u32 v12, v25;
	_ =	sdelay $0x1  }
0xf6: {  	v26 =	vmul.f32 v26, v18;
	_ =	sdelay $0x1  }
0xf7: {  	[tilespmem:v27+s20+$0x0] =	vst.idx.msk $0xffff, v26  }
0xf8: {  	v26 =	vld.idx.msk [tilespmem:v28+s4+$0x0], $0xffff;
	_ =	sdelay $0x1  }
0xf9: {  	v27 =	vor.u32 v13, v24  }
0xfa: {  	v25 =	vor.u32 v14, v25;
	_ =	sdelay $0x1  }
0xfb: {  	v26 =	vmul.f32 v26, v17;
	_ =	sdelay $0x1  }
0xfc: {  	[tilespmem:v27+s20+$0x0] =	vst.idx.msk $0xffff, v26  }
0xfd: {  	s0 =	sadd.s32 $0x1, s30;
	v25 =	vld.idx.msk [tilespmem:v25+s4+$0x0], $0xffff  }
0xfe: {  	v26 =	vxor.u32 s0, v0  }
0xff: {  	v24 =	vor.u32 v15, v24;
	v27 =	vshll.u32 v26, $0x7  }
0x100: {  	v28 =	vor.u32 v0, v27;
	_ =	sdelay $0x1  }
0x101: {  	v25 =	vmul.f32 v25, v16;
	_ =	sdelay $0x1  }
0x102: {  	[tilespmem:v24+s20+$0x0] =	vst.idx.msk $0xffff, v25  }
0x103: {  	v24 =	vld.idx.msk [tilespmem:v28+s4+$0x0], $0xffff;
	_ =	sdelay $0x1  }
0x104: {  	v25 =	vor.u32 v1, v26  }
0x105: {  	v28 =	vor.u32 v2, v27;
	_ =	sdelay $0x1  }
0x106: {  	v23 =	vmul.f32 v24, v23;
	_ =	sdelay $0x1  }
0x107: {  	[tilespmem:v25+s20+$0x0] =	vst.idx.msk $0xffff, v23  }
0x108: {  	v23 =	vld.idx.msk [tilespmem:v28+s4+$0x0], $0xffff;
	_ =	sdelay $0x1  }
0x109: {  	v24 =	vor.u32 v3, v26  }
0x10a: {  	v25 =	vor.u32 v4, v27;
	_ =	sdelay $0x1  }
0x10b: {  	v22 =	vmul.f32 v23, v22;
	_ =	sdelay $0x1  }
0x10c: {  	[tilespmem:v24+s20+$0x0] =	vst.idx.msk $0xffff, v22  }
0x10d: {  	v22 =	vld.idx.msk [tilespmem:v25+s4+$0x0], $0xffff;
	_ =	sdelay $0x1  }
0x10e: {  	v23 =	vor.u32 v5, v26  }
0x10f: {  	v24 =	vor.u32 v6, v27;
	_ =	sdelay $0x1  }
0x110: {  	v21 =	vmul.f32 v22, v21;
	_ =	sdelay $0x1  }
0x111: {  	[tilespmem:v23+s20+$0x0] =	vst.idx.msk $0xffff, v21  }
0x112: {  	v21 =	vld.idx.msk [tilespmem:v24+s4+$0x0], $0xffff;
	_ =	sdelay $0x1  }
0x113: {  	v22 =	vor.u32 v7, v26  }
0x114: {  	v23 =	vor.u32 v8, v27;
	_ =	sdelay $0x1  }
0x115: {  	v20 =	vmul.f32 v21, v20;
	_ =	sdelay $0x1  }
0x116: {  	[tilespmem:v22+s20+$0x0] =	vst.idx.msk $0xffff, v20  }
0x117: {  	v20 =	vld.idx.msk [tilespmem:v23+s4+$0x0], $0xffff;
	_ =	sdelay $0x1  }
0x118: {  	v21 =	vor.u32 v9, v26  }
0x119: {  	v22 =	vor.u32 v10, v27;
	_ =	sdelay $0x1  }
0x11a: {  	v19 =	vmul.f32 v20, v19;
	_ =	sdelay $0x1  }
0x11b: {  	[tilespmem:v21+s20+$0x0] =	vst.idx.msk $0xffff, v19  }
0x11c: {  	v19 =	vld.idx.msk [tilespmem:v22+s4+$0x0], $0xffff;
	_ =	sdelay $0x1  }
0x11d: {  	v20 =	vor.u32 v11, v26  }
0x11e: {  	v21 =	vor.u32 v12, v27;
	_ =	sdelay $0x1  }
0x11f: {  	v18 =	vmul.f32 v19, v18;
	_ =	sdelay $0x1  }
0x120: {  	[tilespmem:v20+s20+$0x0] =	vst.idx.msk $0xffff, v18  }
0x121: {  	v18 =	vld.idx.msk [tilespmem:v21+s4+$0x0], $0xffff;
	_ =	sdelay $0x1  }
0x122: {  	v19 =	vor.u32 v13, v26  }
0x123: {  	v20 =	vor.u32 v14, v27;
	_ =	sdelay $0x1  }
0x124: {  	v17 =	vmul.f32 v18, v17;
	_ =	sdelay $0x1  }
0x125: {  	[tilespmem:v19+s20+$0x0] =	vst.idx.msk $0xffff, v17  }
0x126: {  	v17 =	vld.idx.msk [tilespmem:v20+s4+$0x0], $0xffff;
	_ =	sdelay $0x1  }
0x127: {  	v18 =	vor.u32 v15, v26;
	_ =	sdelay $0x2  }
0x128: {  	v16 =	vmul.f32 v17, v16  }
0x129: {  	s31 =	sshll.u32 s26, $0x10  }
0x12a: {  	s0 =	sadd.s32 s31, s10;
	[tilespmem:v18+s20+$0x0] =	vst.idx.msk $0xffff, v16  }
0x12b: {  	[hbm4b:s0+s4] =	stream.linear.scatter [tilespmem:s20], [sflag:$0x3], $0x2000, $0x38;
	[tilespmem:$0x8100] =	vst v63  }
0x12c: {  	s0 =	sadd.s32 $0x2, s29  }
0x12d: {  	p3 =	sge.u32 s0, s7  }
0x12e: {  	s0 =	sshll.u32 @!p3 s0, $0x5  }
0x12f: {  	s0 =	sor.u32 @!p3 s5, s0  }
0x130: {  	s29 =	simm.s32 @!p3 $0x400;
	s3 =	sshll.u32 @!p3 s0, $0x7  }
0x131: {  	s30 =	simm.s32 @!p3 $0x7A1400;
	s0 =	sshll.u32 @!p3 s0, $0x4;
	s3 =	sand.u32 @!p3 $0x1FFFEF80, s3  }
0x132: {  	s31 =	simm.s32 @!p3 $0x0;
	s0 =	sand.u32 @!p3 $0x1FFFFDF0, s0;
	s3 =	sadd.s32 @!p3 s1, s3  }
0x133: {  	[tilespmem:s31], [sflag:$0x1] =	stream.strided.gather @!p3 [hbm4b:s3+s29], $0x2000, s30, s29, $0x38;
	[tilespmem:$0x8100] =	vst v63  }
0x134: {  	s0 =	sadd.s32 @!p3 s2, s0;
	s3 =	simm.s32 @!p3 $0x8000  }
0x135: {  	[tilespmem:s3], [sflag:$0x1] =	stream.linear.gather @!p3 [hbm4b:s0+s31], $0x80, $0x38;
	[tilespmem:$0x8100] =	vst v63  }
0x136: {  	_ =	swait.ge [sflag:s21], $0x2000  }
0x137: {  	[sflag:s21] =	ssyncset.done $0x0  }
0x138: {  	s3 =	simm.s32 $0x0;
	[sflag:s21] =	ssyncadd.s32 $0xFFFFE000  }
0x139: {  	v24 =	vxor.u32 s3, v0;
	_ =	swait.ge [sflag:s21], $0x80  }
0x13a: {  	v25 =	vshll.u32 v24, $0x7;
	[sflag:s21] =	ssyncset.done $0x0  }
0x13b: {  	s0 =	simm.s32 @!p2 $0x3;
	v16 =	vor.u32 v0, v25;
	[sflag:s21] =	ssyncadd.s32 $0xFFFFFF80  }
0x13c: {  	_ =	swait.ge @!p2 [sflag:s0], $0x2000  }
0x13d: {  	[sflag:s0] =	ssyncset.done @!p2 $0x0  }
0x13e: {  	[sflag:s0] =	ssyncadd.s32 @!p2 $0xFFFFE000  }
0x13f: {  	v23 =	vld [tilespmem:$0x8080]  }
0x140: {  	v16 =	vld.idx.msk [tilespmem:v16+s17+$0x0], $0xffff  }
0x141: {  	v22 =	vld [tilespmem:$0x8090]  }
0x142: {  	v26 =	vor.u32 v1, v24;
	v21 =	vld [tilespmem:$0x80A0]  }
0x143: {  	v27 =	vor.u32 v2, v25;
	v20 =	vld [tilespmem:$0x80B0]  }
0x144: {  	v19 =	vld [tilespmem:$0x80C0]  }
0x145: {  	v18 =	vld [tilespmem:$0x80D0];
	v28 =	vmul.f32 v16, v23  }
0x146: {  	v17 =	vld [tilespmem:$0x80E0]  }
0x147: {  	v16 =	vld [tilespmem:$0x80F0];
	[tilespmem:v26+s22+$0x0] =	vst.idx.msk $0xffff, v28  }
0x148: {  	v26 =	vld.idx.msk [tilespmem:v27+s17+$0x0], $0xffff;
	_ =	sdelay $0x1  }
0x149: {  	v27 =	vor.u32 v3, v24  }
0x14a: {  	v28 =	vor.u32 v4, v25;
	_ =	sdelay $0x1  }
0x14b: {  	v26 =	vmul.f32 v26, v22;
	_ =	sdelay $0x1  }
0x14c: {  	[tilespmem:v27+s22+$0x0] =	vst.idx.msk $0xffff, v26  }
0x14d: {  	v26 =	vld.idx.msk [tilespmem:v28+s17+$0x0], $0xffff;
	_ =	sdelay $0x1  }
0x14e: {  	v27 =	vor.u32 v5, v24  }
0x14f: {  	v28 =	vor.u32 v6, v25;
	_ =	sdelay $0x1  }
0x150: {  	v26 =	vmul.f32 v26, v21;
	_ =	sdelay $0x1  }
0x151: {  	[tilespmem:v27+s22+$0x0] =	vst.idx.msk $0xffff, v26  }
0x152: {  	v26 =	vld.idx.msk [tilespmem:v28+s17+$0x0], $0xffff;
	_ =	sdelay $0x1  }
0x153: {  	v27 =	vor.u32 v7, v24  }
0x154: {  	v28 =	vor.u32 v8, v25;
	_ =	sdelay $0x1  }
0x155: {  	v26 =	vmul.f32 v26, v20;
	_ =	sdelay $0x1  }
0x156: {  	[tilespmem:v27+s22+$0x0] =	vst.idx.msk $0xffff, v26  }
0x157: {  	v26 =	vld.idx.msk [tilespmem:v28+s17+$0x0], $0xffff;
	_ =	sdelay $0x1  }
0x158: {  	v27 =	vor.u32 v9, v24  }
0x159: {  	v28 =	vor.u32 v10, v25;
	_ =	sdelay $0x1  }
0x15a: {  	v26 =	vmul.f32 v26, v19;
	_ =	sdelay $0x1  }
0x15b: {  	[tilespmem:v27+s22+$0x0] =	vst.idx.msk $0xffff, v26  }
0x15c: {  	v26 =	vld.idx.msk [tilespmem:v28+s17+$0x0], $0xffff;
	_ =	sdelay $0x1  }
0x15d: {  	v27 =	vor.u32 v11, v24  }
0x15e: {  	v28 =	vor.u32 v12, v25;
	_ =	sdelay $0x1  }
0x15f: {  	v26 =	vmul.f32 v26, v18;
	_ =	sdelay $0x1  }
0x160: {  	[tilespmem:v27+s22+$0x0] =	vst.idx.msk $0xffff, v26  }
0x161: {  	v26 =	vld.idx.msk [tilespmem:v28+s17+$0x0], $0xffff;
	_ =	sdelay $0x1  }
0x162: {  	v27 =	vor.u32 v13, v24  }
0x163: {  	v25 =	vor.u32 v14, v25;
	_ =	sdelay $0x1  }
0x164: {  	v26 =	vmul.f32 v26, v17;
	_ =	sdelay $0x1  }
0x165: {  	[tilespmem:v27+s22+$0x0] =	vst.idx.msk $0xffff, v26  }
0x166: {  	s31 =	simm.s32 $0x1;
	v25 =	vld.idx.msk [tilespmem:v25+s17+$0x0], $0xffff  }
0x167: {  	v26 =	vxor.u32 s31, v0  }
0x168: {  	v24 =	vor.u32 v15, v24;
	v27 =	vshll.u32 v26, $0x7  }
0x169: {  	v28 =	vor.u32 v0, v27;
	_ =	sdelay $0x1  }
0x16a: {  	v25 =	vmul.f32 v25, v16;
	_ =	sdelay $0x1  }
0x16b: {  	[tilespmem:v24+s22+$0x0] =	vst.idx.msk $0xffff, v25  }
0x16c: {  	v24 =	vld.idx.msk [tilespmem:v28+s17+$0x0], $0xffff;
	_ =	sdelay $0x1  }
0x16d: {  	v25 =	vor.u32 v1, v26  }
0x16e: {  	v28 =	vor.u32 v2, v27;
	_ =	sdelay $0x1  }
0x16f: {  	v24 =	vmul.f32 v24, v23;
	_ =	sdelay $0x1  }
0x170: {  	[tilespmem:v25+s22+$0x0] =	vst.idx.msk $0xffff, v24  }
0x171: {  	v24 =	vld.idx.msk [tilespmem:v28+s17+$0x0], $0xffff;
	_ =	sdelay $0x1  }
0x172: {  	v25 =	vor.u32 v3, v26  }
0x173: {  	v28 =	vor.u32 v4, v27;
	_ =	sdelay $0x1  }
0x174: {  	v24 =	vmul.f32 v24, v22;
	_ =	sdelay $0x1  }
0x175: {  	[tilespmem:v25+s22+$0x0] =	vst.idx.msk $0xffff, v24  }
0x176: {  	v24 =	vld.idx.msk [tilespmem:v28+s17+$0x0], $0xffff;
	_ =	sdelay $0x1  }
0x177: {  	v25 =	vor.u32 v5, v26  }
0x178: {  	v28 =	vor.u32 v6, v27;
	_ =	sdelay $0x1  }
0x179: {  	v24 =	vmul.f32 v24, v21;
	_ =	sdelay $0x1  }
0x17a: {  	[tilespmem:v25+s22+$0x0] =	vst.idx.msk $0xffff, v24  }
0x17b: {  	v24 =	vld.idx.msk [tilespmem:v28+s17+$0x0], $0xffff;
	_ =	sdelay $0x1  }
0x17c: {  	v25 =	vor.u32 v7, v26  }
0x17d: {  	v28 =	vor.u32 v8, v27;
	_ =	sdelay $0x1  }
0x17e: {  	v24 =	vmul.f32 v24, v20;
	_ =	sdelay $0x1  }
0x17f: {  	[tilespmem:v25+s22+$0x0] =	vst.idx.msk $0xffff, v24  }
0x180: {  	v24 =	vld.idx.msk [tilespmem:v28+s17+$0x0], $0xffff;
	_ =	sdelay $0x1  }
0x181: {  	v25 =	vor.u32 v9, v26  }
0x182: {  	v28 =	vor.u32 v10, v27;
	_ =	sdelay $0x1  }
0x183: {  	v24 =	vmul.f32 v24, v19;
	_ =	sdelay $0x1  }
0x184: {  	[tilespmem:v25+s22+$0x0] =	vst.idx.msk $0xffff, v24  }
0x185: {  	v24 =	vld.idx.msk [tilespmem:v28+s17+$0x0], $0xffff;
	_ =	sdelay $0x1  }
0x186: {  	v25 =	vor.u32 v11, v26  }
0x187: {  	v28 =	vor.u32 v12, v27;
	_ =	sdelay $0x1  }
0x188: {  	v24 =	vmul.f32 v24, v18;
	_ =	sdelay $0x1  }
0x189: {  	[tilespmem:v25+s22+$0x0] =	vst.idx.msk $0xffff, v24  }
0x18a: {  	v24 =	vld.idx.msk [tilespmem:v28+s17+$0x0], $0xffff;
	_ =	sdelay $0x1  }
0x18b: {  	v25 =	vor.u32 v13, v26  }
0x18c: {  	v27 =	vor.u32 v14, v27;
	_ =	sdelay $0x1  }
0x18d: {  	v24 =	vmul.f32 v24, v17;
	_ =	sdelay $0x1  }
0x18e: {  	[tilespmem:v25+s22+$0x0] =	vst.idx.msk $0xffff, v24  }
0x18f: {  	s29 =	simm.s32 $0x2;
	v28 =	vld.idx.msk [tilespmem:v27+s17+$0x0], $0xffff  }
0x190: {  	v24 =	vxor.u32 s29, v0  }
0x191: {  	v25 =	vshll.u32 v24, $0x7;
	v27 =	vor.u32 v15, v26  }
0x192: {  	v26 =	vor.u32 v0, v25;
	_ =	sdelay $0x1  }
0x193: {  	s30 =	simm.s32 $0x4;
	v28 =	vmul.f32 v28, v16  }
.LBB2_5:
0x194: {  	_ = 	snop  }
0x195: {  	p2 =	slt.u32 s30, $0x3E;
	s0 =	smov.u32 s30;
	s30 =	sadd.s32 $0x2, s30;
	[tilespmem:v27+s22+$0x0] =	vst.idx.msk $0xffff, v28  }
0x196: {  	v26 =	vld.idx.msk [tilespmem:v26+s17+$0x0], $0xffff;
	_ =	sdelay $0x2  }
0x197: {  	v27 =	vor.u32 v1, v24  }
0x198: {  	v28 =	vor.u32 v2, v25;
	_ =	sdelay $0x1  }
0x199: {  	v26 =	vmul.f32 v26, v23;
	_ =	sdelay $0x1  }
0x19a: {  	[tilespmem:v27+s22+$0x0] =	vst.idx.msk $0xffff, v26  }
0x19b: {  	v26 =	vld.idx.msk [tilespmem:v28+s17+$0x0], $0xffff;
	_ =	sdelay $0x2  }
0x19c: {  	v27 =	vor.u32 v3, v24  }
0x19d: {  	v28 =	vor.u32 v4, v25;
	_ =	sdelay $0x1  }
0x19e: {  	v26 =	vmul.f32 v26, v22;
	_ =	sdelay $0x1  }
0x19f: {  	[tilespmem:v27+s22+$0x0] =	vst.idx.msk $0xffff, v26  }
0x1a0: {  	v26 =	vld.idx.msk [tilespmem:v28+s17+$0x0], $0xffff;
	_ =	sdelay $0x2  }
0x1a1: {  	v27 =	vor.u32 v5, v24  }
0x1a2: {  	v28 =	vor.u32 v6, v25;
	_ =	sdelay $0x1  }
0x1a3: {  	v26 =	vmul.f32 v26, v21;
	_ =	sdelay $0x1  }
0x1a4: {  	[tilespmem:v27+s22+$0x0] =	vst.idx.msk $0xffff, v26  }
0x1a5: {  	v26 =	vld.idx.msk [tilespmem:v28+s17+$0x0], $0xffff;
	_ =	sdelay $0x2  }
0x1a6: {  	v27 =	vor.u32 v7, v24  }
0x1a7: {  	v28 =	vor.u32 v8, v25;
	_ =	sdelay $0x1  }
0x1a8: {  	v26 =	vmul.f32 v26, v20;
	_ =	sdelay $0x1  }
0x1a9: {  	[tilespmem:v27+s22+$0x0] =	vst.idx.msk $0xffff, v26  }
0x1aa: {  	v26 =	vld.idx.msk [tilespmem:v28+s17+$0x0], $0xffff;
	_ =	sdelay $0x2  }
0x1ab: {  	v27 =	vor.u32 v9, v24  }
0x1ac: {  	v28 =	vor.u32 v10, v25;
	_ =	sdelay $0x1  }
0x1ad: {  	v26 =	vmul.f32 v26, v19;
	_ =	sdelay $0x1  }
0x1ae: {  	[tilespmem:v27+s22+$0x0] =	vst.idx.msk $0xffff, v26  }
0x1af: {  	v26 =	vld.idx.msk [tilespmem:v28+s17+$0x0], $0xffff;
	_ =	sdelay $0x2  }
0x1b0: {  	v27 =	vor.u32 v11, v24  }
0x1b1: {  	v28 =	vor.u32 v12, v25;
	_ =	sdelay $0x1  }
0x1b2: {  	v26 =	vmul.f32 v26, v18;
	_ =	sdelay $0x1  }
0x1b3: {  	[tilespmem:v27+s22+$0x0] =	vst.idx.msk $0xffff, v26  }
0x1b4: {  	v26 =	vld.idx.msk [tilespmem:v28+s17+$0x0], $0xffff;
	_ =	sdelay $0x2  }
0x1b5: {  	v27 =	vor.u32 v13, v24  }
0x1b6: {  	v25 =	vor.u32 v14, v25;
	_ =	sdelay $0x1  }
0x1b7: {  	v26 =	vmul.f32 v26, v17;
	_ =	sdelay $0x1  }
0x1b8: {  	[tilespmem:v27+s22+$0x0] =	vst.idx.msk $0xffff, v26  }
0x1b9: {  	v25 =	vld.idx.msk [tilespmem:v25+s17+$0x0], $0xffff  }
0x1ba: {  	s3 =	sadd.s32 $0x1, s29;
	s29 =	smov.u32 s0  }
0x1bb: {  	v26 =	vxor.u32 s3, v0  }
0x1bc: {  	v24 =	vor.u32 v15, v24;
	v27 =	vshll.u32 v26, $0x7  }
0x1bd: {  	v28 =	vor.u32 v0, v27;
	_ =	sdelay $0x1  }
0x1be: {  	v25 =	vmul.f32 v25, v16;
	_ =	sdelay $0x1  }
0x1bf: {  	[tilespmem:v24+s22+$0x0] =	vst.idx.msk $0xffff, v25  }
0x1c0: {  	v24 =	vld.idx.msk [tilespmem:v28+s17+$0x0], $0xffff;
	_ =	sdelay $0x2  }
0x1c1: {  	v25 =	vor.u32 v1, v26  }
0x1c2: {  	v28 =	vor.u32 v2, v27;
	_ =	sdelay $0x1  }
0x1c3: {  	v24 =	vmul.f32 v24, v23;
	_ =	sdelay $0x1  }
0x1c4: {  	[tilespmem:v25+s22+$0x0] =	vst.idx.msk $0xffff, v24  }
0x1c5: {  	v24 =	vld.idx.msk [tilespmem:v28+s17+$0x0], $0xffff;
	_ =	sdelay $0x2  }
0x1c6: {  	v25 =	vor.u32 v3, v26  }
0x1c7: {  	v28 =	vor.u32 v4, v27;
	_ =	sdelay $0x1  }
0x1c8: {  	v24 =	vmul.f32 v24, v22;
	_ =	sdelay $0x1  }
0x1c9: {  	[tilespmem:v25+s22+$0x0] =	vst.idx.msk $0xffff, v24  }
0x1ca: {  	v24 =	vld.idx.msk [tilespmem:v28+s17+$0x0], $0xffff;
	_ =	sdelay $0x2  }
0x1cb: {  	v25 =	vor.u32 v5, v26  }
0x1cc: {  	v28 =	vor.u32 v6, v27;
	_ =	sdelay $0x1  }
0x1cd: {  	v24 =	vmul.f32 v24, v21;
	_ =	sdelay $0x1  }
0x1ce: {  	[tilespmem:v25+s22+$0x0] =	vst.idx.msk $0xffff, v24  }
0x1cf: {  	v24 =	vld.idx.msk [tilespmem:v28+s17+$0x0], $0xffff;
	_ =	sdelay $0x2  }
0x1d0: {  	v25 =	vor.u32 v7, v26  }
0x1d1: {  	v28 =	vor.u32 v8, v27;
	_ =	sdelay $0x1  }
0x1d2: {  	v24 =	vmul.f32 v24, v20;
	_ =	sdelay $0x1  }
0x1d3: {  	[tilespmem:v25+s22+$0x0] =	vst.idx.msk $0xffff, v24  }
0x1d4: {  	v24 =	vld.idx.msk [tilespmem:v28+s17+$0x0], $0xffff;
	_ =	sdelay $0x2  }
0x1d5: {  	v25 =	vor.u32 v9, v26  }
0x1d6: {  	v28 =	vor.u32 v10, v27;
	_ =	sdelay $0x1  }
0x1d7: {  	v24 =	vmul.f32 v24, v19;
	_ =	sdelay $0x1  }
0x1d8: {  	[tilespmem:v25+s22+$0x0] =	vst.idx.msk $0xffff, v24  }
0x1d9: {  	v24 =	vld.idx.msk [tilespmem:v28+s17+$0x0], $0xffff;
	_ =	sdelay $0x2  }
0x1da: {  	v25 =	vor.u32 v11, v26  }
0x1db: {  	v28 =	vor.u32 v12, v27;
	_ =	sdelay $0x1  }
0x1dc: {  	v24 =	vmul.f32 v24, v18;
	_ =	sdelay $0x1  }
0x1dd: {  	[tilespmem:v25+s22+$0x0] =	vst.idx.msk $0xffff, v24  }
0x1de: {  	v24 =	vld.idx.msk [tilespmem:v28+s17+$0x0], $0xffff;
	_ =	sdelay $0x2  }
0x1df: {  	v25 =	vor.u32 v13, v26  }
0x1e0: {  	v27 =	vor.u32 v14, v27;
	_ =	sdelay $0x1  }
0x1e1: {  	v24 =	vmul.f32 v24, v17;
	_ =	sdelay $0x1  }
0x1e2: {  	[tilespmem:v25+s22+$0x0] =	vst.idx.msk $0xffff, v24  }
0x1e3: {  	v28 =	vld.idx.msk [tilespmem:v27+s17+$0x0], $0xffff;
	_ =	sdelay $0x1  }
.Ltmp3:
0x1e4: {  	v24 =	vxor.u32 s29, v0;
	(pc) =	sbr.rel @p2 .LBB2_5-.Ltmp3, $3  }
0x1e5: {  	v25 =	vshll.u32 v24, $0x7;
	v27 =	vor.u32 v15, v26  }
0x1e6: {  	v26 =	vor.u32 v0, v25;
	_ =	sdelay $0x1  }
0x1e7: {  	v28 =	vmul.f32 v28, v16  }
0x1e8: {  	_ =	sdelay $0x3  }
0x1e9: {  	[tilespmem:v27+s22+$0x0] =	vst.idx.msk $0xffff, v28  }
0x1ea: {  	v26 =	vld.idx.msk [tilespmem:v26+s17+$0x0], $0xffff;
	_ =	sdelay $0x1  }
0x1eb: {  	v57 =	vor.u32 v1, v24  }
0x1ec: {  	v58 =	vor.u32 v2, v25;
	_ =	sdelay $0x1  }
0x1ed: {  	v26 =	vmul.f32 v26, v23;
	_ =	sdelay $0x1  }
0x1ee: {  	[tilespmem:v57+s22+$0x0] =	vst.idx.msk $0xffff, v26  }
0x1ef: {  	v26 =	vld.idx.msk [tilespmem:v58+s17+$0x0], $0xffff;
	_ =	sdelay $0x1  }
0x1f0: {  	v59 =	vor.u32 v3, v24  }
0x1f1: {  	v60 =	vor.u32 v4, v25;
	_ =	sdelay $0x1  }
0x1f2: {  	v26 =	vmul.f32 v26, v22;
	_ =	sdelay $0x1  }
0x1f3: {  	[tilespmem:v59+s22+$0x0] =	vst.idx.msk $0xffff, v26  }
0x1f4: {  	v26 =	vld.idx.msk [tilespmem:v60+s17+$0x0], $0xffff;
	_ =	sdelay $0x1  }
0x1f5: {  	v61 =	vor.u32 v5, v24  }
0x1f6: {  	v62 =	vor.u32 v6, v25;
	_ =	sdelay $0x1  }
0x1f7: {  	v26 =	vmul.f32 v26, v21;
	_ =	sdelay $0x1  }
0x1f8: {  	[tilespmem:v61+s22+$0x0] =	vst.idx.msk $0xffff, v26  }
0x1f9: {  	v26 =	vld.idx.msk [tilespmem:v62+s17+$0x0], $0xffff;
	_ =	sdelay $0x1  }
0x1fa: {  	v63 =	vor.u32 v7, v24  }
0x1fb: {  	v32 =	vor.u32 v8, v25;
	_ =	sdelay $0x1  }
0x1fc: {  	v26 =	vmul.f32 v26, v20;
	_ =	sdelay $0x1  }
0x1fd: {  	[tilespmem:v63+s22+$0x0] =	vst.idx.msk $0xffff, v26  }
0x1fe: {  	v26 =	vld.idx.msk [tilespmem:v32+s17+$0x0], $0xffff;
	_ =	sdelay $0x1  }
0x1ff: {  	v33 =	vor.u32 v9, v24  }
0x200: {  	v34 =	vor.u32 v10, v25;
	_ =	sdelay $0x1  }
0x201: {  	v26 =	vmul.f32 v26, v19;
	_ =	sdelay $0x1  }
0x202: {  	[tilespmem:v33+s22+$0x0] =	vst.idx.msk $0xffff, v26  }
0x203: {  	v26 =	vld.idx.msk [tilespmem:v34+s17+$0x0], $0xffff;
	_ =	sdelay $0x1  }
0x204: {  	v35 =	vor.u32 v11, v24  }
0x205: {  	v36 =	vor.u32 v12, v25;
	_ =	sdelay $0x1  }
0x206: {  	v26 =	vmul.f32 v26, v18;
	_ =	sdelay $0x1  }
0x207: {  	[tilespmem:v35+s22+$0x0] =	vst.idx.msk $0xffff, v26  }
0x208: {  	v26 =	vld.idx.msk [tilespmem:v36+s17+$0x0], $0xffff;
	_ =	sdelay $0x1  }
0x209: {  	v37 =	vor.u32 v13, v24  }
0x20a: {  	v38 =	vor.u32 v14, v25;
	_ =	sdelay $0x1  }
0x20b: {  	v26 =	vmul.f32 v26, v17;
	_ =	sdelay $0x1  }
0x20c: {  	[tilespmem:v37+s22+$0x0] =	vst.idx.msk $0xffff, v26  }
0x20d: {  	s0 =	sadd.s32 $0x1, s29;
	v25 =	vld.idx.msk [tilespmem:v38+s17+$0x0], $0xffff  }
0x20e: {  	v39 =	vxor.u32 s0, v0  }
0x20f: {  	v40 =	vor.u32 v15, v24;
	v41 =	vshll.u32 v39, $0x7  }
0x210: {  	v42 =	vor.u32 v0, v41;
	_ =	sdelay $0x1  }
0x211: {  	v25 =	vmul.f32 v25, v16;
	_ =	sdelay $0x1  }
0x212: {  	[tilespmem:v40+s22+$0x0] =	vst.idx.msk $0xffff, v25  }
0x213: {  	v24 =	vld.idx.msk [tilespmem:v42+s17+$0x0], $0xffff;
	_ =	sdelay $0x1  }
0x214: {  	v43 =	vor.u32 v1, v39  }
0x215: {  	v44 =	vor.u32 v2, v41;
	_ =	sdelay $0x1  }
0x216: {  	v45 =	vmul.f32 v24, v23;
	_ =	sdelay $0x1  }
0x217: {  	[tilespmem:v43+s22+$0x0] =	vst.idx.msk $0xffff, v45  }
0x218: {  	v23 =	vld.idx.msk [tilespmem:v44+s17+$0x0], $0xffff;
	_ =	sdelay $0x1  }
0x219: {  	v46 =	vor.u32 v3, v39  }
0x21a: {  	v47 =	vor.u32 v4, v41;
	_ =	sdelay $0x1  }
0x21b: {  	v48 =	vmul.f32 v23, v22;
	_ =	sdelay $0x1  }
0x21c: {  	[tilespmem:v46+s22+$0x0] =	vst.idx.msk $0xffff, v48  }
0x21d: {  	v22 =	vld.idx.msk [tilespmem:v47+s17+$0x0], $0xffff;
	_ =	sdelay $0x1  }
0x21e: {  	v49 =	vor.u32 v5, v39  }
0x21f: {  	v50 =	vor.u32 v6, v41;
	_ =	sdelay $0x1  }
0x220: {  	v51 =	vmul.f32 v22, v21;
	_ =	sdelay $0x1  }
0x221: {  	[tilespmem:v49+s22+$0x0] =	vst.idx.msk $0xffff, v51  }
0x222: {  	v21 =	vld.idx.msk [tilespmem:v50+s17+$0x0], $0xffff;
	_ =	sdelay $0x1  }
0x223: {  	v52 =	vor.u32 v7, v39  }
0x224: {  	v53 =	vor.u32 v8, v41;
	_ =	sdelay $0x1  }
0x225: {  	v54 =	vmul.f32 v21, v20;
	_ =	sdelay $0x1  }
0x226: {  	[tilespmem:v52+s22+$0x0] =	vst.idx.msk $0xffff, v54  }
0x227: {  	v20 =	vld.idx.msk [tilespmem:v53+s17+$0x0], $0xffff;
	_ =	sdelay $0x1  }
0x228: {  	v55 =	vor.u32 v9, v39  }
0x229: {  	v56 =	vor.u32 v10, v41;
	_ =	sdelay $0x1  }
0x22a: {  	v57 =	vmul.f32 v20, v19;
	_ =	sdelay $0x1  }
0x22b: {  	[tilespmem:v55+s22+$0x0] =	vst.idx.msk $0xffff, v57  }
0x22c: {  	v19 =	vld.idx.msk [tilespmem:v56+s17+$0x0], $0xffff;
	_ =	sdelay $0x1  }
0x22d: {  	v58 =	vor.u32 v11, v39  }
0x22e: {  	v59 =	vor.u32 v12, v41;
	_ =	sdelay $0x1  }
0x22f: {  	v60 =	vmul.f32 v19, v18;
	_ =	sdelay $0x1  }
0x230: {  	[tilespmem:v58+s22+$0x0] =	vst.idx.msk $0xffff, v60  }
0x231: {  	v18 =	vld.idx.msk [tilespmem:v59+s17+$0x0], $0xffff;
	_ =	sdelay $0x1  }
0x232: {  	v61 =	vor.u32 v13, v39  }
0x233: {  	v62 =	vor.u32 v14, v41;
	_ =	sdelay $0x1  }
0x234: {  	v17 =	vmul.f32 v18, v17;
	_ =	sdelay $0x1  }
0x235: {  	[tilespmem:v61+s22+$0x0] =	vst.idx.msk $0xffff, v17  }
0x236: {  	v17 =	vld.idx.msk [tilespmem:v62+s17+$0x0], $0xffff;
	_ =	sdelay $0x1  }
0x237: {  	s26 =	sadd.s32 $0x1, s26;
	v63 =	vor.u32 v15, v39  }
0x238: {  	p2 =	sne.s32 s26, $0x7A  }
.Ltmp4:
0x239: {  	_ = 	snop;
	(pc) =	sbr.rel @p2 .LBB2_2-.Ltmp4, $4  }
0x23a: {  	v16 =	vmul.f32 v17, v16  }
0x23b: {  	s31 =	sshll.u32 s28, $0xF  }
0x23c: {  	s0 =	sadd.s32 s31, s10;
	[tilespmem:v63+s22+$0x0] =	vst.idx.msk $0xffff, v16  }
0x23d: {  	[hbm4b:s0+s4] =	stream.linear.scatter [tilespmem:s22], [sflag:$0x3], $0x2000, $0x38;
	[tilespmem:$0x8100] =	vst v63  }
0x23e: {  	_ =	swait.ge [sflag:s23], $0x2000  }
.Ltmp5:
0x23f: {  	[sflag:s23] =	ssyncset.done $0x0;
	(pc) =	sbr.rel @p0 .LBB2_11-.Ltmp5, $4  }
0x240: {  	[sflag:s23] =	ssyncadd.s32 $0xFFFFE000  }
0x241: {  	_ =	swait.ge [sflag:s23], $0x2000  }
0x242: {  	[sflag:s23] =	ssyncset.done $0x0  }
0x243: {  	[sflag:s23] =	ssyncadd.s32 $0xFFFFE000  }
0x244: {  	s0 =	simm.s32 $0x0  }
0x245: {  	_ =	swait.ge [sflag:s19], $0x2000;
	v24 =	vxor.u32 s0, v0  }
0x246: {  	[sflag:s19] =	ssyncset.done $0x0;
	v25 =	vshll.u32 v24, $0x7  }
0x247: {  	[sflag:s19] =	ssyncadd.s32 $0xFFFFE000;
	v16 =	vor.u32 v0, v25  }
0x248: {  	_ =	swait.ge [sflag:s19], $0x80  }
0x249: {  	[sflag:s19] =	ssyncset.done $0x0  }
0x24a: {  	[sflag:s19] =	ssyncadd.s32 $0xFFFFFF80  }
0x24b: {  	v23 =	vld [tilespmem:$0x8000]  }
0x24c: {  	v16 =	vld.idx.msk [tilespmem:v16+s4+$0x0], $0xffff  }
0x24d: {  	v22 =	vld [tilespmem:$0x8010]  }
0x24e: {  	v26 =	vor.u32 v1, v24;
	v21 =	vld [tilespmem:$0x8020]  }
0x24f: {  	v27 =	vor.u32 v2, v25;
	v20 =	vld [tilespmem:$0x8030]  }
0x250: {  	v19 =	vld [tilespmem:$0x8040]  }
0x251: {  	v18 =	vld [tilespmem:$0x8050];
	v28 =	vmul.f32 v16, v23  }
0x252: {  	v17 =	vld [tilespmem:$0x8060]  }
0x253: {  	v16 =	vld [tilespmem:$0x8070];
	[tilespmem:v26+s20+$0x0] =	vst.idx.msk $0xffff, v28  }
0x254: {  	v26 =	vld.idx.msk [tilespmem:v27+s4+$0x0], $0xffff;
	_ =	sdelay $0x1  }
0x255: {  	v27 =	vor.u32 v3, v24  }
0x256: {  	v28 =	vor.u32 v4, v25;
	_ =	sdelay $0x1  }
0x257: {  	v26 =	vmul.f32 v26, v22;
	_ =	sdelay $0x1  }
0x258: {  	[tilespmem:v27+s20+$0x0] =	vst.idx.msk $0xffff, v26  }
0x259: {  	v26 =	vld.idx.msk [tilespmem:v28+s4+$0x0], $0xffff;
	_ =	sdelay $0x1  }
0x25a: {  	v27 =	vor.u32 v5, v24  }
0x25b: {  	v28 =	vor.u32 v6, v25;
	_ =	sdelay $0x1  }
0x25c: {  	v26 =	vmul.f32 v26, v21;
	_ =	sdelay $0x1  }
0x25d: {  	[tilespmem:v27+s20+$0x0] =	vst.idx.msk $0xffff, v26  }
0x25e: {  	v26 =	vld.idx.msk [tilespmem:v28+s4+$0x0], $0xffff;
	_ =	sdelay $0x1  }
0x25f: {  	v27 =	vor.u32 v7, v24  }
0x260: {  	v28 =	vor.u32 v8, v25;
	_ =	sdelay $0x1  }
0x261: {  	v26 =	vmul.f32 v26, v20;
	_ =	sdelay $0x1  }
0x262: {  	[tilespmem:v27+s20+$0x0] =	vst.idx.msk $0xffff, v26  }
0x263: {  	v26 =	vld.idx.msk [tilespmem:v28+s4+$0x0], $0xffff;
	_ =	sdelay $0x1  }
0x264: {  	v27 =	vor.u32 v9, v24  }
0x265: {  	v28 =	vor.u32 v10, v25;
	_ =	sdelay $0x1  }
0x266: {  	v26 =	vmul.f32 v26, v19;
	_ =	sdelay $0x1  }
0x267: {  	[tilespmem:v27+s20+$0x0] =	vst.idx.msk $0xffff, v26  }
0x268: {  	v26 =	vld.idx.msk [tilespmem:v28+s4+$0x0], $0xffff;
	_ =	sdelay $0x1  }
0x269: {  	v27 =	vor.u32 v11, v24  }
0x26a: {  	v28 =	vor.u32 v12, v25;
	_ =	sdelay $0x1  }
0x26b: {  	v26 =	vmul.f32 v26, v18;
	_ =	sdelay $0x1  }
0x26c: {  	[tilespmem:v27+s20+$0x0] =	vst.idx.msk $0xffff, v26  }
0x26d: {  	v26 =	vld.idx.msk [tilespmem:v28+s4+$0x0], $0xffff;
	_ =	sdelay $0x1  }
0x26e: {  	v27 =	vor.u32 v13, v24  }
0x26f: {  	v25 =	vor.u32 v14, v25;
	_ =	sdelay $0x1  }
0x270: {  	v26 =	vmul.f32 v26, v17;
	_ =	sdelay $0x1  }
0x271: {  	[tilespmem:v27+s20+$0x0] =	vst.idx.msk $0xffff, v26  }
0x272: {  	s31 =	simm.s32 $0x1;
	v25 =	vld.idx.msk [tilespmem:v25+s4+$0x0], $0xffff  }
0x273: {  	v26 =	vxor.u32 s31, v0  }
0x274: {  	v24 =	vor.u32 v15, v24;
	v27 =	vshll.u32 v26, $0x7  }
0x275: {  	v28 =	vor.u32 v0, v27;
	_ =	sdelay $0x1  }
0x276: {  	v25 =	vmul.f32 v25, v16;
	_ =	sdelay $0x1  }
0x277: {  	[tilespmem:v24+s20+$0x0] =	vst.idx.msk $0xffff, v25  }
0x278: {  	v24 =	vld.idx.msk [tilespmem:v28+s4+$0x0], $0xffff;
	_ =	sdelay $0x1  }
0x279: {  	v25 =	vor.u32 v1, v26  }
0x27a: {  	v28 =	vor.u32 v2, v27;
	_ =	sdelay $0x1  }
0x27b: {  	v24 =	vmul.f32 v24, v23;
	_ =	sdelay $0x1  }
0x27c: {  	[tilespmem:v25+s20+$0x0] =	vst.idx.msk $0xffff, v24  }
0x27d: {  	v24 =	vld.idx.msk [tilespmem:v28+s4+$0x0], $0xffff;
	_ =	sdelay $0x1  }
0x27e: {  	v25 =	vor.u32 v3, v26  }
0x27f: {  	v28 =	vor.u32 v4, v27;
	_ =	sdelay $0x1  }
0x280: {  	v24 =	vmul.f32 v24, v22;
	_ =	sdelay $0x1  }
0x281: {  	[tilespmem:v25+s20+$0x0] =	vst.idx.msk $0xffff, v24  }
0x282: {  	v24 =	vld.idx.msk [tilespmem:v28+s4+$0x0], $0xffff;
	_ =	sdelay $0x1  }
0x283: {  	v25 =	vor.u32 v5, v26  }
0x284: {  	v28 =	vor.u32 v6, v27;
	_ =	sdelay $0x1  }
0x285: {  	v24 =	vmul.f32 v24, v21;
	_ =	sdelay $0x1  }
0x286: {  	[tilespmem:v25+s20+$0x0] =	vst.idx.msk $0xffff, v24  }
0x287: {  	v24 =	vld.idx.msk [tilespmem:v28+s4+$0x0], $0xffff;
	_ =	sdelay $0x1  }
0x288: {  	v25 =	vor.u32 v7, v26  }
0x289: {  	v28 =	vor.u32 v8, v27;
	_ =	sdelay $0x1  }
0x28a: {  	v24 =	vmul.f32 v24, v20;
	_ =	sdelay $0x1  }
0x28b: {  	[tilespmem:v25+s20+$0x0] =	vst.idx.msk $0xffff, v24  }
0x28c: {  	v24 =	vld.idx.msk [tilespmem:v28+s4+$0x0], $0xffff;
	_ =	sdelay $0x1  }
0x28d: {  	v25 =	vor.u32 v9, v26  }
0x28e: {  	v28 =	vor.u32 v10, v27;
	_ =	sdelay $0x1  }
0x28f: {  	v24 =	vmul.f32 v24, v19;
	_ =	sdelay $0x1  }
0x290: {  	[tilespmem:v25+s20+$0x0] =	vst.idx.msk $0xffff, v24  }
0x291: {  	v24 =	vld.idx.msk [tilespmem:v28+s4+$0x0], $0xffff;
	_ =	sdelay $0x1  }
0x292: {  	v25 =	vor.u32 v11, v26  }
0x293: {  	v28 =	vor.u32 v12, v27;
	_ =	sdelay $0x1  }
0x294: {  	v24 =	vmul.f32 v24, v18;
	_ =	sdelay $0x1  }
0x295: {  	[tilespmem:v25+s20+$0x0] =	vst.idx.msk $0xffff, v24  }
0x296: {  	v24 =	vld.idx.msk [tilespmem:v28+s4+$0x0], $0xffff;
	_ =	sdelay $0x1  }
0x297: {  	v25 =	vor.u32 v13, v26  }
0x298: {  	v27 =	vor.u32 v14, v27;
	_ =	sdelay $0x1  }
0x299: {  	v24 =	vmul.f32 v24, v17;
	_ =	sdelay $0x1  }
0x29a: {  	[tilespmem:v25+s20+$0x0] =	vst.idx.msk $0xffff, v24  }
0x29b: {  	s26 =	simm.s32 $0x2;
	v28 =	vld.idx.msk [tilespmem:v27+s4+$0x0], $0xffff  }
0x29c: {  	v24 =	vxor.u32 s26, v0  }
0x29d: {  	v25 =	vshll.u32 v24, $0x7;
	v27 =	vor.u32 v15, v26  }
0x29e: {  	v26 =	vor.u32 v0, v25;
	_ =	sdelay $0x1  }
0x29f: {  	s28 =	simm.s32 $0x4;
	v28 =	vmul.f32 v28, v16  }
.LBB2_9:
0x2a0: {  	_ = 	snop  }
0x2a1: {  	p2 =	slt.u32 s28, $0x3E;
	s0 =	smov.u32 s28;
	s28 =	sadd.s32 $0x2, s28;
	[tilespmem:v27+s20+$0x0] =	vst.idx.msk $0xffff, v28  }
0x2a2: {  	v26 =	vld.idx.msk [tilespmem:v26+s4+$0x0], $0xffff;
	_ =	sdelay $0x2  }
0x2a3: {  	v27 =	vor.u32 v1, v24  }
0x2a4: {  	v28 =	vor.u32 v2, v25;
	_ =	sdelay $0x1  }
0x2a5: {  	v26 =	vmul.f32 v26, v23;
	_ =	sdelay $0x1  }
0x2a6: {  	[tilespmem:v27+s20+$0x0] =	vst.idx.msk $0xffff, v26  }
0x2a7: {  	v26 =	vld.idx.msk [tilespmem:v28+s4+$0x0], $0xffff;
	_ =	sdelay $0x2  }
0x2a8: {  	v27 =	vor.u32 v3, v24  }
0x2a9: {  	v28 =	vor.u32 v4, v25;
	_ =	sdelay $0x1  }
0x2aa: {  	v26 =	vmul.f32 v26, v22;
	_ =	sdelay $0x1  }
0x2ab: {  	[tilespmem:v27+s20+$0x0] =	vst.idx.msk $0xffff, v26  }
0x2ac: {  	v26 =	vld.idx.msk [tilespmem:v28+s4+$0x0], $0xffff;
	_ =	sdelay $0x2  }
0x2ad: {  	v27 =	vor.u32 v5, v24  }
0x2ae: {  	v28 =	vor.u32 v6, v25;
	_ =	sdelay $0x1  }
0x2af: {  	v26 =	vmul.f32 v26, v21;
	_ =	sdelay $0x1  }
0x2b0: {  	[tilespmem:v27+s20+$0x0] =	vst.idx.msk $0xffff, v26  }
0x2b1: {  	v26 =	vld.idx.msk [tilespmem:v28+s4+$0x0], $0xffff;
	_ =	sdelay $0x2  }
0x2b2: {  	v27 =	vor.u32 v7, v24  }
0x2b3: {  	v28 =	vor.u32 v8, v25;
	_ =	sdelay $0x1  }
0x2b4: {  	v26 =	vmul.f32 v26, v20;
	_ =	sdelay $0x1  }
0x2b5: {  	[tilespmem:v27+s20+$0x0] =	vst.idx.msk $0xffff, v26  }
0x2b6: {  	v26 =	vld.idx.msk [tilespmem:v28+s4+$0x0], $0xffff;
	_ =	sdelay $0x2  }
0x2b7: {  	v27 =	vor.u32 v9, v24  }
0x2b8: {  	v28 =	vor.u32 v10, v25;
	_ =	sdelay $0x1  }
0x2b9: {  	v26 =	vmul.f32 v26, v19;
	_ =	sdelay $0x1  }
0x2ba: {  	[tilespmem:v27+s20+$0x0] =	vst.idx.msk $0xffff, v26  }
0x2bb: {  	v26 =	vld.idx.msk [tilespmem:v28+s4+$0x0], $0xffff;
	_ =	sdelay $0x2  }
0x2bc: {  	v27 =	vor.u32 v11, v24  }
0x2bd: {  	v28 =	vor.u32 v12, v25;
	_ =	sdelay $0x1  }
0x2be: {  	v26 =	vmul.f32 v26, v18;
	_ =	sdelay $0x1  }
0x2bf: {  	[tilespmem:v27+s20+$0x0] =	vst.idx.msk $0xffff, v26  }
0x2c0: {  	v26 =	vld.idx.msk [tilespmem:v28+s4+$0x0], $0xffff;
	_ =	sdelay $0x2  }
0x2c1: {  	v27 =	vor.u32 v13, v24  }
0x2c2: {  	v25 =	vor.u32 v14, v25;
	_ =	sdelay $0x1  }
0x2c3: {  	v26 =	vmul.f32 v26, v17;
	_ =	sdelay $0x1  }
0x2c4: {  	[tilespmem:v27+s20+$0x0] =	vst.idx.msk $0xffff, v26  }
0x2c5: {  	v25 =	vld.idx.msk [tilespmem:v25+s4+$0x0], $0xffff  }
0x2c6: {  	s3 =	sadd.s32 $0x1, s26;
	s26 =	smov.u32 s0  }
0x2c7: {  	v26 =	vxor.u32 s3, v0  }
0x2c8: {  	v24 =	vor.u32 v15, v24;
	v27 =	vshll.u32 v26, $0x7  }
0x2c9: {  	v28 =	vor.u32 v0, v27;
	_ =	sdelay $0x1  }
0x2ca: {  	v25 =	vmul.f32 v25, v16;
	_ =	sdelay $0x1  }
0x2cb: {  	[tilespmem:v24+s20+$0x0] =	vst.idx.msk $0xffff, v25  }
0x2cc: {  	v24 =	vld.idx.msk [tilespmem:v28+s4+$0x0], $0xffff;
	_ =	sdelay $0x2  }
0x2cd: {  	v25 =	vor.u32 v1, v26  }
0x2ce: {  	v28 =	vor.u32 v2, v27;
	_ =	sdelay $0x1  }
0x2cf: {  	v24 =	vmul.f32 v24, v23;
	_ =	sdelay $0x1  }
0x2d0: {  	[tilespmem:v25+s20+$0x0] =	vst.idx.msk $0xffff, v24  }
0x2d1: {  	v24 =	vld.idx.msk [tilespmem:v28+s4+$0x0], $0xffff;
	_ =	sdelay $0x2  }
0x2d2: {  	v25 =	vor.u32 v3, v26  }
0x2d3: {  	v28 =	vor.u32 v4, v27;
	_ =	sdelay $0x1  }
0x2d4: {  	v24 =	vmul.f32 v24, v22;
	_ =	sdelay $0x1  }
0x2d5: {  	[tilespmem:v25+s20+$0x0] =	vst.idx.msk $0xffff, v24  }
0x2d6: {  	v24 =	vld.idx.msk [tilespmem:v28+s4+$0x0], $0xffff;
	_ =	sdelay $0x2  }
0x2d7: {  	v25 =	vor.u32 v5, v26  }
0x2d8: {  	v28 =	vor.u32 v6, v27;
	_ =	sdelay $0x1  }
0x2d9: {  	v24 =	vmul.f32 v24, v21;
	_ =	sdelay $0x1  }
0x2da: {  	[tilespmem:v25+s20+$0x0] =	vst.idx.msk $0xffff, v24  }
0x2db: {  	v24 =	vld.idx.msk [tilespmem:v28+s4+$0x0], $0xffff;
	_ =	sdelay $0x2  }
0x2dc: {  	v25 =	vor.u32 v7, v26  }
0x2dd: {  	v28 =	vor.u32 v8, v27;
	_ =	sdelay $0x1  }
0x2de: {  	v24 =	vmul.f32 v24, v20;
	_ =	sdelay $0x1  }
0x2df: {  	[tilespmem:v25+s20+$0x0] =	vst.idx.msk $0xffff, v24  }
0x2e0: {  	v24 =	vld.idx.msk [tilespmem:v28+s4+$0x0], $0xffff;
	_ =	sdelay $0x2  }
0x2e1: {  	v25 =	vor.u32 v9, v26  }
0x2e2: {  	v28 =	vor.u32 v10, v27;
	_ =	sdelay $0x1  }
0x2e3: {  	v24 =	vmul.f32 v24, v19;
	_ =	sdelay $0x1  }
0x2e4: {  	[tilespmem:v25+s20+$0x0] =	vst.idx.msk $0xffff, v24  }
0x2e5: {  	v24 =	vld.idx.msk [tilespmem:v28+s4+$0x0], $0xffff;
	_ =	sdelay $0x2  }
0x2e6: {  	v25 =	vor.u32 v11, v26  }
0x2e7: {  	v28 =	vor.u32 v12, v27;
	_ =	sdelay $0x1  }
0x2e8: {  	v24 =	vmul.f32 v24, v18;
	_ =	sdelay $0x1  }
0x2e9: {  	[tilespmem:v25+s20+$0x0] =	vst.idx.msk $0xffff, v24  }
0x2ea: {  	v24 =	vld.idx.msk [tilespmem:v28+s4+$0x0], $0xffff;
	_ =	sdelay $0x2  }
0x2eb: {  	v25 =	vor.u32 v13, v26  }
0x2ec: {  	v27 =	vor.u32 v14, v27;
	_ =	sdelay $0x1  }
0x2ed: {  	v24 =	vmul.f32 v24, v17;
	_ =	sdelay $0x1  }
0x2ee: {  	[tilespmem:v25+s20+$0x0] =	vst.idx.msk $0xffff, v24  }
0x2ef: {  	v28 =	vld.idx.msk [tilespmem:v27+s4+$0x0], $0xffff;
	_ =	sdelay $0x1  }
.Ltmp6:
0x2f0: {  	v24 =	vxor.u32 s26, v0;
	(pc) =	sbr.rel @p2 .LBB2_9-.Ltmp6, $3  }
0x2f1: {  	v25 =	vshll.u32 v24, $0x7;
	v27 =	vor.u32 v15, v26  }
0x2f2: {  	v26 =	vor.u32 v0, v25;
	_ =	sdelay $0x1  }
0x2f3: {  	v28 =	vmul.f32 v28, v16  }
0x2f4: {  	_ =	sdelay $0x3  }
0x2f5: {  	[tilespmem:v27+s20+$0x0] =	vst.idx.msk $0xffff, v28  }
0x2f6: {  	v26 =	vld.idx.msk [tilespmem:v26+s4+$0x0], $0xffff;
	_ =	sdelay $0x1  }
0x2f7: {  	v57 =	vor.u32 v1, v24  }
0x2f8: {  	v58 =	vor.u32 v2, v25;
	_ =	sdelay $0x1  }
0x2f9: {  	v26 =	vmul.f32 v26, v23;
	_ =	sdelay $0x1  }
0x2fa: {  	[tilespmem:v57+s20+$0x0] =	vst.idx.msk $0xffff, v26  }
0x2fb: {  	v26 =	vld.idx.msk [tilespmem:v58+s4+$0x0], $0xffff;
	_ =	sdelay $0x1  }
0x2fc: {  	v59 =	vor.u32 v3, v24  }
0x2fd: {  	v60 =	vor.u32 v4, v25;
	_ =	sdelay $0x1  }
0x2fe: {  	v26 =	vmul.f32 v26, v22;
	_ =	sdelay $0x1  }
0x2ff: {  	[tilespmem:v59+s20+$0x0] =	vst.idx.msk $0xffff, v26  }
0x300: {  	v26 =	vld.idx.msk [tilespmem:v60+s4+$0x0], $0xffff;
	_ =	sdelay $0x1  }
0x301: {  	v61 =	vor.u32 v5, v24  }
0x302: {  	v62 =	vor.u32 v6, v25;
	_ =	sdelay $0x1  }
0x303: {  	v26 =	vmul.f32 v26, v21;
	_ =	sdelay $0x1  }
0x304: {  	[tilespmem:v61+s20+$0x0] =	vst.idx.msk $0xffff, v26  }
0x305: {  	v26 =	vld.idx.msk [tilespmem:v62+s4+$0x0], $0xffff;
	_ =	sdelay $0x1  }
0x306: {  	v63 =	vor.u32 v7, v24  }
0x307: {  	v32 =	vor.u32 v8, v25;
	_ =	sdelay $0x1  }
0x308: {  	v26 =	vmul.f32 v26, v20;
	_ =	sdelay $0x1  }
0x309: {  	[tilespmem:v63+s20+$0x0] =	vst.idx.msk $0xffff, v26  }
0x30a: {  	v26 =	vld.idx.msk [tilespmem:v32+s4+$0x0], $0xffff;
	_ =	sdelay $0x1  }
0x30b: {  	v33 =	vor.u32 v9, v24  }
0x30c: {  	v34 =	vor.u32 v10, v25;
	_ =	sdelay $0x1  }
0x30d: {  	v26 =	vmul.f32 v26, v19;
	_ =	sdelay $0x1  }
0x30e: {  	[tilespmem:v33+s20+$0x0] =	vst.idx.msk $0xffff, v26  }
0x30f: {  	v26 =	vld.idx.msk [tilespmem:v34+s4+$0x0], $0xffff;
	_ =	sdelay $0x1  }
0x310: {  	v35 =	vor.u32 v11, v24  }
0x311: {  	v36 =	vor.u32 v12, v25;
	_ =	sdelay $0x1  }
0x312: {  	v26 =	vmul.f32 v26, v18;
	_ =	sdelay $0x1  }
0x313: {  	[tilespmem:v35+s20+$0x0] =	vst.idx.msk $0xffff, v26  }
0x314: {  	v26 =	vld.idx.msk [tilespmem:v36+s4+$0x0], $0xffff;
	_ =	sdelay $0x1  }
0x315: {  	v37 =	vor.u32 v13, v24  }
0x316: {  	v38 =	vor.u32 v14, v25;
	_ =	sdelay $0x1  }
0x317: {  	v26 =	vmul.f32 v26, v17;
	_ =	sdelay $0x1  }
0x318: {  	[tilespmem:v37+s20+$0x0] =	vst.idx.msk $0xffff, v26  }
0x319: {  	s0 =	sadd.s32 $0x1, s26;
	v25 =	vld.idx.msk [tilespmem:v38+s4+$0x0], $0xffff  }
0x31a: {  	v39 =	vxor.u32 s0, v0  }
0x31b: {  	v40 =	vor.u32 v15, v24;
	v41 =	vshll.u32 v39, $0x7  }
0x31c: {  	v42 =	vor.u32 v0, v41;
	_ =	sdelay $0x1  }
0x31d: {  	v25 =	vmul.f32 v25, v16;
	_ =	sdelay $0x1  }
0x31e: {  	[tilespmem:v40+s20+$0x0] =	vst.idx.msk $0xffff, v25  }
0x31f: {  	v24 =	vld.idx.msk [tilespmem:v42+s4+$0x0], $0xffff;
	_ =	sdelay $0x1  }
0x320: {  	v43 =	vor.u32 v1, v39  }
0x321: {  	v44 =	vor.u32 v2, v41;
	_ =	sdelay $0x1  }
0x322: {  	v45 =	vmul.f32 v24, v23;
	_ =	sdelay $0x1  }
0x323: {  	[tilespmem:v43+s20+$0x0] =	vst.idx.msk $0xffff, v45  }
0x324: {  	v23 =	vld.idx.msk [tilespmem:v44+s4+$0x0], $0xffff;
	_ =	sdelay $0x1  }
0x325: {  	v46 =	vor.u32 v3, v39  }
0x326: {  	v47 =	vor.u32 v4, v41;
	_ =	sdelay $0x1  }
0x327: {  	v48 =	vmul.f32 v23, v22;
	_ =	sdelay $0x1  }
0x328: {  	[tilespmem:v46+s20+$0x0] =	vst.idx.msk $0xffff, v48  }
0x329: {  	v22 =	vld.idx.msk [tilespmem:v47+s4+$0x0], $0xffff;
	_ =	sdelay $0x1  }
0x32a: {  	v49 =	vor.u32 v5, v39  }
0x32b: {  	v50 =	vor.u32 v6, v41;
	_ =	sdelay $0x1  }
0x32c: {  	v51 =	vmul.f32 v22, v21;
	_ =	sdelay $0x1  }
0x32d: {  	[tilespmem:v49+s20+$0x0] =	vst.idx.msk $0xffff, v51  }
0x32e: {  	v21 =	vld.idx.msk [tilespmem:v50+s4+$0x0], $0xffff;
	_ =	sdelay $0x1  }
0x32f: {  	v52 =	vor.u32 v7, v39  }
0x330: {  	v53 =	vor.u32 v8, v41;
	_ =	sdelay $0x1  }
0x331: {  	v54 =	vmul.f32 v21, v20;
	_ =	sdelay $0x1  }
0x332: {  	[tilespmem:v52+s20+$0x0] =	vst.idx.msk $0xffff, v54  }
0x333: {  	v20 =	vld.idx.msk [tilespmem:v53+s4+$0x0], $0xffff;
	_ =	sdelay $0x1  }
0x334: {  	v55 =	vor.u32 v9, v39  }
0x335: {  	v56 =	vor.u32 v10, v41;
	_ =	sdelay $0x1  }
0x336: {  	v57 =	vmul.f32 v20, v19;
	_ =	sdelay $0x1  }
0x337: {  	[tilespmem:v55+s20+$0x0] =	vst.idx.msk $0xffff, v57  }
0x338: {  	v19 =	vld.idx.msk [tilespmem:v56+s4+$0x0], $0xffff;
	_ =	sdelay $0x1  }
0x339: {  	v58 =	vor.u32 v11, v39  }
0x33a: {  	v59 =	vor.u32 v12, v41;
	_ =	sdelay $0x1  }
0x33b: {  	v60 =	vmul.f32 v19, v18;
	_ =	sdelay $0x1  }
0x33c: {  	[tilespmem:v58+s20+$0x0] =	vst.idx.msk $0xffff, v60  }
0x33d: {  	v18 =	vld.idx.msk [tilespmem:v59+s4+$0x0], $0xffff;
	_ =	sdelay $0x1  }
0x33e: {  	v61 =	vor.u32 v13, v39  }
0x33f: {  	v62 =	vor.u32 v14, v41;
	_ =	sdelay $0x1  }
0x340: {  	v17 =	vmul.f32 v18, v17;
	_ =	sdelay $0x1  }
0x341: {  	[tilespmem:v61+s20+$0x0] =	vst.idx.msk $0xffff, v17  }
0x342: {  	v17 =	vld.idx.msk [tilespmem:v62+s4+$0x0], $0xffff;
	_ =	sdelay $0x1  }
0x343: {  	v63 =	vor.u32 v15, v39;
	_ =	sdelay $0x2  }
0x344: {  	v16 =	vmul.f32 v17, v16;
	_ =	sdelay $0x1  }
.Ltmp7:
0x345: {  	[tilespmem:v63+s20+$0x0] =	vst.idx.msk $0xffff, v16;
	(pc) =	sbr.rel .LBB2_11-.Ltmp7, $4  }
0x346: {  	[hbm4b:s11+s4] =	stream.linear.scatter [tilespmem:s20], [sflag:$0x4], $0x2000, $0x38;
	[tilespmem:$0x8100] =	vst v63  }
0x347: {  	_ =	swait.ge [sflag:s24], $0x2000  }
0x348: {  	[sflag:s24] =	ssyncset.done $0x0  }
0x349: {  	[sflag:s24] =	ssyncadd.s32 $0xFFFFE000  }
.LBB2_12:
0x34a: {  	_ =	sfence.sel $0x180000  }
0x34b: {  	[bflag:$0x0] =	sbarrier.arrive $0xFFFF  }
0x34c: {  	_ =	strace $0x90000047  }
0x34d: {  	s0 =	stileid.u32;
	[bflag:$0x2] =	sbarrier.arrive $0xFFFF  }
0x34e: {  	p0 =	sne.s32 s0, $0x0;
	s0 =	rddreg [dreg:$0x3]  }
0x34f: {  	s0 =	sadd.s32 @!p0 $0x100000, s0  }
0x350: {  	[sflag:s0] =	ssyncadd.tile.s32 @!p0 $0x1;
	_ =	shalt  }
.Lfunc_end2:
_tile_overlayer_lowered:
.L_overlay_start_2:
0x351: {  	(tag) =	ssettag $0x2  }
0x352: {  	s0 =	rddreg [dreg:$0x0];
	s2 =	stileid.u32  }
0x353: {  	s1 =	rddreg [dreg:$0x1];
	p0 =	sne.s32 s2, $0x0  }
0x354: {  	s3 =	rddreg [dreg:$0x2];
	[bflag:$0x3] =	sbarrier.arrive $0xFFFF;
	s2 =	simm.s32 @!p0 $0x1C04  }
0x355: {  	[timem:s3], [sflag:s2] =	dma.local @!p0 [hbm:s0], s1  }
0x356: {  	s0 =	simm.s32 @!p0 $0x4  }
0x357: {  	_ =	swait.ge @!p0 [sflag:s0], s1  }
0x358: {  	s1 =	ssub.s32 @!p0 $0x0, s1;
	[sflag:s0] =	ssyncset.done @!p0 $0x0  }
0x359: {  	[sflag:s0] =	ssyncadd.s32 @!p0 s1  }
0x35a: {  	[bflag:$0x3] =	sbarrier.arrive $0xFFFF  }
0x35b: {  	_ =	shalt  }

// kernel: kernel.7.cloned.1.call-start
scs
__scs_entry_jumppad:
0x0: {  	(pc) =	sbr.rel $0x88, $3  }
0x1: {  	(tag) =	ssettag $0x0;
	lr =	simm.s32 $0x1  }
0x2: {  	[smem:$0x3F9F] =	sst lr;
	_ =	strace $0xD0000000  }
0x3: {  	_ = 	snop  }
0x4: {  	_ = 	snop  }
0x5: {  	_ = 	snop  }
0x6: {  	_ = 	snop  }
0x7: {  	_ = 	snop  }
__scs_overlays_trampoline_lowered:
0x8: {  	[smem:$0x3FAE] =	sst s0  }
0x9: {  	[smem:$0x3FAF] =	sst s1  }
0xa: {  	[smem:$0x3FB0] =	sst s2  }
0xb: {  	[smem:$0x3FB1] =	sst s3  }
0xc: {  	[smem:$0x3FB2] =	sst s4  }
0xd: {  	[smem:$0x3FB3] =	sst s5  }
0xe: {  	[smem:$0x3FB4] =	sst s6  }
0xf: {  	[smem:$0x3FB5] =	sst s7  }
0x10: {  	[smem:$0x3FB6] =	sst s8  }
0x11: {  	[smem:$0x3FB7] =	sst s9;
	s0 =	simm.s32 @!p0 $0x0  }
0x12: {  	s1 =	sld [smem:$0x3F9D];
	s0 =	simm.s32 @p0 $0x1  }
0x13: {  	[smem:$0x3FB8] =	sst s0;
	s0 =	simm.s32 @!p1 $0x0  }
0x14: {  	s2 =	sld [smem:$0x3F9C];
	s0 =	simm.s32 @p1 $0x1  }
0x15: {  	[smem:$0x3FB9] =	sst s0;
	s0 =	simm.s32 @!p2 $0x0  }
0x16: {  	s3 =	sld [smem:$0x3FDB];
	s0 =	simm.s32 @p2 $0x1  }
0x17: {  	s4 =	simm.s32 $0x1BF5;
	[smem:$0x3FBB] =	sst s0  }
0x18: {  	s0 =	sld [smem:$0x3F9E];
	_ =	swait.ge [sflag:s4], $0x0  }
0x19: {  	s7 =	sld [smem:$0x3F9F]  }
0x1a: {  	s8 =	sadd.s32 $0xFFFFE003, lr  }
0x1b: {  	s9 =	sadd.s32 $0xFFFFFEF7, lr;
	s5 =	simm.s32 $0xFFFFFFFF;
	p2 =	slt.u32 s8, $0xFFFFF086  }
0x1c: {  	p1 =	slt.u32 s9, $0xF7A;
	s5 =	simm.s32 @!p2 $0x0  }
0x1d: {  	s5 =	simm.s32 @p1 $0x1;
	p0 =	seq.s32 s7, s2  }
0x1e: {  	s7 =	smul.u32 @!p0 $0xF7A, s2;
	p2 =	seq.s32 @!p0 s5, $0x0  }
0x1f: {  	s9 =	smul.u32 $0xF7A, s1;
	s8 =	simm.s32 @!p0 $0x1BF5;
	p2 =	por !p2, p0  }
0x20: {  	[sflag:s8] =	ssyncset.s32 @!p0 $0xFFFFF086;
	s6 =	sadd.s32 @!p0 s3, s7;
	s7 =	simm.s32 @!p0 $0x108  }
0x21: {  	s3 =	sadd.s32 s3, s9;
	s6 =	sadd.s32 @!p0 $0x88, s6;
	s7 =	simm.s32 @p2 $0x1082  }
0x22: {  	[simem:s7], [sflag:s8] =	dma.local @!p0 [hbm:s6], $0xF7A  }
0x23: {  	s9 =	sor.u32 $0xD0000000, s2;
	s6 =	simm.s32 $0x108;
	_ =	swait.ge @!p0 [sflag:s8], $0x0  }
0x24: {  	s3 =	sadd.s32 $0x88, s3;
	s6 =	simm.s32 @!p1 $0x1082;
	[sflag:s4] =	ssyncset.s32 $0xFFFFF086  }
0x25: {  	[simem:s6], [sflag:s4] =	dma.local [hbm:s3], $0xF7A  }
0x26: {  	[smem:$0x3F9F] =	sst s1;
	(tag) =	ssettag s2;
	_ =	strace s9  }
0x27: {  	s1 =	sld [smem:$0x3FAF]  }
0x28: {  	s2 =	sld [smem:$0x3FB0]  }
0x29: {  	s4 =	sld [smem:$0x3FB2]  }
0x2a: {  	p0 =	seq.s32 s5, $0x0;
	s5 =	sld [smem:$0x3FB3]  }
0x2b: {  	s6 =	sld [smem:$0x3FB4]  }
0x2c: {  	s7 =	sld [smem:$0x3FB5]  }
0x2d: {  	s3 =	simm.s32 $0x108;
	s8 =	sld [smem:$0x3FB6]  }
0x2e: {  	s3 =	simm.s32 @!p0 $0x1082;
	s9 =	sld [smem:$0x3FB7]  }
0x2f: {  	lr =	sadd.s32 s0, s3;
	s0 =	sld [smem:$0x3FAE]  }
0x30: {  	s3 =	sld [smem:$0x3FB1]  }
0x31: {  	[smem:$0x3FBA] =	sst s10  }
0x32: {  	s10 =	sld [smem:$0x3FB8];
	_ =	sdelay $0x3  }
0x33: {  	p0 =	seq.s32 s10, $0x1;
	s10 =	sld [smem:$0x3FBA];
	_ =	sdelay $0x3  }
0x34: {  	[smem:$0x3FBA] =	sst s10  }
0x35: {  	s10 =	sld [smem:$0x3FB9];
	_ =	sdelay $0x3  }
0x36: {  	p1 =	seq.s32 s10, $0x1;
	s10 =	sld [smem:$0x3FBA];
	_ =	sdelay $0x3  }
0x37: {  	[smem:$0x3FBA] =	sst s10  }
0x38: {  	s10 =	sld [smem:$0x3FBB]  }
0x39: {  	_ = 	snop;
	(pc) =	sbr.ind lr, $3  }
0x3a: {  	_ = 	snop  }
0x3b: {  	_ = 	snop  }
0x3c: {  	p2 =	seq.s32 s10, $0x1;
	s10 =	sld [smem:$0x3FBA]  }
0x3d: {  	_ =	shalt  }
0x3e: {  	_ =	shalt  }
0x3f: {  	_ =	shalt  }
0x40: {  	_ =	shalt  }
0x41: {  	_ =	shalt  }
0x42: {  	_ =	shalt  }
0x43: {  	_ =	shalt  }
0x44: {  	_ =	shalt  }
0x45: {  	_ =	shalt  }
0x46: {  	_ =	shalt  }
0x47: {  	_ =	shalt  }
0x48: {  	_ =	shalt  }
0x49: {  	_ =	shalt  }
0x4a: {  	_ =	shalt  }
0x4b: {  	_ =	shalt  }
0x4c: {  	_ =	shalt  }
0x4d: {  	_ =	shalt  }
0x4e: {  	_ =	shalt  }
0x4f: {  	_ =	shalt  }
0x50: {  	_ =	shalt  }
0x51: {  	_ =	shalt  }
0x52: {  	_ =	shalt  }
0x53: {  	_ =	shalt  }
0x54: {  	_ =	shalt  }
0x55: {  	_ =	shalt  }
0x56: {  	_ =	shalt  }
0x57: {  	_ =	shalt  }
0x58: {  	_ =	shalt  }
0x59: {  	_ =	shalt  }
0x5a: {  	_ =	shalt  }
0x5b: {  	_ =	shalt  }
0x5c: {  	_ =	shalt  }
0x5d: {  	_ =	shalt  }
0x5e: {  	_ =	shalt  }
0x5f: {  	_ =	shalt  }
0x60: {  	_ =	shalt  }
0x61: {  	_ =	shalt  }
0x62: {  	_ =	shalt  }
0x63: {  	_ =	shalt  }
0x64: {  	_ =	shalt  }
0x65: {  	_ =	shalt  }
0x66: {  	_ =	shalt  }
0x67: {  	_ =	shalt  }
0x68: {  	_ =	shalt  }
0x69: {  	_ =	shalt  }
0x6a: {  	_ =	shalt  }
0x6b: {  	_ =	shalt  }
0x6c: {  	_ =	shalt  }
0x6d: {  	_ =	shalt  }
0x6e: {  	_ =	shalt  }
0x6f: {  	_ =	shalt  }
0x70: {  	_ =	shalt  }
0x71: {  	_ =	shalt  }
0x72: {  	_ =	shalt  }
0x73: {  	_ =	shalt  }
0x74: {  	_ =	shalt  }
0x75: {  	_ =	shalt  }
0x76: {  	_ =	shalt  }
0x77: {  	_ =	shalt  }
0x78: {  	_ =	shalt  }
0x79: {  	_ =	shalt  }
0x7a: {  	_ =	shalt  }
0x7b: {  	_ =	shalt  }
0x7c: {  	_ =	shalt  }
0x7d: {  	_ =	shalt  }
0x7e: {  	_ =	shalt  }
0x7f: {  	_ =	shalt  }
0x80: {  	_ =	shalt  }
0x81: {  	_ =	shalt  }
0x82: {  	_ =	shalt  }
0x83: {  	_ =	shalt  }
0x84: {  	_ =	shalt  }
0x85: {  	_ =	shalt  }
0x86: {  	_ =	shalt  }
0x87: {  	_ =	shalt  }
.Lfunc_end0:
.L_simem_size_0:
called_computation.1_lowered:
.L_overlay_start_0:
0x88: {  	s2 =	sld [smem:$0x3FD9]  }
0x89: {  	s3 =	sld [smem:$0x3FFE];
	_ =	sdelay $0x1  }
0x8a: {  	s1 =	srdreg.scid  }
0x8b: {  	s0 =	sand.u32 $0x1, s1  }
0x8c: {  	s17 =	sshll.u32 s0, $0xA;
	s2 =	sadd.s32 s3, s2  }
0x8d: {  	s2 =	sadd.s32 s2, s17  }
0x8e: {  	[smem:$0x3FC6] =	sst s2  }
0x8f: {  	_ = 	snop  }
0x90: {  	s2 =	sld [smem:$0x3FD0];
	(tm) =	ssettm $0x1  }
0x91: {  	s18 =	sld [smem:$0x3FFB];
	_ =	sdelay $0x3  }
0x92: {  	_ =	strace s18  }
0x93: {  	s3 =	sld [smem:$0x3FFC];
	_ =	sdelay $0x3  }
0x94: {  	_ =	strace s3  }
0x95: {  	s3 =	sld [smem:$0x3FFD];
	_ =	sdelay $0x3  }
0x96: {  	_ =	strace s3  }
0x97: {  	_ =	strace $0x8FFFFFFF  }
0x98: {  	s19 =	sld [smem:$0x3FDB];
	_ =	sdelay $0x1  }
0x99: {  	s4 =	simm.s32 $_scs_section_size  }
0x9a: {  	s5 =	simm.s32 $_size__tile_overlayer_lowered;
	s6 =	simm.s32 $_tile_overlayer_lowered  }
0x9b: {  	s22 =	simm.s32 $0x1BFF;
	s21 =	sshll.u32 s6, $0x1;
	s3 =	sadd.s32 s4, s19  }
0x9c: {  	s7 =	simm.s32 $0x0;
	s20 =	sshll.u32 s5, $0x1;
	s5 =	sadd.s32 s21, s3  }
0x9d: {  	[timem:s7], [sflag:s22] =	dma.local [hbm:s5], s20  }
0x9e: {  	_ =	swait.ge [sflag:s22], s20  }
0x9f: {  	s4 =	ssub.s32 $0x0, s20;
	[sflag:s22] =	ssyncset.done $0x0  }
0xa0: {  	[sflag:s22] =	ssyncadd.s32 s4;
	_ =	sdelay $0x1  }
0xa1: {  	s23 =	simm.s32 $0x1B8B  }
0xa2: {  	_ =	swait.ge [sflag:s23], $0x1  }
0xa3: {  	[sflag:s23] =	ssyncset.done $0x0  }
0xa4: {  	s25 =	simm.s32 $0x1B8E;
	s24 =	sld [smem:$0x3FFE];
	[sflag:s23] =	ssyncadd.s32 $0xFFFFFFFF  }
0xa5: {  	s26 =	simm.s32 $execute0_lowered;
	[smem:$0x3FD2] =	sst s25  }
0xa6: {  	s5 =	sshll.u32 s26, $0x1;
	_ =	strace $0x80000049;
	[dreg:$0x1] =	wrdreg $0xFFFFFFFF  }
0xa7: {  	s28 =	simm.s32 $_size_execute0_lowered;
	s3 =	sadd.s32 s3, s5;
	[dreg:$0x0] =	wrdreg $0x0  }
0xa8: {  	s5 =	sshll.u32 s28, $0x1;
	[dreg:$0x2] =	wrdreg s3  }
0xa9: {  	[dreg:$0x3] =	wrdreg s5  }
0xaa: {  	[dreg:$0x4] =	wrdreg $0xC0  }
0xab: {  	_ =	task [dreg:s7], $0x5FFFF  }
0xac: {  	[dreg:$0x1] =	wrdreg $0xFFFFFFFF  }
0xad: {  	[dreg:$0x0] =	wrdreg $0x60  }
0xae: {  	[dreg:$0x2] =	wrdreg s24  }
0xaf: {  	[dreg:$0x3] =	wrdreg s2  }
0xb0: {  	[dreg:$0x4] =	wrdreg $0x9  }
0xb1: {  	_ =	task.clear_ibuf [dreg:s7], $0x5FFFF;
	_ =	strace $0x90000049  }
0xb2: {  	s29 =	simm.s32 $0x9;
	_ =	strace $0x8000004B  }
0xb3: {  	_ =	swait.ge [sflag:s29], $0x1  }
0xb4: {  	[sflag:s29] =	ssyncadd.s32 $0xFFFFFFFF  }
0xb5: {  	_ =	strace $0x9000004B  }
0xb6: {  	_ =	sfence  }
0xb7: {  	s30 =	sld [smem:$0x0];
	_ =	sdelay $0x2  }
0xb8: {  	s31 =	sshll.u32 s1, $0xD;
	s1 =	sshrl.u32 s1, $0x2  }
0xb9: {  	s3 =	sand.u32 $0x4000, s31;
	s1 =	sadd.s32 s1, s30  }
0xba: {  	s0 =	sor.u32 s3, s0;
	s1 =	sshll.u32 s1, $0x11  }
0xbb: {  	s0 =	sor.u32 s1, s0  }
0xbc: {  	s0 =	sadd.s32 $0x8F2B, s0  }
0xbd: {  	[sflag:s0] =	ssyncadd.remote.s32 $0x1  }
0xbe: {  	_ =	sfence.sel $0xFFFF  }
0xbf: {  	[dreg:$0x0] =	wrdreg $0xFFFFFFFF;
	(pc) =	sbr.abs _section_cstart, $3  }
0xc0: {  	[dreg:$0x1] =	wrdreg $0xFFFFFFFF  }
0xc1: {  	_ =	task.clear_ibuf [dreg:s7], $0x2FFFF;
	_ =	strace $0x9FFFFFFF  }
0xc2: {  	(tm) =	ssettm $0x7FFFFFFF  }
0xc3: {  	_ =	shalt  }
tec
execute0_lowered:
.L_overlay_start_1:
0x0: {  	(tag) =	ssettag $0x1  }
0x1: {  	s5 =	rddreg [dreg:$0x0];
	s1 =	srdreg.scid  }
0x2: {  	s0 =	stileid.u32;
	s2 =	rddreg [dreg:$0x1]  }
0x3: {  	s3 =	simm.s32 $0x0;
	s9 =	simm.s32 $0x80;
	s10 =	simm.s32 $0x12400  }
0x4: {  	v0 =	vlaneseq.u32;
	s11 =	simm.s32 $0x6400;
	s12 =	simm.s32 $0x12480;
	s13 =	simm.s32 $0xA400  }
0x5: {  	s14 =	simm.s32 $0x1;
	s15 =	simm.s32 $0xE400;
	s16 =	simm.s32 $0x400;
	v1 =	vmul.u32 $0xC8, v0;
	v5 =	vmul.u32 $0x80, v0  }
0x6: {  	s17 =	simm.s32 $0x8000;
	s18 =	simm.s32 $0x2;
	s19 =	simm.s32 $0x10400;
	v11 =	vor.u32 $0x10, v0;
	v13 =	vor.u32 $0x20, v0;
	v15 =	vor.u32 $0x30, v0  }
0x7: {  	s20 =	simm.s32 $0x3;
	s4 =	sand.u32 $0x1, s1;
	s6 =	sshll.u32 s0, $0x1;
	v17 =	vor.u32 $0x40, v0;
	v19 =	vor.u32 $0x50, v0;
	v21 =	vor.u32 $0x60, v0  }
0x8: {  	s21 =	simm.s32 $0x0;
	s1 =	rddreg [dreg:$0x2];
	v23 =	vor.u32 $0x70, v0;
	s6 =	sor.u32 s4, s6;
	v2 =	vadd.s32 $0xC80, v1;
	v3 =	vadd.s32 $0x1900, v1  }
0x9: {  	[smem:$0x7FF] =	sst s3;
	s8 =	ssub.s32 $0x2, s4;
	s7 =	smul.u32 $0xC80, s6;
	v4 =	vadd.s32 $0x2580, v1;
	v6 =	vadd.s32 $0x3200, v1;
	v7 =	vadd.s32 $0x3E80, v1  }
0xa: {  	_ =	strace $0x8000004A;
	s4 =	sadd.s32 $0xE00, s5;
	s31 =	sshrl.u32 s8, $0x1;
	v8 =	vadd.s32 $0x4B00, v1;
	v9 =	vadd.s32 $0x5780, v1;
	v10 =	vor.u32 $0x800, v5  }
0xb: {  	s6 =	sshll.u32 s6, $0xA;
	v12 =	vor.u32 $0x1000, v5;
	v14 =	vor.u32 $0x1800, v5;
	v16 =	vor.u32 $0x2000, v5;
	s5 =	sadd.s32 s7, s5;
	s7 =	ssub.s32 s8, s31  }
0xc: {  	v18 =	vor.u32 $0x2800, v5;
	v20 =	vor.u32 $0x3000, v5;
	v22 =	vor.u32 $0x3800, v5;
	s8 =	simm.s32 $0x4;
	s5 =	sadd.s32 $0x7A2200, s5;
	s7 =	smax.u32 s7, $0x1  }
.LBB2_1:
0xd: {  	[tilespmem:s3], [sflag:$0x4] =	stream.linear.gather [hbm4b:s5+s3], $0x6400, $0x38;
	[tilespmem:$0x12600] =	vst v63  }
0xe: {  	_ =	swait.ge [sflag:s8], $0x6400  }
0xf: {  	[sflag:s8] =	ssyncset.done $0x0  }
0x10: {  	[sflag:s8] =	ssyncadd.s32 $0xFFFF9C00  }
0x11: {  	v24 =	vld.idx.msk [tilespmem:v1+s3+$0x0], $0xffff;
	_ =	sdelay $0x4  }
0x12: {  	v25 =	vshra.s32 v24, $0x1;
	v24 =	vshll.u32 v24, $0x6  }
0x13: {  	[tilespmem:$0x12400] =	vst v25;
	v24 =	vand.u32 $0x40, v24  }
0x14: {  	[tilespmem:$0x12500] =	vst v24  }
0x15: {  	v24 =	vld.idx.msk [tilespmem:v2+s3+$0x0], $0xffff;
	_ =	sdelay $0x4  }
0x16: {  	v57 =	vshra.s32 v24, $0x1;
	v24 =	vshll.u32 v24, $0x6  }
0x17: {  	[tilespmem:$0x12410] =	vst v57;
	v24 =	vand.u32 $0x40, v24  }
0x18: {  	[tilespmem:$0x12510] =	vst v24  }
0x19: {  	v24 =	vld.idx.msk [tilespmem:v3+s3+$0x0], $0xffff;
	_ =	sdelay $0x4  }
0x1a: {  	v58 =	vshra.s32 v24, $0x1;
	v24 =	vshll.u32 v24, $0x6  }
0x1b: {  	[tilespmem:$0x12420] =	vst v58;
	v24 =	vand.u32 $0x40, v24  }
0x1c: {  	[tilespmem:$0x12520] =	vst v24  }
0x1d: {  	v24 =	vld.idx.msk [tilespmem:v4+s3+$0x0], $0xffff;
	_ =	sdelay $0x4  }
0x1e: {  	v59 =	vshra.s32 v24, $0x1;
	v24 =	vshll.u32 v24, $0x6  }
0x1f: {  	[tilespmem:$0x12430] =	vst v59;
	v24 =	vand.u32 $0x40, v24  }
0x20: {  	[tilespmem:$0x12530] =	vst v24  }
0x21: {  	v24 =	vld.idx.msk [tilespmem:v6+s3+$0x0], $0xffff;
	_ =	sdelay $0x4  }
0x22: {  	v60 =	vshra.s32 v24, $0x1;
	v24 =	vshll.u32 v24, $0x6  }
0x23: {  	[tilespmem:$0x12440] =	vst v60;
	v24 =	vand.u32 $0x40, v24  }
0x24: {  	[tilespmem:$0x12540] =	vst v24  }
0x25: {  	v24 =	vld.idx.msk [tilespmem:v7+s3+$0x0], $0xffff;
	_ =	sdelay $0x4  }
0x26: {  	v61 =	vshra.s32 v24, $0x1;
	v24 =	vshll.u32 v24, $0x6  }
0x27: {  	[tilespmem:$0x12450] =	vst v61;
	v24 =	vand.u32 $0x40, v24  }
0x28: {  	[tilespmem:$0x12550] =	vst v24  }
0x29: {  	v24 =	vld.idx.msk [tilespmem:v8+s3+$0x0], $0xffff;
	_ =	sdelay $0x4  }
0x2a: {  	v62 =	vshra.s32 v24, $0x1;
	v24 =	vshll.u32 v24, $0x6  }
0x2b: {  	[tilespmem:$0x12460] =	vst v62;
	v24 =	vand.u32 $0x40, v24  }
0x2c: {  	[tilespmem:$0x12560] =	vst v24  }
0x2d: {  	v24 =	vld.idx.msk [tilespmem:v9+s3+$0x0], $0xffff;
	_ =	sdelay $0x4  }
0x2e: {  	v63 =	vshra.s32 v24, $0x1;
	v24 =	vshll.u32 v24, $0x6  }
0x2f: {  	[tilespmem:$0x12470] =	vst v63;
	v24 =	vand.u32 $0x40, v24  }
0x30: {  	s22 =	simm.s32 $0x0;
	[tilespmem:$0x12570] =	vst v24  }
0x31: {  	[tilespmem:s11], [sflag:$0x1] =	stream.indirect.gather [hbm4b:s4+s9], $0x80, s10, s9, $0xb8;
	[tilespmem:$0x12600] =	vst v63  }
.LBB2_2:
0x32: {  	s23 =	sshllo.u32 s22, $0x1  }
0x33: {  	v24 =	vadd.s32 s23, v1;
	_ =	sdelay $0x4  }
0x34: {  	v24 =	vld.idx.msk [tilespmem:v24+s3+$0x0], $0xffff  }
0x35: {  	s24 =	sshll.u32 s22, $0x1  }
0x36: {  	s25 =	sadd.s32 $0xC81, s24  }
0x37: {  	v25 =	vadd.s32 s25, v1;
	_ =	sdelay $0x1  }
0x38: {  	v26 =	vshra.s32 v24, $0x1;
	v24 =	vshll.u32 v24, $0x6  }
0x39: {  	[tilespmem:$0x12480] =	vst v26;
	v24 =	vand.u32 $0x40, v24  }
0x3a: {  	[tilespmem:$0x12580] =	vst v24  }
0x3b: {  	v24 =	vld.idx.msk [tilespmem:v25+s3+$0x0], $0xffff;
	_ =	sdelay $0x1  }
0x3c: {  	s29 =	sor.u32 $0x1901, s24  }
0x3d: {  	v25 =	vadd.s32 s29, v1;
	_ =	sdelay $0x1  }
0x3e: {  	v26 =	vshra.s32 v24, $0x1;
	v24 =	vshll.u32 v24, $0x6  }
0x3f: {  	[tilespmem:$0x12490] =	vst v26;
	v24 =	vand.u32 $0x40, v24  }
0x40: {  	[tilespmem:$0x12590] =	vst v24  }
0x41: {  	v24 =	vld.idx.msk [tilespmem:v25+s3+$0x0], $0xffff;
	_ =	sdelay $0x1  }
0x42: {  	s30 =	sadd.s32 $0x2581, s24  }
0x43: {  	v25 =	vadd.s32 s30, v1;
	_ =	sdelay $0x1  }
0x44: {  	v26 =	vshra.s32 v24, $0x1;
	v24 =	vshll.u32 v24, $0x6  }
0x45: {  	[tilespmem:$0x124A0] =	vst v26;
	v24 =	vand.u32 $0x40, v24  }
0x46: {  	[tilespmem:$0x125A0] =	vst v24  }
0x47: {  	v24 =	vld.idx.msk [tilespmem:v25+s3+$0x0], $0xffff;
	_ =	sdelay $0x1  }
0x48: {  	s31 =	sor.u32 $0x3201, s24  }
0x49: {  	v25 =	vadd.s32 s31, v1;
	_ =	sdelay $0x1  }
0x4a: {  	v26 =	vshra.s32 v24, $0x1;
	v24 =	vshll.u32 v24, $0x6  }
0x4b: {  	[tilespmem:$0x124B0] =	vst v26;
	v24 =	vand.u32 $0x40, v24  }
0x4c: {  	[tilespmem:$0x125B0] =	vst v24  }
0x4d: {  	v24 =	vld.idx.msk [tilespmem:v25+s3+$0x0], $0xffff;
	_ =	sdelay $0x1  }
0x4e: {  	s26 =	sadd.s32 $0x3E81, s24  }
0x4f: {  	v25 =	vadd.s32 s26, v1;
	_ =	sdelay $0x1  }
0x50: {  	v26 =	vshra.s32 v24, $0x1;
	v24 =	vshll.u32 v24, $0x6  }
0x51: {  	[tilespmem:$0x124C0] =	vst v26;
	v24 =	vand.u32 $0x40, v24  }
0x52: {  	[tilespmem:$0x125C0] =	vst v24  }
0x53: {  	v24 =	vld.idx.msk [tilespmem:v25+s3+$0x0], $0xffff;
	_ =	sdelay $0x1  }
0x54: {  	s28 =	sor.u32 $0x4B01, s24  }
0x55: {  	v25 =	vadd.s32 s28, v1;
	_ =	sdelay $0x1  }
0x56: {  	v26 =	vshra.s32 v24, $0x1;
	v24 =	vshll.u32 v24, $0x6  }
0x57: {  	[tilespmem:$0x124D0] =	vst v26;
	v24 =	vand.u32 $0x40, v24  }
0x58: {  	[tilespmem:$0x125D0] =	vst v24  }
0x59: {  	v24 =	vld.idx.msk [tilespmem:v25+s3+$0x0], $0xffff;
	_ =	sdelay $0x1  }
0x5a: {  	s29 =	sadd.s32 $0x5781, s24  }
0x5b: {  	v25 =	vadd.s32 s29, v1;
	_ =	sdelay $0x1  }
0x5c: {  	v26 =	vshra.s32 v24, $0x1;
	v24 =	vshll.u32 v24, $0x6  }
0x5d: {  	[tilespmem:$0x124E0] =	vst v26;
	v24 =	vand.u32 $0x40, v24  }
0x5e: {  	[tilespmem:$0x125E0] =	vst v24  }
0x5f: {  	v24 =	vld.idx.msk [tilespmem:v25+s3+$0x0], $0xffff;
	_ =	sdelay $0x4  }
0x60: {  	v25 =	vshra.s32 v24, $0x1;
	v24 =	vshll.u32 v24, $0x6  }
0x61: {  	[tilespmem:$0x124F0] =	vst v25;
	v24 =	vand.u32 $0x40, v24  }
0x62: {  	[tilespmem:$0x125F0] =	vst v24  }
0x63: {  	[tilespmem:s13], [sflag:$0x2] =	stream.indirect.gather [hbm4b:s4+s9], $0x80, s12, s9, $0xb8;
	[tilespmem:$0x12600] =	vst v63  }
0x64: {  	_ =	swait.ge [sflag:s14], $0x4000  }
0x65: {  	[sflag:s14] =	ssyncset.done $0x0  }
0x66: {  	[sflag:s14] =	ssyncadd.s32 $0xFFFFC000  }
0x67: {  	v31 =	vld [tilespmem:$0x12500];
	_ =	sdelay $0x1  }
0x68: {  	v30 =	vld [tilespmem:$0x12510]  }
0x69: {  	s30 =	simm.s32 $0x0;
	v29 =	vld [tilespmem:$0x12520]  }
0x6a: {  	v32 =	vxor.u32 s30, v0;
	v28 =	vld [tilespmem:$0x12530]  }
0x6b: {  	v27 =	vld [tilespmem:$0x12540];
	v24 =	vadd.s32 v31, v32  }
0x6c: {  	p0 =	seq.s32 s22, $0x0;
	v26 =	vld [tilespmem:$0x12550];
	v33 =	vadd.s32 v5, v24  }
0x6d: {  	s25 =	simm.s32 @!p0 $0x3;
	v25 =	vld [tilespmem:$0x12560]  }
0x6e: {  	v24 =	vld [tilespmem:$0x12570];
	_ =	swait.ge @!p0 [sflag:s25], $0x2000  }
0x6f: {  	[sflag:s25] =	ssyncset.done @!p0 $0x0  }
0x70: {  	v34 =	vshll.u32 v32, $0x7;
	[sflag:s25] =	ssyncadd.s32 @!p0 $0xFFFFE000  }
0x71: {  	v35 =	vor.u32 v0, v34;
	v36 =	vadd.s32 v30, v32;
	v33 =	vld.idx.msk [tilespmem:v33+s11+$0x0], $0xffff  }
0x72: {  	v36 =	vadd.s32 v10, v36;
	_ =	sdelay $0x3  }
0x73: {  	[tilespmem:v35+s15+$0x0] =	vst.idx.msk $0xffff, v33  }
0x74: {  	v61 =	vor.u32 v11, v34;
	v62 =	vadd.s32 v29, v32;
	v33 =	vld.idx.msk [tilespmem:v36+s11+$0x0], $0xffff  }
0x75: {  	v36 =	vadd.s32 v12, v62;
	_ =	sdelay $0x3  }
0x76: {  	[tilespmem:v61+s15+$0x0] =	vst.idx.msk $0xffff, v33  }
0x77: {  	v63 =	vor.u32 v13, v34;
	v40 =	vadd.s32 v28, v32;
	v33 =	vld.idx.msk [tilespmem:v36+s11+$0x0], $0xffff  }
0x78: {  	v36 =	vadd.s32 v14, v40;
	_ =	sdelay $0x3  }
0x79: {  	[tilespmem:v63+s15+$0x0] =	vst.idx.msk $0xffff, v33  }
0x7a: {  	v41 =	vor.u32 v15, v34;
	v42 =	vadd.s32 v27, v32;
	v33 =	vld.idx.msk [tilespmem:v36+s11+$0x0], $0xffff  }
0x7b: {  	v36 =	vadd.s32 v16, v42;
	_ =	sdelay $0x3  }
0x7c: {  	[tilespmem:v41+s15+$0x0] =	vst.idx.msk $0xffff, v33  }
0x7d: {  	v43 =	vor.u32 v17, v34;
	v44 =	vadd.s32 v26, v32;
	v33 =	vld.idx.msk [tilespmem:v36+s11+$0x0], $0xffff  }
0x7e: {  	v36 =	vadd.s32 v18, v44;
	_ =	sdelay $0x3  }
0x7f: {  	[tilespmem:v43+s15+$0x0] =	vst.idx.msk $0xffff, v33  }
0x80: {  	v45 =	vor.u32 v19, v34;
	v46 =	vadd.s32 v25, v32;
	v33 =	vld.idx.msk [tilespmem:v36+s11+$0x0], $0xffff  }
0x81: {  	v36 =	vadd.s32 v20, v46;
	_ =	sdelay $0x3  }
0x82: {  	[tilespmem:v45+s15+$0x0] =	vst.idx.msk $0xffff, v33  }
0x83: {  	v47 =	vor.u32 v21, v34;
	v32 =	vadd.s32 v24, v32;
	v33 =	vld.idx.msk [tilespmem:v36+s11+$0x0], $0xffff  }
0x84: {  	v32 =	vadd.s32 v22, v32;
	_ =	sdelay $0x2  }
0x85: {  	s31 =	simm.s32 $0x1  }
0x86: {  	v48 =	vxor.u32 s31, v0;
	[tilespmem:v47+s15+$0x0] =	vst.idx.msk $0xffff, v33  }
0x87: {  	v49 =	vor.u32 v23, v34;
	v50 =	vadd.s32 v31, v48;
	v32 =	vld.idx.msk [tilespmem:v32+s11+$0x0], $0xffff  }
0x88: {  	v34 =	vadd.s32 v5, v50;
	_ =	sdelay $0x3  }
0x89: {  	v33 =	vshll.u32 v48, $0x7;
	[tilespmem:v49+s15+$0x0] =	vst.idx.msk $0xffff, v32  }
0x8a: {  	v52 =	vadd.s32 v30, v48;
	v51 =	vor.u32 v0, v33;
	v32 =	vld.idx.msk [tilespmem:v34+s11+$0x0], $0xffff  }
0x8b: {  	v36 =	vadd.s32 v10, v52;
	_ =	sdelay $0x3  }
0x8c: {  	[tilespmem:v51+s15+$0x0] =	vst.idx.msk $0xffff, v32  }
0x8d: {  	v54 =	vadd.s32 v29, v48;
	v53 =	vor.u32 v11, v33;
	v32 =	vld.idx.msk [tilespmem:v36+s11+$0x0], $0xffff  }
0x8e: {  	v36 =	vadd.s32 v12, v54;
	_ =	sdelay $0x3  }
0x8f: {  	[tilespmem:v53+s15+$0x0] =	vst.idx.msk $0xffff, v32  }
0x90: {  	v56 =	vadd.s32 v28, v48;
	v55 =	vor.u32 v13, v33;
	v32 =	vld.idx.msk [tilespmem:v36+s11+$0x0], $0xffff  }
0x91: {  	v36 =	vadd.s32 v14, v56;
	_ =	sdelay $0x3  }
0x92: {  	[tilespmem:v55+s15+$0x0] =	vst.idx.msk $0xffff, v32  }
0x93: {  	v58 =	vadd.s32 v27, v48;
	v57 =	vor.u32 v15, v33;
	v32 =	vld.idx.msk [tilespmem:v36+s11+$0x0], $0xffff  }
0x94: {  	v36 =	vadd.s32 v16, v58;
	_ =	sdelay $0x3  }
0x95: {  	[tilespmem:v57+s15+$0x0] =	vst.idx.msk $0xffff, v32  }
0x96: {  	v60 =	vadd.s32 v26, v48;
	v59 =	vor.u32 v17, v33;
	v32 =	vld.idx.msk [tilespmem:v36+s11+$0x0], $0xffff  }
0x97: {  	v36 =	vadd.s32 v18, v60;
	_ =	sdelay $0x3  }
0x98: {  	[tilespmem:v59+s15+$0x0] =	vst.idx.msk $0xffff, v32  }
0x99: {  	v62 =	vadd.s32 v25, v48;
	v61 =	vor.u32 v19, v33;
	v32 =	vld.idx.msk [tilespmem:v36+s11+$0x0], $0xffff  }
0x9a: {  	v36 =	vadd.s32 v20, v62;
	_ =	sdelay $0x3  }
0x9b: {  	[tilespmem:v61+s15+$0x0] =	vst.idx.msk $0xffff, v32  }
0x9c: {  	v35 =	vadd.s32 v24, v48;
	v63 =	vor.u32 v21, v33;
	v32 =	vld.idx.msk [tilespmem:v36+s11+$0x0], $0xffff  }
0x9d: {  	v35 =	vadd.s32 v22, v35;
	_ =	sdelay $0x3  }
0x9e: {  	s25 =	simm.s32 $0x2;
	[tilespmem:v63+s15+$0x0] =	vst.idx.msk $0xffff, v32  }
0x9f: {  	s26 =	simm.s32 $0x4;
	v32 =	vxor.u32 s25, v0;
	v34 =	vld.idx.msk [tilespmem:v35+s11+$0x0], $0xffff  }
.LBB2_3:
0xa0: {  	p1 =	slt.u32 s26, $0x3E;
	v35 =	vadd.s32 v31, v32;
	v33 =	vor.u32 v23, v33  }
0xa1: {  	v35 =	vadd.s32 v5, v35;
	_ =	sdelay $0x3  }
0xa2: {  	[tilespmem:v33+s15+$0x0] =	vst.idx.msk $0xffff, v34  }
0xa3: {  	v34 =	vshll.u32 v32, $0x7;
	v33 =	vld.idx.msk [tilespmem:v35+s11+$0x0], $0xffff  }
0xa4: {  	v36 =	vadd.s32 v30, v32;
	v35 =	vor.u32 v0, v34  }
0xa5: {  	v36 =	vadd.s32 v10, v36;
	_ =	sdelay $0x3  }
0xa6: {  	[tilespmem:v35+s15+$0x0] =	vst.idx.msk $0xffff, v33  }
0xa7: {  	v33 =	vld.idx.msk [tilespmem:v36+s11+$0x0], $0xffff  }
0xa8: {  	v35 =	vor.u32 v11, v34;
	v36 =	vadd.s32 v29, v32  }
0xa9: {  	v36 =	vadd.s32 v12, v36;
	_ =	sdelay $0x3  }
0xaa: {  	[tilespmem:v35+s15+$0x0] =	vst.idx.msk $0xffff, v33  }
0xab: {  	v33 =	vld.idx.msk [tilespmem:v36+s11+$0x0], $0xffff  }
0xac: {  	v35 =	vor.u32 v13, v34;
	v36 =	vadd.s32 v28, v32  }
0xad: {  	v36 =	vadd.s32 v14, v36;
	_ =	sdelay $0x3  }
0xae: {  	[tilespmem:v35+s15+$0x0] =	vst.idx.msk $0xffff, v33  }
0xaf: {  	v33 =	vld.idx.msk [tilespmem:v36+s11+$0x0], $0xffff  }
0xb0: {  	v35 =	vor.u32 v15, v34;
	v36 =	vadd.s32 v27, v32  }
0xb1: {  	v36 =	vadd.s32 v16, v36;
	_ =	sdelay $0x3  }
0xb2: {  	[tilespmem:v35+s15+$0x0] =	vst.idx.msk $0xffff, v33  }
0xb3: {  	v33 =	vld.idx.msk [tilespmem:v36+s11+$0x0], $0xffff  }
0xb4: {  	v35 =	vor.u32 v17, v34;
	v36 =	vadd.s32 v26, v32  }
0xb5: {  	v36 =	vadd.s32 v18, v36;
	_ =	sdelay $0x3  }
0xb6: {  	[tilespmem:v35+s15+$0x0] =	vst.idx.msk $0xffff, v33  }
0xb7: {  	v33 =	vld.idx.msk [tilespmem:v36+s11+$0x0], $0xffff  }
0xb8: {  	v35 =	vor.u32 v19, v34;
	v36 =	vadd.s32 v25, v32  }
0xb9: {  	v36 =	vadd.s32 v20, v36;
	_ =	sdelay $0x3  }
0xba: {  	[tilespmem:v35+s15+$0x0] =	vst.idx.msk $0xffff, v33  }
0xbb: {  	v33 =	vld.idx.msk [tilespmem:v36+s11+$0x0], $0xffff  }
0xbc: {  	v32 =	vadd.s32 v24, v32;
	v35 =	vor.u32 v21, v34  }
0xbd: {  	v32 =	vadd.s32 v22, v32;
	_ =	sdelay $0x3  }
0xbe: {  	s28 =	sadd.s32 $0x1, s25;
	s25 =	smov.u32 s26;
	[tilespmem:v35+s15+$0x0] =	vst.idx.msk $0xffff, v33  }
0xbf: {  	v35 =	vxor.u32 s28, v0;
	v32 =	vld.idx.msk [tilespmem:v32+s11+$0x0], $0xffff  }
0xc0: {  	v33 =	vor.u32 v23, v34;
	v34 =	vadd.s32 v31, v35  }
0xc1: {  	v34 =	vadd.s32 v5, v34;
	_ =	sdelay $0x3  }
0xc2: {  	[tilespmem:v33+s15+$0x0] =	vst.idx.msk $0xffff, v32  }
0xc3: {  	v33 =	vshll.u32 v35, $0x7;
	v32 =	vld.idx.msk [tilespmem:v34+s11+$0x0], $0xffff  }
0xc4: {  	v36 =	vadd.s32 v30, v35;
	v34 =	vor.u32 v0, v33  }
0xc5: {  	v36 =	vadd.s32 v10, v36;
	_ =	sdelay $0x3  }
0xc6: {  	[tilespmem:v34+s15+$0x0] =	vst.idx.msk $0xffff, v32  }
0xc7: {  	v32 =	vld.idx.msk [tilespmem:v36+s11+$0x0], $0xffff  }
0xc8: {  	v34 =	vor.u32 v11, v33;
	v36 =	vadd.s32 v29, v35  }
0xc9: {  	v36 =	vadd.s32 v12, v36;
	_ =	sdelay $0x3  }
0xca: {  	[tilespmem:v34+s15+$0x0] =	vst.idx.msk $0xffff, v32  }
0xcb: {  	v32 =	vld.idx.msk [tilespmem:v36+s11+$0x0], $0xffff  }
0xcc: {  	v34 =	vor.u32 v13, v33;
	v36 =	vadd.s32 v28, v35  }
0xcd: {  	v36 =	vadd.s32 v14, v36;
	_ =	sdelay $0x3  }
0xce: {  	[tilespmem:v34+s15+$0x0] =	vst.idx.msk $0xffff, v32  }
0xcf: {  	v32 =	vld.idx.msk [tilespmem:v36+s11+$0x0], $0xffff  }
0xd0: {  	v34 =	vor.u32 v15, v33;
	v36 =	vadd.s32 v27, v35  }
0xd1: {  	v36 =	vadd.s32 v16, v36;
	_ =	sdelay $0x3  }
0xd2: {  	[tilespmem:v34+s15+$0x0] =	vst.idx.msk $0xffff, v32  }
0xd3: {  	v32 =	vld.idx.msk [tilespmem:v36+s11+$0x0], $0xffff  }
0xd4: {  	v34 =	vor.u32 v17, v33;
	v36 =	vadd.s32 v26, v35  }
0xd5: {  	v36 =	vadd.s32 v18, v36;
	_ =	sdelay $0x3  }
0xd6: {  	[tilespmem:v34+s15+$0x0] =	vst.idx.msk $0xffff, v32  }
0xd7: {  	v32 =	vld.idx.msk [tilespmem:v36+s11+$0x0], $0xffff  }
0xd8: {  	v34 =	vor.u32 v19, v33;
	v36 =	vadd.s32 v25, v35  }
0xd9: {  	v36 =	vadd.s32 v20, v36;
	_ =	sdelay $0x3  }
0xda: {  	[tilespmem:v34+s15+$0x0] =	vst.idx.msk $0xffff, v32  }
0xdb: {  	v32 =	vld.idx.msk [tilespmem:v36+s11+$0x0], $0xffff  }
0xdc: {  	v35 =	vadd.s32 v24, v35;
	v34 =	vor.u32 v21, v33  }
0xdd: {  	v35 =	vadd.s32 v22, v35  }
.Ltmp0:
0xde: {  	(pc) =	sbr.rel @p1 .LBB2_3-.Ltmp0, $3  }
0xdf: {  	_ =	sdelay $0x1  }
0xe0: {  	[tilespmem:v34+s15+$0x0] =	vst.idx.msk $0xffff, v32  }
0xe1: {  	s26 =	sadd.s32 $0x2, s26;
	v32 =	vxor.u32 s25, v0;
	v34 =	vld.idx.msk [tilespmem:v35+s11+$0x0], $0xffff  }
0xe2: {  	v35 =	vadd.s32 v31, v32;
	v33 =	vor.u32 v23, v33  }
0xe3: {  	v35 =	vadd.s32 v5, v35;
	_ =	sdelay $0x3  }
0xe4: {  	v56 =	vshll.u32 v32, $0x7;
	[tilespmem:v33+s15+$0x0] =	vst.idx.msk $0xffff, v34  }
0xe5: {  	v36 =	vadd.s32 v30, v32;
	v57 =	vor.u32 v0, v56;
	v34 =	vld.idx.msk [tilespmem:v35+s11+$0x0], $0xffff  }
0xe6: {  	v36 =	vadd.s32 v10, v36;
	_ =	sdelay $0x3  }
0xe7: {  	[tilespmem:v57+s15+$0x0] =	vst.idx.msk $0xffff, v34  }
0xe8: {  	v59 =	vadd.s32 v29, v32;
	v58 =	vor.u32 v11, v56;
	v34 =	vld.idx.msk [tilespmem:v36+s11+$0x0], $0xffff  }
0xe9: {  	v36 =	vadd.s32 v12, v59;
	_ =	sdelay $0x3  }
0xea: {  	[tilespmem:v58+s15+$0x0] =	vst.idx.msk $0xffff, v34  }
0xeb: {  	v61 =	vadd.s32 v28, v32;
	v60 =	vor.u32 v13, v56;
	v34 =	vld.idx.msk [tilespmem:v36+s11+$0x0], $0xffff  }
0xec: {  	v36 =	vadd.s32 v14, v61;
	_ =	sdelay $0x3  }
0xed: {  	[tilespmem:v60+s15+$0x0] =	vst.idx.msk $0xffff, v34  }
0xee: {  	v63 =	vadd.s32 v27, v32;
	v62 =	vor.u32 v15, v56;
	v34 =	vld.idx.msk [tilespmem:v36+s11+$0x0], $0xffff  }
0xef: {  	v36 =	vadd.s32 v16, v63;
	_ =	sdelay $0x3  }
0xf0: {  	[tilespmem:v62+s15+$0x0] =	vst.idx.msk $0xffff, v34  }
0xf1: {  	v41 =	vadd.s32 v26, v32;
	v40 =	vor.u32 v17, v56;
	v34 =	vld.idx.msk [tilespmem:v36+s11+$0x0], $0xffff  }
0xf2: {  	v36 =	vadd.s32 v18, v41;
	_ =	sdelay $0x3  }
0xf3: {  	[tilespmem:v40+s15+$0x0] =	vst.idx.msk $0xffff, v34  }
0xf4: {  	v43 =	vadd.s32 v25, v32;
	v42 =	vor.u32 v19, v56;
	v34 =	vld.idx.msk [tilespmem:v36+s11+$0x0], $0xffff  }
0xf5: {  	v36 =	vadd.s32 v20, v43;
	_ =	sdelay $0x3  }
0xf6: {  	[tilespmem:v42+s15+$0x0] =	vst.idx.msk $0xffff, v34  }
0xf7: {  	v45 =	vadd.s32 v24, v32;
	v44 =	vor.u32 v21, v56;
	v34 =	vld.idx.msk [tilespmem:v36+s11+$0x0], $0xffff  }
0xf8: {  	v32 =	vadd.s32 v22, v45;
	_ =	sdelay $0x2  }
0xf9: {  	s25 =	sadd.s32 $0x1, s25  }
0xfa: {  	v46 =	vxor.u32 s25, v0;
	[tilespmem:v44+s15+$0x0] =	vst.idx.msk $0xffff, v34  }
0xfb: {  	v47 =	vadd.s32 v31, v46;
	v33 =	vor.u32 v23, v56;
	v32 =	vld.idx.msk [tilespmem:v32+s11+$0x0], $0xffff  }
0xfc: {  	v31 =	vadd.s32 v5, v47;
	_ =	sdelay $0x3  }
0xfd: {  	v48 =	vshll.u32 v46, $0x7;
	[tilespmem:v33+s15+$0x0] =	vst.idx.msk $0xffff, v32  }
0xfe: {  	v50 =	vadd.s32 v30, v46;
	v49 =	vor.u32 v0, v48;
	v31 =	vld.idx.msk [tilespmem:v31+s11+$0x0], $0xffff  }
0xff: {  	v30 =	vadd.s32 v10, v50;
	_ =	sdelay $0x3  }
0x100: {  	[tilespmem:v49+s15+$0x0] =	vst.idx.msk $0xffff, v31  }
0x101: {  	v52 =	vadd.s32 v29, v46;
	v51 =	vor.u32 v11, v48;
	v30 =	vld.idx.msk [tilespmem:v30+s11+$0x0], $0xffff  }
0x102: {  	v29 =	vadd.s32 v12, v52;
	_ =	sdelay $0x3  }
0x103: {  	[tilespmem:v51+s15+$0x0] =	vst.idx.msk $0xffff, v30  }
0x104: {  	v54 =	vadd.s32 v28, v46;
	v53 =	vor.u32 v13, v48;
	v29 =	vld.idx.msk [tilespmem:v29+s11+$0x0], $0xffff  }
0x105: {  	v28 =	vadd.s32 v14, v54;
	_ =	sdelay $0x3  }
0x106: {  	[tilespmem:v53+s15+$0x0] =	vst.idx.msk $0xffff, v29  }
0x107: {  	v55 =	vor.u32 v15, v48;
	v56 =	vadd.s32 v27, v46;
	v28 =	vld.idx.msk [tilespmem:v28+s11+$0x0], $0xffff  }
0x108: {  	v27 =	vadd.s32 v16, v56;
	_ =	sdelay $0x3  }
0x109: {  	[tilespmem:v55+s15+$0x0] =	vst.idx.msk $0xffff, v28  }
0x10a: {  	v57 =	vor.u32 v17, v48;
	v58 =	vadd.s32 v26, v46;
	v27 =	vld.idx.msk [tilespmem:v27+s11+$0x0], $0xffff  }
0x10b: {  	v26 =	vadd.s32 v18, v58;
	_ =	sdelay $0x3  }
0x10c: {  	[tilespmem:v57+s15+$0x0] =	vst.idx.msk $0xffff, v27  }
0x10d: {  	v59 =	vor.u32 v19, v48;
	v60 =	vadd.s32 v25, v46;
	v26 =	vld.idx.msk [tilespmem:v26+s11+$0x0], $0xffff  }
0x10e: {  	v25 =	vadd.s32 v20, v60;
	_ =	sdelay $0x3  }
0x10f: {  	[tilespmem:v59+s15+$0x0] =	vst.idx.msk $0xffff, v26  }
0x110: {  	v61 =	vor.u32 v21, v48;
	v62 =	vadd.s32 v24, v46;
	v25 =	vld.idx.msk [tilespmem:v25+s11+$0x0], $0xffff  }
0x111: {  	v24 =	vadd.s32 v22, v62;
	_ =	sdelay $0x3  }
0x112: {  	[tilespmem:v61+s15+$0x0] =	vst.idx.msk $0xffff, v25  }
0x113: {  	v63 =	vor.u32 v23, v48;
	v24 =	vld.idx.msk [tilespmem:v24+s11+$0x0], $0xffff  }
0x114: {  	p1 =	seq.s32 s22, $0x63  }
.Ltmp1:
0x115: {  	s31 =	sshll.u32 s22, $0x13;
	(pc) =	sbr.rel @p1 .LBB2_6-.Ltmp1, $4  }
0x116: {  	s25 =	sor.u32 s6, s31  }
0x117: {  	s25 =	sshrl.u32 s25, $0x3  }
0x118: {  	s25 =	sadd.s32 s2, s25;
	[tilespmem:v63+s15+$0x0] =	vst.idx.msk $0xffff, v24  }
0x119: {  	[hbm4b:s25+s16] =	stream.strided.scatter [tilespmem:s15], [sflag:$0x3], $0x2000, s17, s16, $0x38;
	[tilespmem:$0x12600] =	vst v63  }
0x11a: {  	s25 =	sadd.s32 $0x2, s24  }
0x11b: {  	v24 =	vadd.s32 s25, v1;
	_ =	sdelay $0x4  }
0x11c: {  	v24 =	vld.idx.msk [tilespmem:v24+s3+$0x0], $0xffff;
	_ =	sdelay $0x1  }
0x11d: {  	s30 =	sadd.s32 $0xC82, s24  }
0x11e: {  	v25 =	vadd.s32 s30, v1;
	_ =	sdelay $0x1  }
0x11f: {  	v26 =	vshra.s32 v24, $0x1;
	v24 =	vshll.u32 v24, $0x6  }
0x120: {  	[tilespmem:$0x12400] =	vst v26;
	v24 =	vand.u32 $0x40, v24  }
0x121: {  	[tilespmem:$0x12500] =	vst v24  }
0x122: {  	v24 =	vld.idx.msk [tilespmem:v25+s3+$0x0], $0xffff;
	_ =	sdelay $0x1  }
0x123: {  	s31 =	sadd.s32 $0x1902, s24  }
0x124: {  	v52 =	vadd.s32 s31, v1;
	_ =	sdelay $0x1  }
0x125: {  	v53 =	vshra.s32 v24, $0x1;
	v24 =	vshll.u32 v24, $0x6  }
0x126: {  	[tilespmem:$0x12410] =	vst v53;
	v24 =	vand.u32 $0x40, v24  }
0x127: {  	[tilespmem:$0x12510] =	vst v24  }
0x128: {  	v24 =	vld.idx.msk [tilespmem:v52+s3+$0x0], $0xffff;
	_ =	sdelay $0x1  }
0x129: {  	s26 =	sadd.s32 $0x2582, s24  }
0x12a: {  	v54 =	vadd.s32 s26, v1;
	_ =	sdelay $0x1  }
0x12b: {  	v55 =	vshra.s32 v24, $0x1;
	v24 =	vshll.u32 v24, $0x6  }
0x12c: {  	[tilespmem:$0x12420] =	vst v55;
	v24 =	vand.u32 $0x40, v24  }
0x12d: {  	[tilespmem:$0x12520] =	vst v24  }
0x12e: {  	v24 =	vld.idx.msk [tilespmem:v54+s3+$0x0], $0xffff;
	_ =	sdelay $0x1  }
0x12f: {  	s28 =	sadd.s32 $0x3202, s24  }
0x130: {  	v56 =	vadd.s32 s28, v1;
	_ =	sdelay $0x1  }
0x131: {  	v57 =	vshra.s32 v24, $0x1;
	v24 =	vshll.u32 v24, $0x6  }
0x132: {  	[tilespmem:$0x12430] =	vst v57;
	v24 =	vand.u32 $0x40, v24  }
0x133: {  	[tilespmem:$0x12530] =	vst v24  }
0x134: {  	v24 =	vld.idx.msk [tilespmem:v56+s3+$0x0], $0xffff;
	_ =	sdelay $0x1  }
0x135: {  	s29 =	sadd.s32 $0x3E82, s24  }
0x136: {  	v58 =	vadd.s32 s29, v1;
	_ =	sdelay $0x1  }
0x137: {  	v59 =	vshra.s32 v24, $0x1;
	v24 =	vshll.u32 v24, $0x6  }
0x138: {  	[tilespmem:$0x12440] =	vst v59;
	v24 =	vand.u32 $0x40, v24  }
0x139: {  	[tilespmem:$0x12540] =	vst v24  }
0x13a: {  	v24 =	vld.idx.msk [tilespmem:v58+s3+$0x0], $0xffff;
	_ =	sdelay $0x1  }
0x13b: {  	s30 =	sadd.s32 $0x4B02, s24  }
0x13c: {  	v60 =	vadd.s32 s30, v1;
	_ =	sdelay $0x1  }
0x13d: {  	v61 =	vshra.s32 v24, $0x1;
	v24 =	vshll.u32 v24, $0x6  }
0x13e: {  	[tilespmem:$0x12450] =	vst v61;
	v24 =	vand.u32 $0x40, v24  }
0x13f: {  	[tilespmem:$0x12550] =	vst v24  }
0x140: {  	v24 =	vld.idx.msk [tilespmem:v60+s3+$0x0], $0xffff;
	_ =	sdelay $0x1  }
0x141: {  	s31 =	sadd.s32 $0x5782, s24  }
0x142: {  	v62 =	vadd.s32 s31, v1;
	_ =	sdelay $0x1  }
0x143: {  	v63 =	vshra.s32 v24, $0x1;
	v24 =	vshll.u32 v24, $0x6  }
0x144: {  	[tilespmem:$0x12460] =	vst v63;
	v24 =	vand.u32 $0x40, v24  }
0x145: {  	[tilespmem:$0x12560] =	vst v24  }
0x146: {  	v24 =	vld.idx.msk [tilespmem:v62+s3+$0x0], $0xffff;
	_ =	sdelay $0x4  }
0x147: {  	v25 =	vshra.s32 v24, $0x1;
	v24 =	vshll.u32 v24, $0x6  }
0x148: {  	[tilespmem:$0x12470] =	vst v25;
	v24 =	vand.u32 $0x40, v24  }
0x149: {  	[tilespmem:$0x12570] =	vst v24  }
0x14a: {  	[tilespmem:s11], [sflag:$0x1] =	stream.indirect.gather [hbm4b:s4+s9], $0x80, s10, s9, $0xb8;
	[tilespmem:$0x12600] =	vst v63  }
.LBB2_6:
0x14b: {  	_ =	swait.ge [sflag:s18], $0x4000  }
0x14c: {  	[sflag:s18] =	ssyncset.done $0x0  }
0x14d: {  	[sflag:s18] =	ssyncadd.s32 $0xFFFFC000  }
0x14e: {  	v31 =	vld [tilespmem:$0x12580];
	_ =	sdelay $0x1  }
0x14f: {  	v30 =	vld [tilespmem:$0x12590]  }
0x150: {  	s24 =	simm.s32 $0x0;
	v29 =	vld [tilespmem:$0x125A0]  }
0x151: {  	v32 =	vxor.u32 s24, v0;
	v28 =	vld [tilespmem:$0x125B0]  }
0x152: {  	v27 =	vld [tilespmem:$0x125C0];
	v24 =	vadd.s32 v31, v32  }
0x153: {  	v26 =	vld [tilespmem:$0x125D0];
	v33 =	vadd.s32 v5, v24  }
0x154: {  	s24 =	simm.s32 @!p0 $0x3;
	v25 =	vld [tilespmem:$0x125E0]  }
0x155: {  	v24 =	vld [tilespmem:$0x125F0];
	_ =	swait.ge @!p0 [sflag:s24], $0x2000  }
0x156: {  	[sflag:s24] =	ssyncset.done @!p0 $0x0  }
0x157: {  	v34 =	vshll.u32 v32, $0x7;
	[sflag:s24] =	ssyncadd.s32 @!p0 $0xFFFFE000  }
0x158: {  	v35 =	vor.u32 v0, v34;
	v36 =	vadd.s32 v30, v32;
	v33 =	vld.idx.msk [tilespmem:v33+s13+$0x0], $0xffff  }
0x159: {  	v36 =	vadd.s32 v10, v36;
	_ =	sdelay $0x3  }
0x15a: {  	[tilespmem:v35+s19+$0x0] =	vst.idx.msk $0xffff, v33  }
0x15b: {  	v61 =	vor.u32 v11, v34;
	v62 =	vadd.s32 v29, v32;
	v33 =	vld.idx.msk [tilespmem:v36+s13+$0x0], $0xffff  }
0x15c: {  	v36 =	vadd.s32 v12, v62;
	_ =	sdelay $0x3  }
0x15d: {  	[tilespmem:v61+s19+$0x0] =	vst.idx.msk $0xffff, v33  }
0x15e: {  	v63 =	vor.u32 v13, v34;
	v40 =	vadd.s32 v28, v32;
	v33 =	vld.idx.msk [tilespmem:v36+s13+$0x0], $0xffff  }
0x15f: {  	v36 =	vadd.s32 v14, v40;
	_ =	sdelay $0x3  }
0x160: {  	[tilespmem:v63+s19+$0x0] =	vst.idx.msk $0xffff, v33  }
0x161: {  	v41 =	vor.u32 v15, v34;
	v42 =	vadd.s32 v27, v32;
	v33 =	vld.idx.msk [tilespmem:v36+s13+$0x0], $0xffff  }
0x162: {  	v36 =	vadd.s32 v16, v42;
	_ =	sdelay $0x3  }
0x163: {  	[tilespmem:v41+s19+$0x0] =	vst.idx.msk $0xffff, v33  }
0x164: {  	v43 =	vor.u32 v17, v34;
	v44 =	vadd.s32 v26, v32;
	v33 =	vld.idx.msk [tilespmem:v36+s13+$0x0], $0xffff  }
0x165: {  	v36 =	vadd.s32 v18, v44;
	_ =	sdelay $0x3  }
0x166: {  	[tilespmem:v43+s19+$0x0] =	vst.idx.msk $0xffff, v33  }
0x167: {  	v45 =	vor.u32 v19, v34;
	v46 =	vadd.s32 v25, v32;
	v33 =	vld.idx.msk [tilespmem:v36+s13+$0x0], $0xffff  }
0x168: {  	v36 =	vadd.s32 v20, v46;
	_ =	sdelay $0x3  }
0x169: {  	[tilespmem:v45+s19+$0x0] =	vst.idx.msk $0xffff, v33  }
0x16a: {  	v47 =	vor.u32 v21, v34;
	v32 =	vadd.s32 v24, v32;
	v33 =	vld.idx.msk [tilespmem:v36+s13+$0x0], $0xffff  }
0x16b: {  	v32 =	vadd.s32 v22, v32;
	_ =	sdelay $0x2  }
0x16c: {  	s31 =	simm.s32 $0x1  }
0x16d: {  	v48 =	vxor.u32 s31, v0;
	[tilespmem:v47+s19+$0x0] =	vst.idx.msk $0xffff, v33  }
0x16e: {  	v49 =	vor.u32 v23, v34;
	v50 =	vadd.s32 v31, v48;
	v32 =	vld.idx.msk [tilespmem:v32+s13+$0x0], $0xffff  }
0x16f: {  	v34 =	vadd.s32 v5, v50;
	_ =	sdelay $0x3  }
0x170: {  	v33 =	vshll.u32 v48, $0x7;
	[tilespmem:v49+s19+$0x0] =	vst.idx.msk $0xffff, v32  }
0x171: {  	v52 =	vadd.s32 v30, v48;
	v51 =	vor.u32 v0, v33;
	v32 =	vld.idx.msk [tilespmem:v34+s13+$0x0], $0xffff  }
0x172: {  	v36 =	vadd.s32 v10, v52;
	_ =	sdelay $0x3  }
0x173: {  	[tilespmem:v51+s19+$0x0] =	vst.idx.msk $0xffff, v32  }
0x174: {  	v54 =	vadd.s32 v29, v48;
	v53 =	vor.u32 v11, v33;
	v32 =	vld.idx.msk [tilespmem:v36+s13+$0x0], $0xffff  }
0x175: {  	v36 =	vadd.s32 v12, v54;
	_ =	sdelay $0x3  }
0x176: {  	[tilespmem:v53+s19+$0x0] =	vst.idx.msk $0xffff, v32  }
0x177: {  	v56 =	vadd.s32 v28, v48;
	v55 =	vor.u32 v13, v33;
	v32 =	vld.idx.msk [tilespmem:v36+s13+$0x0], $0xffff  }
0x178: {  	v36 =	vadd.s32 v14, v56;
	_ =	sdelay $0x3  }
0x179: {  	[tilespmem:v55+s19+$0x0] =	vst.idx.msk $0xffff, v32  }
0x17a: {  	v58 =	vadd.s32 v27, v48;
	v57 =	vor.u32 v15, v33;
	v32 =	vld.idx.msk [tilespmem:v36+s13+$0x0], $0xffff  }
0x17b: {  	v36 =	vadd.s32 v16, v58;
	_ =	sdelay $0x3  }
0x17c: {  	[tilespmem:v57+s19+$0x0] =	vst.idx.msk $0xffff, v32  }
0x17d: {  	v60 =	vadd.s32 v26, v48;
	v59 =	vor.u32 v17, v33;
	v32 =	vld.idx.msk [tilespmem:v36+s13+$0x0], $0xffff  }
0x17e: {  	v36 =	vadd.s32 v18, v60;
	_ =	sdelay $0x3  }
0x17f: {  	[tilespmem:v59+s19+$0x0] =	vst.idx.msk $0xffff, v32  }
0x180: {  	v62 =	vadd.s32 v25, v48;
	v61 =	vor.u32 v19, v33;
	v32 =	vld.idx.msk [tilespmem:v36+s13+$0x0], $0xffff  }
0x181: {  	v36 =	vadd.s32 v20, v62;
	_ =	sdelay $0x3  }
0x182: {  	[tilespmem:v61+s19+$0x0] =	vst.idx.msk $0xffff, v32  }
0x183: {  	v35 =	vadd.s32 v24, v48;
	v63 =	vor.u32 v21, v33;
	v32 =	vld.idx.msk [tilespmem:v36+s13+$0x0], $0xffff  }
0x184: {  	v35 =	vadd.s32 v22, v35;
	_ =	sdelay $0x3  }
0x185: {  	s24 =	simm.s32 $0x2;
	[tilespmem:v63+s19+$0x0] =	vst.idx.msk $0xffff, v32  }
0x186: {  	s25 =	simm.s32 $0x4;
	v32 =	vxor.u32 s24, v0;
	v34 =	vld.idx.msk [tilespmem:v35+s13+$0x0], $0xffff  }
.LBB2_7:
0x187: {  	p0 =	slt.u32 s25, $0x3E;
	v35 =	vadd.s32 v31, v32;
	v33 =	vor.u32 v23, v33  }
0x188: {  	v35 =	vadd.s32 v5, v35;
	_ =	sdelay $0x3  }
0x189: {  	[tilespmem:v33+s19+$0x0] =	vst.idx.msk $0xffff, v34  }
0x18a: {  	v34 =	vshll.u32 v32, $0x7;
	v33 =	vld.idx.msk [tilespmem:v35+s13+$0x0], $0xffff  }
0x18b: {  	v36 =	vadd.s32 v30, v32;
	v35 =	vor.u32 v0, v34  }
0x18c: {  	v36 =	vadd.s32 v10, v36;
	_ =	sdelay $0x3  }
0x18d: {  	[tilespmem:v35+s19+$0x0] =	vst.idx.msk $0xffff, v33  }
0x18e: {  	v33 =	vld.idx.msk [tilespmem:v36+s13+$0x0], $0xffff  }
0x18f: {  	v35 =	vor.u32 v11, v34;
	v36 =	vadd.s32 v29, v32  }
0x190: {  	v36 =	vadd.s32 v12, v36;
	_ =	sdelay $0x3  }
0x191: {  	[tilespmem:v35+s19+$0x0] =	vst.idx.msk $0xffff, v33  }
0x192: {  	v33 =	vld.idx.msk [tilespmem:v36+s13+$0x0], $0xffff  }
0x193: {  	v35 =	vor.u32 v13, v34;
	v36 =	vadd.s32 v28, v32  }
0x194: {  	v36 =	vadd.s32 v14, v36;
	_ =	sdelay $0x3  }
0x195: {  	[tilespmem:v35+s19+$0x0] =	vst.idx.msk $0xffff, v33  }
0x196: {  	v33 =	vld.idx.msk [tilespmem:v36+s13+$0x0], $0xffff  }
0x197: {  	v35 =	vor.u32 v15, v34;
	v36 =	vadd.s32 v27, v32  }
0x198: {  	v36 =	vadd.s32 v16, v36;
	_ =	sdelay $0x3  }
0x199: {  	[tilespmem:v35+s19+$0x0] =	vst.idx.msk $0xffff, v33  }
0x19a: {  	v33 =	vld.idx.msk [tilespmem:v36+s13+$0x0], $0xffff  }
0x19b: {  	v35 =	vor.u32 v17, v34;
	v36 =	vadd.s32 v26, v32  }
0x19c: {  	v36 =	vadd.s32 v18, v36;
	_ =	sdelay $0x3  }
0x19d: {  	[tilespmem:v35+s19+$0x0] =	vst.idx.msk $0xffff, v33  }
0x19e: {  	v33 =	vld.idx.msk [tilespmem:v36+s13+$0x0], $0xffff  }
0x19f: {  	v35 =	vor.u32 v19, v34;
	v36 =	vadd.s32 v25, v32  }
0x1a0: {  	v36 =	vadd.s32 v20, v36;
	_ =	sdelay $0x3  }
0x1a1: {  	[tilespmem:v35+s19+$0x0] =	vst.idx.msk $0xffff, v33  }
0x1a2: {  	v33 =	vld.idx.msk [tilespmem:v36+s13+$0x0], $0xffff  }
0x1a3: {  	v32 =	vadd.s32 v24, v32;
	v35 =	vor.u32 v21, v34  }
0x1a4: {  	v32 =	vadd.s32 v22, v32;
	_ =	sdelay $0x3  }
0x1a5: {  	s26 =	sadd.s32 $0x1, s24;
	s24 =	smov.u32 s25;
	[tilespmem:v35+s19+$0x0] =	vst.idx.msk $0xffff, v33  }
0x1a6: {  	v35 =	vxor.u32 s26, v0;
	v32 =	vld.idx.msk [tilespmem:v32+s13+$0x0], $0xffff  }
0x1a7: {  	v33 =	vor.u32 v23, v34;
	v34 =	vadd.s32 v31, v35  }
0x1a8: {  	v34 =	vadd.s32 v5, v34;
	_ =	sdelay $0x3  }
0x1a9: {  	[tilespmem:v33+s19+$0x0] =	vst.idx.msk $0xffff, v32  }
0x1aa: {  	v33 =	vshll.u32 v35, $0x7;
	v32 =	vld.idx.msk [tilespmem:v34+s13+$0x0], $0xffff  }
0x1ab: {  	v36 =	vadd.s32 v30, v35;
	v34 =	vor.u32 v0, v33  }
0x1ac: {  	v36 =	vadd.s32 v10, v36;
	_ =	sdelay $0x3  }
0x1ad: {  	[tilespmem:v34+s19+$0x0] =	vst.idx.msk $0xffff, v32  }
0x1ae: {  	v32 =	vld.idx.msk [tilespmem:v36+s13+$0x0], $0xffff  }
0x1af: {  	v34 =	vor.u32 v11, v33;
	v36 =	vadd.s32 v29, v35  }
0x1b0: {  	v36 =	vadd.s32 v12, v36;
	_ =	sdelay $0x3  }
0x1b1: {  	[tilespmem:v34+s19+$0x0] =	vst.idx.msk $0xffff, v32  }
0x1b2: {  	v32 =	vld.idx.msk [tilespmem:v36+s13+$0x0], $0xffff  }
0x1b3: {  	v34 =	vor.u32 v13, v33;
	v36 =	vadd.s32 v28, v35  }
0x1b4: {  	v36 =	vadd.s32 v14, v36;
	_ =	sdelay $0x3  }
0x1b5: {  	[tilespmem:v34+s19+$0x0] =	vst.idx.msk $0xffff, v32  }
0x1b6: {  	v32 =	vld.idx.msk [tilespmem:v36+s13+$0x0], $0xffff  }
0x1b7: {  	v34 =	vor.u32 v15, v33;
	v36 =	vadd.s32 v27, v35  }
0x1b8: {  	v36 =	vadd.s32 v16, v36;
	_ =	sdelay $0x3  }
0x1b9: {  	[tilespmem:v34+s19+$0x0] =	vst.idx.msk $0xffff, v32  }
0x1ba: {  	v32 =	vld.idx.msk [tilespmem:v36+s13+$0x0], $0xffff  }
0x1bb: {  	v34 =	vor.u32 v17, v33;
	v36 =	vadd.s32 v26, v35  }
0x1bc: {  	v36 =	vadd.s32 v18, v36;
	_ =	sdelay $0x3  }
0x1bd: {  	[tilespmem:v34+s19+$0x0] =	vst.idx.msk $0xffff, v32  }
0x1be: {  	v32 =	vld.idx.msk [tilespmem:v36+s13+$0x0], $0xffff  }
0x1bf: {  	v34 =	vor.u32 v19, v33;
	v36 =	vadd.s32 v25, v35  }
0x1c0: {  	v36 =	vadd.s32 v20, v36;
	_ =	sdelay $0x3  }
0x1c1: {  	[tilespmem:v34+s19+$0x0] =	vst.idx.msk $0xffff, v32  }
0x1c2: {  	v32 =	vld.idx.msk [tilespmem:v36+s13+$0x0], $0xffff  }
0x1c3: {  	v35 =	vadd.s32 v24, v35;
	v34 =	vor.u32 v21, v33  }
0x1c4: {  	v35 =	vadd.s32 v22, v35  }
.Ltmp2:
0x1c5: {  	(pc) =	sbr.rel @p0 .LBB2_7-.Ltmp2, $3  }
0x1c6: {  	_ =	sdelay $0x1  }
0x1c7: {  	[tilespmem:v34+s19+$0x0] =	vst.idx.msk $0xffff, v32  }
0x1c8: {  	s25 =	sadd.s32 $0x2, s25;
	v32 =	vxor.u32 s24, v0;
	v34 =	vld.idx.msk [tilespmem:v35+s13+$0x0], $0xffff  }
0x1c9: {  	v35 =	vadd.s32 v31, v32;
	v33 =	vor.u32 v23, v33  }
0x1ca: {  	v35 =	vadd.s32 v5, v35;
	_ =	sdelay $0x3  }
0x1cb: {  	v56 =	vshll.u32 v32, $0x7;
	[tilespmem:v33+s19+$0x0] =	vst.idx.msk $0xffff, v34  }
0x1cc: {  	v36 =	vadd.s32 v30, v32;
	v57 =	vor.u32 v0, v56;
	v34 =	vld.idx.msk [tilespmem:v35+s13+$0x0], $0xffff  }
0x1cd: {  	v36 =	vadd.s32 v10, v36;
	_ =	sdelay $0x3  }
0x1ce: {  	[tilespmem:v57+s19+$0x0] =	vst.idx.msk $0xffff, v34  }
0x1cf: {  	v59 =	vadd.s32 v29, v32;
	v58 =	vor.u32 v11, v56;
	v34 =	vld.idx.msk [tilespmem:v36+s13+$0x0], $0xffff  }
0x1d0: {  	v36 =	vadd.s32 v12, v59;
	_ =	sdelay $0x3  }
0x1d1: {  	[tilespmem:v58+s19+$0x0] =	vst.idx.msk $0xffff, v34  }
0x1d2: {  	v61 =	vadd.s32 v28, v32;
	v60 =	vor.u32 v13, v56;
	v34 =	vld.idx.msk [tilespmem:v36+s13+$0x0], $0xffff  }
0x1d3: {  	v36 =	vadd.s32 v14, v61;
	_ =	sdelay $0x3  }
0x1d4: {  	[tilespmem:v60+s19+$0x0] =	vst.idx.msk $0xffff, v34  }
0x1d5: {  	v63 =	vadd.s32 v27, v32;
	v62 =	vor.u32 v15, v56;
	v34 =	vld.idx.msk [tilespmem:v36+s13+$0x0], $0xffff  }
0x1d6: {  	v36 =	vadd.s32 v16, v63;
	_ =	sdelay $0x3  }
0x1d7: {  	[tilespmem:v62+s19+$0x0] =	vst.idx.msk $0xffff, v34  }
0x1d8: {  	v41 =	vadd.s32 v26, v32;
	v40 =	vor.u32 v17, v56;
	v34 =	vld.idx.msk [tilespmem:v36+s13+$0x0], $0xffff  }
0x1d9: {  	v36 =	vadd.s32 v18, v41;
	_ =	sdelay $0x3  }
0x1da: {  	[tilespmem:v40+s19+$0x0] =	vst.idx.msk $0xffff, v34  }
0x1db: {  	v43 =	vadd.s32 v25, v32;
	v42 =	vor.u32 v19, v56;
	v34 =	vld.idx.msk [tilespmem:v36+s13+$0x0], $0xffff  }
0x1dc: {  	v36 =	vadd.s32 v20, v43;
	_ =	sdelay $0x3  }
0x1dd: {  	[tilespmem:v42+s19+$0x0] =	vst.idx.msk $0xffff, v34  }
0x1de: {  	v45 =	vadd.s32 v24, v32;
	v44 =	vor.u32 v21, v56;
	v34 =	vld.idx.msk [tilespmem:v36+s13+$0x0], $0xffff  }
0x1df: {  	v32 =	vadd.s32 v22, v45;
	_ =	sdelay $0x2  }
0x1e0: {  	s24 =	sadd.s32 $0x1, s24  }
0x1e1: {  	v46 =	vxor.u32 s24, v0;
	[tilespmem:v44+s19+$0x0] =	vst.idx.msk $0xffff, v34  }
0x1e2: {  	v47 =	vadd.s32 v31, v46;
	v33 =	vor.u32 v23, v56;
	v32 =	vld.idx.msk [tilespmem:v32+s13+$0x0], $0xffff  }
0x1e3: {  	v31 =	vadd.s32 v5, v47;
	_ =	sdelay $0x3  }
0x1e4: {  	v48 =	vshll.u32 v46, $0x7;
	[tilespmem:v33+s19+$0x0] =	vst.idx.msk $0xffff, v32  }
0x1e5: {  	v50 =	vadd.s32 v30, v46;
	v49 =	vor.u32 v0, v48;
	v31 =	vld.idx.msk [tilespmem:v31+s13+$0x0], $0xffff  }
0x1e6: {  	v30 =	vadd.s32 v10, v50;
	_ =	sdelay $0x3  }
0x1e7: {  	[tilespmem:v49+s19+$0x0] =	vst.idx.msk $0xffff, v31  }
0x1e8: {  	v52 =	vadd.s32 v29, v46;
	v51 =	vor.u32 v11, v48;
	v30 =	vld.idx.msk [tilespmem:v30+s13+$0x0], $0xffff  }
0x1e9: {  	v29 =	vadd.s32 v12, v52;
	_ =	sdelay $0x3  }
0x1ea: {  	[tilespmem:v51+s19+$0x0] =	vst.idx.msk $0xffff, v30  }
0x1eb: {  	v54 =	vadd.s32 v28, v46;
	v53 =	vor.u32 v13, v48;
	v29 =	vld.idx.msk [tilespmem:v29+s13+$0x0], $0xffff  }
0x1ec: {  	v28 =	vadd.s32 v14, v54;
	_ =	sdelay $0x3  }
0x1ed: {  	[tilespmem:v53+s19+$0x0] =	vst.idx.msk $0xffff, v29  }
0x1ee: {  	v55 =	vor.u32 v15, v48;
	v56 =	vadd.s32 v27, v46;
	v28 =	vld.idx.msk [tilespmem:v28+s13+$0x0], $0xffff  }
0x1ef: {  	v27 =	vadd.s32 v16, v56;
	_ =	sdelay $0x3  }
0x1f0: {  	[tilespmem:v55+s19+$0x0] =	vst.idx.msk $0xffff, v28  }
0x1f1: {  	v57 =	vor.u32 v17, v48;
	v58 =	vadd.s32 v26, v46;
	v27 =	vld.idx.msk [tilespmem:v27+s13+$0x0], $0xffff  }
0x1f2: {  	v26 =	vadd.s32 v18, v58;
	_ =	sdelay $0x3  }
0x1f3: {  	[tilespmem:v57+s19+$0x0] =	vst.idx.msk $0xffff, v27  }
0x1f4: {  	v59 =	vor.u32 v19, v48;
	v60 =	vadd.s32 v25, v46;
	v26 =	vld.idx.msk [tilespmem:v26+s13+$0x0], $0xffff  }
0x1f5: {  	v25 =	vadd.s32 v20, v60;
	_ =	sdelay $0x3  }
0x1f6: {  	[tilespmem:v59+s19+$0x0] =	vst.idx.msk $0xffff, v26  }
0x1f7: {  	v61 =	vor.u32 v21, v48;
	v62 =	vadd.s32 v24, v46;
	v25 =	vld.idx.msk [tilespmem:v25+s13+$0x0], $0xffff  }
0x1f8: {  	v24 =	vadd.s32 v22, v62;
	_ =	sdelay $0x3  }
0x1f9: {  	[tilespmem:v61+s19+$0x0] =	vst.idx.msk $0xffff, v25  }
0x1fa: {  	s22 =	sadd.s32 $0x1, s22;
	v63 =	vor.u32 v23, v48;
	v24 =	vld.idx.msk [tilespmem:v24+s13+$0x0], $0xffff  }
0x1fb: {  	p0 =	sne.s32 s22, $0x64  }
.Ltmp3:
0x1fc: {  	s23 =	sshll.u32 s23, $0x12;
	(pc) =	sbr.rel @p0 .LBB2_2-.Ltmp3, $4  }
0x1fd: {  	s23 =	sor.u32 s6, s23  }
0x1fe: {  	s23 =	sshrl.u32 s23, $0x3  }
0x1ff: {  	s23 =	sadd.s32 s2, s23;
	[tilespmem:v63+s19+$0x0] =	vst.idx.msk $0xffff, v24  }
0x200: {  	[hbm4b:s23+s16] =	stream.strided.scatter [tilespmem:s19], [sflag:$0x3], $0x2000, s17, s16, $0x38;
	[tilespmem:$0x12600] =	vst v63  }
0x201: {  	s21 =	sadd.s32 $0x1, s21  }
0x202: {  	_ =	swait.ge [sflag:s20], $0x2000;
	p0 =	sne.s32 s21, s7  }
.Ltmp4:
0x203: {  	[sflag:s20] =	ssyncset.done $0x0;
	(pc) =	sbr.rel @p0 .LBB2_1-.Ltmp4, $4  }
0x204: {  	[sflag:s20] =	ssyncadd.s32 $0xFFFFE000  }
0x205: {  	_ =	swait.ge [sflag:s20], $0x2000  }
0x206: {  	[sflag:s20] =	ssyncset.done $0x0  }
0x207: {  	[sflag:s20] =	ssyncadd.s32 $0xFFFFE000  }
0x208: {  	_ =	sfence.sel $0x180000  }
0x209: {  	[bflag:$0x0] =	sbarrier.arrive $0xFFFF  }
0x20a: {  	p0 =	sne.s32 s0, $0x0;
	_ =	strace $0x9000004A  }
0x20b: {  	s0 =	sadd.s32 @!p0 $0x100000, s1;
	[bflag:$0x2] =	sbarrier.arrive $0xFFFF  }
0x20c: {  	[sflag:s0] =	ssyncadd.tile.s32 @!p0 $0x1;
	_ =	shalt  }
.Lfunc_end2:
_tile_overlayer_lowered:
.L_overlay_start_2:
0x20d: {  	(tag) =	ssettag $0x2  }
0x20e: {  	s0 =	rddreg [dreg:$0x0];
	s2 =	stileid.u32  }
0x20f: {  	s1 =	rddreg [dreg:$0x1];
	p0 =	sne.s32 s2, $0x0  }
0x210: {  	s3 =	rddreg [dreg:$0x2];
	[bflag:$0x3] =	sbarrier.arrive $0xFFFF;
	s2 =	simm.s32 @!p0 $0x1C04  }
0x211: {  	[timem:s3], [sflag:s2] =	dma.local @!p0 [hbm:s0], s1  }
0x212: {  	s0 =	simm.s32 @!p0 $0x4  }
0x213: {  	_ =	swait.ge @!p0 [sflag:s0], s1  }
0x214: {  	s1 =	ssub.s32 @!p0 $0x0, s1;
	[sflag:s0] =	ssyncset.done @!p0 $0x0  }
0x215: {  	[sflag:s0] =	ssyncadd.s32 @!p0 s1  }
0x216: {  	[bflag:$0x3] =	sbarrier.arrive $0xFFFF  }
0x217: {  	_ =	shalt  }

</sc_bundles>
